<compile_context>
chip_gen: v7x
topology: tpu7x:2x2x1
jax: 0.10.2.dev20260603
libtpu: 0.0.44.dev20260713+nightly
codegen_flags: <defaults>
</compile_context>

<pallas_src>
import functools

import jax
import jax.numpy as jnp
from jax import lax
from jax.experimental import pallas as pl
from jax.experimental.pallas import tpu as pltpu
from jax.experimental.pallas import tpu_sc as plsc

_NC = 2
_NS = 16
_NW = _NC * _NS
_CHUNK = 128
_L = 16
_NV = _CHUNK // _L


def _dyn_pick(vec, lane):
    idx = jnp.full((_L,), lane, jnp.int32)
    dnums = lax.GatherDimensionNumbers(
        offset_dims=(), collapsed_slice_dims=(0,), start_index_map=(0,))
    return lax.gather(vec, idx[:, None], dnums, slice_sizes=(1,),
                      mode=lax.GatherScatterMode.PROMISE_IN_BOUNDS)


def _sc_scatter(n_rows, c_feat, cpt):
    rows_per_tile = n_rows // _NS
    jf = c_feat // _L

    @functools.partial(
        pl.kernel,
        out_type=jax.ShapeDtypeStruct((_NC, n_rows, c_feat), jnp.float32),
        mesh=plsc.VectorSubcoreMesh(core_axis_name="c", subcore_axis_name="s"),
        compiler_params=pltpu.CompilerParams(
            needs_layout_passes=False, use_tc_tiling_on_sc=False),
        scratch_types=[
            pltpu.VMEM_SHARED((n_rows + _CHUNK, c_feat), jnp.float32),
            pltpu.VMEM((cpt, _CHUNK), jnp.int32),
            pltpu.VMEM((cpt, _CHUNK), jnp.int32),
            pltpu.VMEM((_L + cpt * _CHUNK,), jnp.float32),
            pltpu.VMEM((_CHUNK, c_feat), jnp.float32),
            pltpu.VMEM((_CHUNK, c_feat), jnp.float32),
            pltpu.VMEM((_CHUNK,), jnp.int32),
            pltpu.VMEM((n_rows,), jnp.int32),
            pltpu.SemaphoreType.DMA,
            pltpu.SemaphoreType.DMA,
        ],
    )
    def k(x_hbm, rows_hbm, cols_hbm, vals_hbm, out_hbm,
          acc, cols_all, rows_all, vals_all, g0, g1, rows_v, marker, s0, s1):
        c = lax.axis_index("c")
        s = lax.axis_index("s")
        wid = s * _NC + c
        iota = lax.iota(jnp.int32, _L)
        zero = jnp.zeros((_L,), jnp.float32)

        tb = wid * cpt
        pltpu.sync_copy(cols_hbm.at[pl.ds(tb, cpt)], cols_all)
        pltpu.sync_copy(rows_hbm.at[pl.ds(tb, cpt)], rows_all)
        pltpu.sync_copy(vals_hbm.at[pl.ds(tb * _CHUNK, cpt * _CHUNK)],
                        vals_all.at[pl.ds(_L, cpt * _CHUNK)])

        @pl.loop(0, _CHUNK)
        def _z(r):
            for j in range(jf):
                g0[r, pl.ds(j * _L, _L)] = zero
        row0 = s * rows_per_tile
        for q in range(rows_per_tile // _CHUNK):
            pltpu.sync_copy(g0, acc.at[pl.ds(row0 + q * _CHUNK, _CHUNK)])

        pltpu.async_copy(x_hbm.at[cols_all.at[0]], g0, s0)
        pltpu.async_copy(x_hbm.at[cols_all.at[1]], g1, s1)
        plsc.subcore_barrier()

        def _process(t, g):
            @pl.loop(0, _CHUNK)
            def _scale(e):
                splat = plsc.load_gather(
                    vals_all,
                    [jnp.full((_L,), _L, jnp.int32) + (t * _CHUNK + e)])
                for j in range(jf):
                    g[e, pl.ds(j * _L, _L)] = g[e, pl.ds(j * _L, _L)] * splat
            rvr = [rows_all[t, pl.ds(kk * _L, _L)] for kk in range(_NV)]
            for kk in range(_NV):
                plsc.store_scatter(marker, [rvr[kk]], iota + kk * _L)
            for kk in range(_NV):
                win = plsc.load_gather(marker, [rvr[kk]])
                lose = win != (iota + kk * _L)
                rows_v[pl.ds(kk * _L, _L)] = jnp.where(
                    lose, n_rows + kk * _L + iota, rvr[kk])

                @pl.when(jnp.any(lose))
                def _fix(kk=kk, win=win, lose=lose, g=g):
                    def body(carry):
                        m = carry
                        lane = plsc.all_reduce_ffs(m)
                        e_vec = jnp.full((_L,), kk * _L, jnp.int32) + lane
                        w_vec = _dyn_pick(win, lane)
                        for j in range(jf):
                            coff = iota + j * _L
                            a = plsc.load_gather(g, [w_vec, coff])
                            bb = plsc.load_gather(g, [e_vec, coff])
                            plsc.store_scatter(g, [w_vec, coff], a + bb)
                            plsc.store_scatter(g, [e_vec, coff],
                                               jnp.zeros((_L,), jnp.float32))
                        return m & (iota != lane)

                    lax.while_loop(jnp.any, body, lose)
            pltpu.sync_copy(g, acc.at[rows_v], add=True)

        @pl.loop(0, cpt, step=2)
        def _chunk(t):
            pltpu.make_async_copy(x_hbm.at[cols_all.at[t]], g0, s0).wait()
            _process(t, g0)

            @pl.when(t + 2 < cpt)
            def _pf0():
                pltpu.async_copy(x_hbm.at[cols_all.at[t + 2]], g0, s0)

            t1 = t + 1
            pltpu.make_async_copy(x_hbm.at[cols_all.at[t1]], g1, s1).wait()
            _process(t1, g1)

            @pl.when(t1 + 2 < cpt)
            def _pf1():
                pltpu.async_copy(x_hbm.at[cols_all.at[t1 + 2]], g1, s1)

        plsc.subcore_barrier()
        pltpu.sync_copy(acc.at[pl.ds(row0, rows_per_tile)],
                        out_hbm.at[c, pl.ds(row0, rows_per_tile)])

    return k


def _tc_body(p_ref, wt_ref, b_ref, o_ref):
    acc = p_ref[0] + p_ref[1]
    o_ref[...] = (
        jnp.dot(acc, wt_ref[...], preferred_element_type=jnp.float32)
        + b_ref[...]
    )


def _tc_linear(part, wt, b2):
    _, n, ci = part.shape
    co = wt.shape[1]
    r = 1024
    return pl.pallas_call(
        _tc_body,
        grid=(n // r,),
        in_specs=[
            pl.BlockSpec((2, r, ci), lambda i: (0, i, 0)),
            pl.BlockSpec((ci, co), lambda i: (0, 0)),
            pl.BlockSpec((1, co), lambda i: (0, 0)),
        ],
        out_specs=pl.BlockSpec((r, co), lambda i: (i, 0)),
        out_shape=jax.ShapeDtypeStruct((n, co), jnp.float32),
    )(part, wt, b2)


def kernel(x, F_rows, F_cols, F_vals, W, b):
    n, c_feat = x.shape
    e = F_rows.shape[0]
    cpt = -(-e // (_NW * _CHUNK))
    cpt += cpt % 2
    pad = cpt * _NW * _CHUNK - e
    rows_p = jnp.concatenate([F_rows, jnp.zeros((pad,), F_rows.dtype)])
    cols_p = jnp.concatenate([F_cols, jnp.zeros((pad,), F_cols.dtype)])
    vals_p = jnp.concatenate([F_vals, jnp.zeros((pad,), F_vals.dtype)])
    rows_2d = rows_p.reshape(_NW * cpt, _CHUNK)
    cols_2d = cols_p.reshape(_NW * cpt, _CHUNK)
    part = _sc_scatter(n, c_feat, cpt)(x, rows_2d, cols_2d, vals_p)
    return _tc_linear(part, W.T, b.reshape(1, -1))

# --- scband reference (transcript-rebuilt; emitter-appended) ---
"""Pipeline reference for scband-mesh-conv-21638045237576 (READ-ONLY COPY).

The authoritative reference and input builder live on the scoring server;
editing this copy changes nothing except your own understanding.
"""

import jax, jax.numpy as jnp
import numpy as np

N = 16384
NNZ = 268435
C_IN = 64
C_OUT = 64


def setup_inputs(seed: int = 0) -> dict:
    key = jax.random.key(seed)
    ks = jax.random.split(key, 6)
    x = jax.random.normal(ks[0], (N, C_IN), dtype=jnp.float32)
    # Sparse mesh operator F in COO format (N x N, nnz = NNZ)
    F_rows = jax.random.randint(ks[1], (NNZ,), 0, N, dtype=jnp.int32)
    F_cols = jax.random.randint(ks[2], (NNZ,), 0, N, dtype=jnp.int32)
    F_vals = jax.random.normal(ks[3], (NNZ,), dtype=jnp.float32) * 0.1
    # Linear layer parameters (out_channels, in_channels) + bias
    W = jax.random.normal(ks[4], (C_OUT, C_IN), dtype=jnp.float32) * (1.0 / np.sqrt(C_IN))
    b = jax.random.normal(ks[5], (C_OUT,), dtype=jnp.float32) * 0.01
    return {"x": x, "F_rows": F_rows, "F_cols": F_cols, "F_vals": F_vals, "W": W, "b": b}


def reference(x, F_rows, F_cols, F_vals, W, b):
    # out = torch.sparse.mm(F, x): for each nnz (r, c, v): out[r] += v * x[c]
    gathered = F_vals[:, None] * jnp.take(x, F_cols, axis=0)
    agg = jax.ops.segment_sum(gathered, F_rows, num_segments=N)
    # out = self.w(out)
    return agg @ W.T + b

if __name__ == "__main__":
    import jax
    _d = setup_inputs()
    print(jax.jit(kernel)(*tuple(_d.values())))

</pallas_src>

<mosaic_0001>
#map = affine_map<(d0, d1) -> (0, 0)>
#map1 = affine_map<(d0, d1) -> (0)>
#map2 = affine_map<(d0, d1) -> (0, 0, 0)>
module attributes {stable_mosaic.version = 14 : i64} {
  func.func @k(%arg0: i32, %arg1: i32, %arg2: memref<16384x64xf32, #tpu.memory_space<hbm>>, %arg3: memref<2112x128xi32, #tpu.memory_space<hbm>>, %arg4: memref<2112x128xi32, #tpu.memory_space<hbm>>, %arg5: memref<270336xf32, #tpu.memory_space<hbm>>, %arg6: memref<2x16384x64xf32, #tpu.memory_space<hbm>>, %arg7: memref<16512x64xf32, #tpu.memory_space<vmem_shared>>, %arg8: memref<66x128xi32, #tpu.memory_space<vmem>>, %arg9: memref<66x128xi32, #tpu.memory_space<vmem>>, %arg10: memref<8464xf32, #tpu.memory_space<vmem>>, %arg11: memref<128x64xf32, #tpu.memory_space<vmem>>, %arg12: memref<128x64xf32, #tpu.memory_space<vmem>>, %arg13: memref<128xi32, #tpu.memory_space<vmem>>, %arg14: memref<16384xi32, #tpu.memory_space<vmem>>, %arg15: memref<!tpu.dma_semaphore, #tpu.memory_space<semaphore_mem>>, %arg16: memref<!tpu.dma_semaphore, #tpu.memory_space<semaphore_mem>>) attributes {dimension_semantics = [#tpu.dimension_semantics<core_parallel>, #tpu.dimension_semantics<subcore_parallel>], iteration_bounds = array<i64: 2, 16>, scalar_prefetch = 0 : i64, scratch_operands = 10 : i64, tpu.core_type = #tpu.core_type<sc_vector_subcore>, window_params = [{transform_indices = #map}, {transform_indices = #map}, {transform_indices = #map}, {transform_indices = #map1}, {transform_indices = #map2}]} {
    %mul3A = arith.constant 2 : i32
    %mul3A_0 = arith.muli %arg1, %mul3A : i32
    %add3A = arith.addi %mul3A_0, %arg0 : i32
    %iota3A = tpu.iota {dimensions = array<i32: 0>} : vector<16xi32>
    %broadcast_in_dim3A = arith.constant 0.000000e+00 : f32
    %broadcast_in_dim3A_1 = vector.broadcast %broadcast_in_dim3A : f32 to vector<16xf32>
    %mul3A_2 = arith.constant 66 : i32
    %mul3A_3 = arith.muli %add3A, %mul3A_2 : i32
    "tpu.region"() ({
      %run_scoped3A = tpu.sem_alloc : memref<!tpu.dma_semaphore, #tpu.memory_space<semaphore_mem>>
      %dma_start3A_47 = arith.constant 0 : i32
      %dma_start3A_48 = tpu.memref_slice %arg4[%mul3A_3, %dma_start3A_47] : memref<2112x128xi32, #tpu.memory_space<hbm>> -> memref<66x128xi32, #tpu.memory_space<hbm>>
      %dma_start3A_49 = arith.constant 0 : i32
      %dma_start3A_50 = tpu.memref_slice %arg4[%mul3A_3, %dma_start3A_49] : memref<2112x128xi32, #tpu.memory_space<hbm>> -> memref<66x128xi32, #tpu.memory_space<hbm>>
      tpu.enqueue_dma source(%dma_start3A_50 : memref<66x128xi32, #tpu.memory_space<hbm>>) target(%arg8 : memref<66x128xi32, #tpu.memory_space<vmem>>) target_semaphore(%run_scoped3A : memref<!tpu.dma_semaphore, #tpu.memory_space<semaphore_mem>>)
      %dma_wait3A = arith.constant 0 : i32
      %dma_wait3A_51 = tpu.memref_slice %arg4[%mul3A_3, %dma_wait3A] : memref<2112x128xi32, #tpu.memory_space<hbm>> -> memref<66x128xi32, #tpu.memory_space<hbm>>
      %dma_wait3A_52 = arith.constant 0 : i32
      %dma_wait3A_53 = tpu.memref_slice %arg4[%mul3A_3, %dma_wait3A_52] : memref<2112x128xi32, #tpu.memory_space<hbm>> -> memref<66x128xi32, #tpu.memory_space<hbm>>
      tpu.wait_dma2 semaphore(%run_scoped3A : memref<!tpu.dma_semaphore, #tpu.memory_space<semaphore_mem>>) src(%dma_wait3A_53 : memref<66x128xi32, #tpu.memory_space<hbm>>) dst(%arg8 : memref<66x128xi32, #tpu.memory_space<vmem>>)
      tpu.yield
    }) : () -> ()
    "tpu.region"() ({
      %run_scoped3A = tpu.sem_alloc : memref<!tpu.dma_semaphore, #tpu.memory_space<semaphore_mem>>
      %dma_start3A_47 = arith.constant 0 : i32
      %dma_start3A_48 = tpu.memref_slice %arg3[%mul3A_3, %dma_start3A_47] : memref<2112x128xi32, #tpu.memory_space<hbm>> -> memref<66x128xi32, #tpu.memory_space<hbm>>
      %dma_start3A_49 = arith.constant 0 : i32
      %dma_start3A_50 = tpu.memref_slice %arg3[%mul3A_3, %dma_start3A_49] : memref<2112x128xi32, #tpu.memory_space<hbm>> -> memref<66x128xi32, #tpu.memory_space<hbm>>
      tpu.enqueue_dma source(%dma_start3A_50 : memref<66x128xi32, #tpu.memory_space<hbm>>) target(%arg9 : memref<66x128xi32, #tpu.memory_space<vmem>>) target_semaphore(%run_scoped3A : memref<!tpu.dma_semaphore, #tpu.memory_space<semaphore_mem>>)
      %dma_wait3A = arith.constant 0 : i32
      %dma_wait3A_51 = tpu.memref_slice %arg3[%mul3A_3, %dma_wait3A] : memref<2112x128xi32, #tpu.memory_space<hbm>> -> memref<66x128xi32, #tpu.memory_space<hbm>>
      %dma_wait3A_52 = arith.constant 0 : i32
      %dma_wait3A_53 = tpu.memref_slice %arg3[%mul3A_3, %dma_wait3A_52] : memref<2112x128xi32, #tpu.memory_space<hbm>> -> memref<66x128xi32, #tpu.memory_space<hbm>>
      tpu.wait_dma2 semaphore(%run_scoped3A : memref<!tpu.dma_semaphore, #tpu.memory_space<semaphore_mem>>) src(%dma_wait3A_53 : memref<66x128xi32, #tpu.memory_space<hbm>>) dst(%arg9 : memref<66x128xi32, #tpu.memory_space<vmem>>)
      tpu.yield
    }) : () -> ()
    %mul3A_4 = arith.constant 128 : i32
    %mul3A_5 = arith.muli %mul3A_3, %mul3A_4 : i32
    "tpu.region"() ({
      %run_scoped3A = tpu.sem_alloc : memref<!tpu.dma_semaphore, #tpu.memory_space<semaphore_mem>>
      %dma_start3A_47 = arith.constant 16 : i32
      %dma_start3A_48 = tpu.memref_slice %arg10[%dma_start3A_47] : memref<8464xf32, #tpu.memory_space<vmem>> -> memref<8448xf32, #tpu.memory_space<vmem>>
      %dma_start3A_49 = tpu.memref_slice %arg5[%mul3A_5] : memref<270336xf32, #tpu.memory_space<hbm>> -> memref<8448xf32, #tpu.memory_space<hbm>>
      %dma_start3A_50 = arith.constant 16 : i32
      %dma_start3A_51 = tpu.memref_slice %arg10[%dma_start3A_50] : memref<8464xf32, #tpu.memory_space<vmem>> -> memref<8448xf32, #tpu.memory_space<vmem>>
      %dma_start3A_52 = tpu.memref_slice %arg5[%mul3A_5] : memref<270336xf32, #tpu.memory_space<hbm>> -> memref<8448xf32, #tpu.memory_space<hbm>>
      tpu.enqueue_dma source(%dma_start3A_52 : memref<8448xf32, #tpu.memory_space<hbm>>) target(%dma_start3A_51 : memref<8448xf32, #tpu.memory_space<vmem>>) target_semaphore(%run_scoped3A : memref<!tpu.dma_semaphore, #tpu.memory_space<semaphore_mem>>)
      %dma_wait3A = arith.constant 16 : i32
      %dma_wait3A_53 = tpu.memref_slice %arg10[%dma_wait3A] : memref<8464xf32, #tpu.memory_space<vmem>> -> memref<8448xf32, #tpu.memory_space<vmem>>
      %dma_wait3A_54 = tpu.memref_slice %arg5[%mul3A_5] : memref<270336xf32, #tpu.memory_space<hbm>> -> memref<8448xf32, #tpu.memory_space<hbm>>
      %dma_wait3A_55 = arith.constant 16 : i32
      %dma_wait3A_56 = tpu.memref_slice %arg10[%dma_wait3A_55] : memref<8464xf32, #tpu.memory_space<vmem>> -> memref<8448xf32, #tpu.memory_space<vmem>>
      %dma_wait3A_57 = tpu.memref_slice %arg5[%mul3A_5] : memref<270336xf32, #tpu.memory_space<hbm>> -> memref<8448xf32, #tpu.memory_space<hbm>>
      tpu.wait_dma2 semaphore(%run_scoped3A : memref<!tpu.dma_semaphore, #tpu.memory_space<semaphore_mem>>) src(%dma_wait3A_57 : memref<8448xf32, #tpu.memory_space<hbm>>) dst(%dma_wait3A_56 : memref<8448xf32, #tpu.memory_space<vmem>>)
      tpu.yield
    }) : () -> ()
    %scan3A = arith.constant 0 : i32
    %scan3A_6 = arith.constant 128 : i32
    %scan3A_7 = arith.addi %scan3A, %scan3A_6 : i32
    %scan3A_8 = arith.constant 1 : i32
    scf.for %scan3A_47 = %scan3A to %scan3A_7 step %scan3A_8  : i32 {
      %mul3A_48 = arith.constant 1 : i32
      %mul3A_49 = arith.muli %scan3A_47, %mul3A_48 : i32
      %add3A_50 = arith.constant 0 : i32
      %add3A_51 = arith.addi %add3A_50, %mul3A_49 : i32
      %swap3A = arith.index_cast %add3A_51 : i32 to index
      %swap3A_52 = arith.constant 0 : index
      %swap3A_53 = tpu.vector_load %arg11[%swap3A, %swap3A_52] {strides = array<i32>} : memref<128x64xf32, #tpu.memory_space<vmem>>, vector<16xf32>,
      tpu.vector_store %arg11[%swap3A, %swap3A_52], %broadcast_in_dim3A_1 {strides = array<i32>} : memref<128x64xf32, #tpu.memory_space<vmem>>, vector<16xf32>,
      %swap3A_54 = arith.index_cast %add3A_51 : i32 to index
      %swap3A_55 = arith.constant 16 : index
      %swap3A_56 = tpu.vector_load %arg11[%swap3A_54, %swap3A_55] {strides = array<i32>} : memref<128x64xf32, #tpu.memory_space<vmem>>, vector<16xf32>,
      tpu.vector_store %arg11[%swap3A_54, %swap3A_55], %broadcast_in_dim3A_1 {strides = array<i32>} : memref<128x64xf32, #tpu.memory_space<vmem>>, vector<16xf32>,
      %swap3A_57 = arith.index_cast %add3A_51 : i32 to index
      %swap3A_58 = arith.constant 32 : index
      %swap3A_59 = tpu.vector_load %arg11[%swap3A_57, %swap3A_58] {strides = array<i32>} : memref<128x64xf32, #tpu.memory_space<vmem>>, vector<16xf32>,
      tpu.vector_store %arg11[%swap3A_57, %swap3A_58], %broadcast_in_dim3A_1 {strides = array<i32>} : memref<128x64xf32, #tpu.memory_space<vmem>>, vector<16xf32>,
      %swap3A_60 = arith.index_cast %add3A_51 : i32 to index
      %swap3A_61 = arith.constant 48 : index
      %swap3A_62 = tpu.vector_load %arg11[%swap3A_60, %swap3A_61] {strides = array<i32>} : memref<128x64xf32, #tpu.memory_space<vmem>>, vector<16xf32>,
      tpu.vector_store %arg11[%swap3A_60, %swap3A_61], %broadcast_in_dim3A_1 {strides = array<i32>} : memref<128x64xf32, #tpu.memory_space<vmem>>, vector<16xf32>,
    }
    %scan3A_9 = arith.constant 128 : i32
    %mul3A_10 = arith.constant 1024 : i32
    %mul3A_11 = arith.muli %arg1, %mul3A_10 : i32
    %add3A_12 = arith.constant 0 : i32
    %add3A_13 = arith.addi %mul3A_11, %add3A_12 : i32
    "tpu.region"() ({
      %run_scoped3A = tpu.sem_alloc : memref<!tpu.dma_semaphore, #tpu.memory_space<semaphore_mem>>
      %dma_start3A_47 = arith.constant 0 : i32
      %dma_start3A_48 = tpu.memref_slice %arg7[%add3A_13, %dma_start3A_47] : memref<16512x64xf32, #tpu.memory_space<vmem_shared>> -> memref<128x64xf32, #tpu.memory_space<vmem_shared>>
      %dma_start3A_49 = arith.constant 0 : i32
      %dma_start3A_50 = tpu.memref_slice %arg7[%add3A_13, %dma_start3A_49] : memref<16512x64xf32, #tpu.memory_space<vmem_shared>> -> memref<128x64xf32, #tpu.memory_space<vmem_shared>>
      tpu.enqueue_dma source(%arg11 : memref<128x64xf32, #tpu.memory_space<vmem>>) target(%dma_start3A_50 : memref<128x64xf32, #tpu.memory_space<vmem_shared>>) target_semaphore(%run_scoped3A : memref<!tpu.dma_semaphore, #tpu.memory_space<semaphore_mem>>)
      %dma_wait3A = arith.constant 0 : i32
      %dma_wait3A_51 = tpu.memref_slice %arg7[%add3A_13, %dma_wait3A] : memref<16512x64xf32, #tpu.memory_space<vmem_shared>> -> memref<128x64xf32, #tpu.memory_space<vmem_shared>>
      %dma_wait3A_52 = arith.constant 0 : i32
      %dma_wait3A_53 = tpu.memref_slice %arg7[%add3A_13, %dma_wait3A_52] : memref<16512x64xf32, #tpu.memory_space<vmem_shared>> -> memref<128x64xf32, #tpu.memory_space<vmem_shared>>
      tpu.wait_dma2 semaphore(%run_scoped3A : memref<!tpu.dma_semaphore, #tpu.memory_space<semaphore_mem>>) src(%arg11 : memref<128x64xf32, #tpu.memory_space<vmem>>) dst(%dma_wait3A_53 : memref<128x64xf32, #tpu.memory_space<vmem_shared>>)
      tpu.yield
    }) : () -> ()
    %add3A_14 = arith.constant 128 : i32
    %add3A_15 = arith.addi %mul3A_11, %add3A_14 : i32
    "tpu.region"() ({
      %run_scoped3A = tpu.sem_alloc : memref<!tpu.dma_semaphore, #tpu.memory_space<semaphore_mem>>
      %dma_start3A_47 = arith.constant 0 : i32
      %dma_start3A_48 = tpu.memref_slice %arg7[%add3A_15, %dma_start3A_47] : memref<16512x64xf32, #tpu.memory_space<vmem_shared>> -> memref<128x64xf32, #tpu.memory_space<vmem_shared>>
      %dma_start3A_49 = arith.constant 0 : i32
      %dma_start3A_50 = tpu.memref_slice %arg7[%add3A_15, %dma_start3A_49] : memref<16512x64xf32, #tpu.memory_space<vmem_shared>> -> memref<128x64xf32, #tpu.memory_space<vmem_shared>>
      tpu.enqueue_dma source(%arg11 : memref<128x64xf32, #tpu.memory_space<vmem>>) target(%dma_start3A_50 : memref<128x64xf32, #tpu.memory_space<vmem_shared>>) target_semaphore(%run_scoped3A : memref<!tpu.dma_semaphore, #tpu.memory_space<semaphore_mem>>)
      %dma_wait3A = arith.constant 0 : i32
      %dma_wait3A_51 = tpu.memref_slice %arg7[%add3A_15, %dma_wait3A] : memref<16512x64xf32, #tpu.memory_space<vmem_shared>> -> memref<128x64xf32, #tpu.memory_space<vmem_shared>>
      %dma_wait3A_52 = arith.constant 0 : i32
      %dma_wait3A_53 = tpu.memref_slice %arg7[%add3A_15, %dma_wait3A_52] : memref<16512x64xf32, #tpu.memory_space<vmem_shared>> -> memref<128x64xf32, #tpu.memory_space<vmem_shared>>
      tpu.wait_dma2 semaphore(%run_scoped3A : memref<!tpu.dma_semaphore, #tpu.memory_space<semaphore_mem>>) src(%arg11 : memref<128x64xf32, #tpu.memory_space<vmem>>) dst(%dma_wait3A_53 : memref<128x64xf32, #tpu.memory_space<vmem_shared>>)
      tpu.yield
    }) : () -> ()
    %add3A_16 = arith.constant 256 : i32
    %add3A_17 = arith.addi %mul3A_11, %add3A_16 : i32
    "tpu.region"() ({
      %run_scoped3A = tpu.sem_alloc : memref<!tpu.dma_semaphore, #tpu.memory_space<semaphore_mem>>
      %dma_start3A_47 = arith.constant 0 : i32
      %dma_start3A_48 = tpu.memref_slice %arg7[%add3A_17, %dma_start3A_47] : memref<16512x64xf32, #tpu.memory_space<vmem_shared>> -> memref<128x64xf32, #tpu.memory_space<vmem_shared>>
      %dma_start3A_49 = arith.constant 0 : i32
      %dma_start3A_50 = tpu.memref_slice %arg7[%add3A_17, %dma_start3A_49] : memref<16512x64xf32, #tpu.memory_space<vmem_shared>> -> memref<128x64xf32, #tpu.memory_space<vmem_shared>>
      tpu.enqueue_dma source(%arg11 : memref<128x64xf32, #tpu.memory_space<vmem>>) target(%dma_start3A_50 : memref<128x64xf32, #tpu.memory_space<vmem_shared>>) target_semaphore(%run_scoped3A : memref<!tpu.dma_semaphore, #tpu.memory_space<semaphore_mem>>)
      %dma_wait3A = arith.constant 0 : i32
      %dma_wait3A_51 = tpu.memref_slice %arg7[%add3A_17, %dma_wait3A] : memref<16512x64xf32, #tpu.memory_space<vmem_shared>> -> memref<128x64xf32, #tpu.memory_space<vmem_shared>>
      %dma_wait3A_52 = arith.constant 0 : i32
      %dma_wait3A_53 = tpu.memref_slice %arg7[%add3A_17, %dma_wait3A_52] : memref<16512x64xf32, #tpu.memory_space<vmem_shared>> -> memref<128x64xf32, #tpu.memory_space<vmem_shared>>
      tpu.wait_dma2 semaphore(%run_scoped3A : memref<!tpu.dma_semaphore, #tpu.memory_space<semaphore_mem>>) src(%arg11 : memref<128x64xf32, #tpu.memory_space<vmem>>) dst(%dma_wait3A_53 : memref<128x64xf32, #tpu.memory_space<vmem_shared>>)
      tpu.yield
    }) : () -> ()
    %add3A_18 = arith.constant 384 : i32
    %add3A_19 = arith.addi %mul3A_11, %add3A_18 : i32
    "tpu.region"() ({
      %run_scoped3A = tpu.sem_alloc : memref<!tpu.dma_semaphore, #tpu.memory_space<semaphore_mem>>
      %dma_start3A_47 = arith.constant 0 : i32
      %dma_start3A_48 = tpu.memref_slice %arg7[%add3A_19, %dma_start3A_47] : memref<16512x64xf32, #tpu.memory_space<vmem_shared>> -> memref<128x64xf32, #tpu.memory_space<vmem_shared>>
      %dma_start3A_49 = arith.constant 0 : i32
      %dma_start3A_50 = tpu.memref_slice %arg7[%add3A_19, %dma_start3A_49] : memref<16512x64xf32, #tpu.memory_space<vmem_shared>> -> memref<128x64xf32, #tpu.memory_space<vmem_shared>>
      tpu.enqueue_dma source(%arg11 : memref<128x64xf32, #tpu.memory_space<vmem>>) target(%dma_start3A_50 : memref<128x64xf32, #tpu.memory_space<vmem_shared>>) target_semaphore(%run_scoped3A : memref<!tpu.dma_semaphore, #tpu.memory_space<semaphore_mem>>)
      %dma_wait3A = arith.constant 0 : i32
      %dma_wait3A_51 = tpu.memref_slice %arg7[%add3A_19, %dma_wait3A] : memref<16512x64xf32, #tpu.memory_space<vmem_shared>> -> memref<128x64xf32, #tpu.memory_space<vmem_shared>>
      %dma_wait3A_52 = arith.constant 0 : i32
      %dma_wait3A_53 = tpu.memref_slice %arg7[%add3A_19, %dma_wait3A_52] : memref<16512x64xf32, #tpu.memory_space<vmem_shared>> -> memref<128x64xf32, #tpu.memory_space<vmem_shared>>
      tpu.wait_dma2 semaphore(%run_scoped3A : memref<!tpu.dma_semaphore, #tpu.memory_space<semaphore_mem>>) src(%arg11 : memref<128x64xf32, #tpu.memory_space<vmem>>) dst(%dma_wait3A_53 : memref<128x64xf32, #tpu.memory_space<vmem_shared>>)
      tpu.yield
    }) : () -> ()
    %add3A_20 = arith.constant 512 : i32
    %add3A_21 = arith.addi %mul3A_11, %add3A_20 : i32
    "tpu.region"() ({
      %run_scoped3A = tpu.sem_alloc : memref<!tpu.dma_semaphore, #tpu.memory_space<semaphore_mem>>
      %dma_start3A_47 = arith.constant 0 : i32
      %dma_start3A_48 = tpu.memref_slice %arg7[%add3A_21, %dma_start3A_47] : memref<16512x64xf32, #tpu.memory_space<vmem_shared>> -> memref<128x64xf32, #tpu.memory_space<vmem_shared>>
      %dma_start3A_49 = arith.constant 0 : i32
      %dma_start3A_50 = tpu.memref_slice %arg7[%add3A_21, %dma_start3A_49] : memref<16512x64xf32, #tpu.memory_space<vmem_shared>> -> memref<128x64xf32, #tpu.memory_space<vmem_shared>>
      tpu.enqueue_dma source(%arg11 : memref<128x64xf32, #tpu.memory_space<vmem>>) target(%dma_start3A_50 : memref<128x64xf32, #tpu.memory_space<vmem_shared>>) target_semaphore(%run_scoped3A : memref<!tpu.dma_semaphore, #tpu.memory_space<semaphore_mem>>)
      %dma_wait3A = arith.constant 0 : i32
      %dma_wait3A_51 = tpu.memref_slice %arg7[%add3A_21, %dma_wait3A] : memref<16512x64xf32, #tpu.memory_space<vmem_shared>> -> memref<128x64xf32, #tpu.memory_space<vmem_shared>>
      %dma_wait3A_52 = arith.constant 0 : i32
      %dma_wait3A_53 = tpu.memref_slice %arg7[%add3A_21, %dma_wait3A_52] : memref<16512x64xf32, #tpu.memory_space<vmem_shared>> -> memref<128x64xf32, #tpu.memory_space<vmem_shared>>
      tpu.wait_dma2 semaphore(%run_scoped3A : memref<!tpu.dma_semaphore, #tpu.memory_space<semaphore_mem>>) src(%arg11 : memref<128x64xf32, #tpu.memory_space<vmem>>) dst(%dma_wait3A_53 : memref<128x64xf32, #tpu.memory_space<vmem_shared>>)
      tpu.yield
    }) : () -> ()
    %add3A_22 = arith.constant 640 : i32
    %add3A_23 = arith.addi %mul3A_11, %add3A_22 : i32
    "tpu.region"() ({
      %run_scoped3A = tpu.sem_alloc : memref<!tpu.dma_semaphore, #tpu.memory_space<semaphore_mem>>
      %dma_start3A_47 = arith.constant 0 : i32
      %dma_start3A_48 = tpu.memref_slice %arg7[%add3A_23, %dma_start3A_47] : memref<16512x64xf32, #tpu.memory_space<vmem_shared>> -> memref<128x64xf32, #tpu.memory_space<vmem_shared>>
      %dma_start3A_49 = arith.constant 0 : i32
      %dma_start3A_50 = tpu.memref_slice %arg7[%add3A_23, %dma_start3A_49] : memref<16512x64xf32, #tpu.memory_space<vmem_shared>> -> memref<128x64xf32, #tpu.memory_space<vmem_shared>>
      tpu.enqueue_dma source(%arg11 : memref<128x64xf32, #tpu.memory_space<vmem>>) target(%dma_start3A_50 : memref<128x64xf32, #tpu.memory_space<vmem_shared>>) target_semaphore(%run_scoped3A : memref<!tpu.dma_semaphore, #tpu.memory_space<semaphore_mem>>)
      %dma_wait3A = arith.constant 0 : i32
      %dma_wait3A_51 = tpu.memref_slice %arg7[%add3A_23, %dma_wait3A] : memref<16512x64xf32, #tpu.memory_space<vmem_shared>> -> memref<128x64xf32, #tpu.memory_space<vmem_shared>>
      %dma_wait3A_52 = arith.constant 0 : i32
      %dma_wait3A_53 = tpu.memref_slice %arg7[%add3A_23, %dma_wait3A_52] : memref<16512x64xf32, #tpu.memory_space<vmem_shared>> -> memref<128x64xf32, #tpu.memory_space<vmem_shared>>
      tpu.wait_dma2 semaphore(%run_scoped3A : memref<!tpu.dma_semaphore, #tpu.memory_space<semaphore_mem>>) src(%arg11 : memref<128x64xf32, #tpu.memory_space<vmem>>) dst(%dma_wait3A_53 : memref<128x64xf32, #tpu.memory_space<vmem_shared>>)
      tpu.yield
    }) : () -> ()
    %add3A_24 = arith.constant 768 : i32
    %add3A_25 = arith.addi %mul3A_11, %add3A_24 : i32
    "tpu.region"() ({
      %run_scoped3A = tpu.sem_alloc : memref<!tpu.dma_semaphore, #tpu.memory_space<semaphore_mem>>
      %dma_start3A_47 = arith.constant 0 : i32
      %dma_start3A_48 = tpu.memref_slice %arg7[%add3A_25, %dma_start3A_47] : memref<16512x64xf32, #tpu.memory_space<vmem_shared>> -> memref<128x64xf32, #tpu.memory_space<vmem_shared>>
      %dma_start3A_49 = arith.constant 0 : i32
      %dma_start3A_50 = tpu.memref_slice %arg7[%add3A_25, %dma_start3A_49] : memref<16512x64xf32, #tpu.memory_space<vmem_shared>> -> memref<128x64xf32, #tpu.memory_space<vmem_shared>>
      tpu.enqueue_dma source(%arg11 : memref<128x64xf32, #tpu.memory_space<vmem>>) target(%dma_start3A_50 : memref<128x64xf32, #tpu.memory_space<vmem_shared>>) target_semaphore(%run_scoped3A : memref<!tpu.dma_semaphore, #tpu.memory_space<semaphore_mem>>)
      %dma_wait3A = arith.constant 0 : i32
      %dma_wait3A_51 = tpu.memref_slice %arg7[%add3A_25, %dma_wait3A] : memref<16512x64xf32, #tpu.memory_space<vmem_shared>> -> memref<128x64xf32, #tpu.memory_space<vmem_shared>>
      %dma_wait3A_52 = arith.constant 0 : i32
      %dma_wait3A_53 = tpu.memref_slice %arg7[%add3A_25, %dma_wait3A_52] : memref<16512x64xf32, #tpu.memory_space<vmem_shared>> -> memref<128x64xf32, #tpu.memory_space<vmem_shared>>
      tpu.wait_dma2 semaphore(%run_scoped3A : memref<!tpu.dma_semaphore, #tpu.memory_space<semaphore_mem>>) src(%arg11 : memref<128x64xf32, #tpu.memory_space<vmem>>) dst(%dma_wait3A_53 : memref<128x64xf32, #tpu.memory_space<vmem_shared>>)
      tpu.yield
    }) : () -> ()
    %add3A_26 = arith.constant 896 : i32
    %add3A_27 = arith.addi %mul3A_11, %add3A_26 : i32
    "tpu.region"() ({
      %run_scoped3A = tpu.sem_alloc : memref<!tpu.dma_semaphore, #tpu.memory_space<semaphore_mem>>
      %dma_start3A_47 = arith.constant 0 : i32
      %dma_start3A_48 = tpu.memref_slice %arg7[%add3A_27, %dma_start3A_47] : memref<16512x64xf32, #tpu.memory_space<vmem_shared>> -> memref<128x64xf32, #tpu.memory_space<vmem_shared>>
      %dma_start3A_49 = arith.constant 0 : i32
      %dma_start3A_50 = tpu.memref_slice %arg7[%add3A_27, %dma_start3A_49] : memref<16512x64xf32, #tpu.memory_space<vmem_shared>> -> memref<128x64xf32, #tpu.memory_space<vmem_shared>>
      tpu.enqueue_dma source(%arg11 : memref<128x64xf32, #tpu.memory_space<vmem>>) target(%dma_start3A_50 : memref<128x64xf32, #tpu.memory_space<vmem_shared>>) target_semaphore(%run_scoped3A : memref<!tpu.dma_semaphore, #tpu.memory_space<semaphore_mem>>)
      %dma_wait3A = arith.constant 0 : i32
      %dma_wait3A_51 = tpu.memref_slice %arg7[%add3A_27, %dma_wait3A] : memref<16512x64xf32, #tpu.memory_space<vmem_shared>> -> memref<128x64xf32, #tpu.memory_space<vmem_shared>>
      %dma_wait3A_52 = arith.constant 0 : i32
      %dma_wait3A_53 = tpu.memref_slice %arg7[%add3A_27, %dma_wait3A_52] : memref<16512x64xf32, #tpu.memory_space<vmem_shared>> -> memref<128x64xf32, #tpu.memory_space<vmem_shared>>
      tpu.wait_dma2 semaphore(%run_scoped3A : memref<!tpu.dma_semaphore, #tpu.memory_space<semaphore_mem>>) src(%arg11 : memref<128x64xf32, #tpu.memory_space<vmem>>) dst(%dma_wait3A_53 : memref<128x64xf32, #tpu.memory_space<vmem_shared>>)
      tpu.yield
    }) : () -> ()
    %dma_start3A = arith.constant 0 : i32
    %dma_start3A_28 = arith.constant 0 : i32
    %dma_start3A_29 = tpu.memref_slice %arg8[%dma_start3A, %dma_start3A_28] : memref<66x128xi32, #tpu.memory_space<vmem>> -> memref<1x128xi32, #tpu.memory_space<vmem>>
    %dma_start3A_30 = tpu.memref_squeeze %dma_start3A_29 : memref<1x128xi32, #tpu.memory_space<vmem>> -> memref<128xi32, #tpu.memory_space<vmem>>
    %dma_start3A_31 = arith.constant 0 : i32
    %dma_start3A_32 = arith.constant 0 : i32
    %dma_start3A_33 = tpu.memref_slice %arg2[%dma_start3A_31, %dma_start3A_32] : memref<16384x64xf32, #tpu.memory_space<hbm>> -> memref<16384x64xf32, #tpu.memory_space<hbm>>
    tpu.enqueue_indirect_dma source(%dma_start3A_33 : memref<16384x64xf32, #tpu.memory_space<hbm>>) target(%arg11 : memref<128x64xf32, #tpu.memory_space<vmem>>) offsets(%dma_start3A_30 : memref<128xi32, #tpu.memory_space<vmem>>) semaphore(%arg15 : memref<!tpu.dma_semaphore, #tpu.memory_space<semaphore_mem>>)
    %dma_start3A_34 = arith.constant 1 : i32
    %dma_start3A_35 = arith.constant 0 : i32
    %dma_start3A_36 = tpu.memref_slice %arg8[%dma_start3A_34, %dma_start3A_35] : memref<66x128xi32, #tpu.memory_space<vmem>> -> memref<1x128xi32, #tpu.memory_space<vmem>>
    %dma_start3A_37 = tpu.memref_squeeze %dma_start3A_36 : memref<1x128xi32, #tpu.memory_space<vmem>> -> memref<128xi32, #tpu.memory_space<vmem>>
    %dma_start3A_38 = arith.constant 0 : i32
    %dma_start3A_39 = arith.constant 0 : i32
    %dma_start3A_40 = tpu.memref_slice %arg2[%dma_start3A_38, %dma_start3A_39] : memref<16384x64xf32, #tpu.memory_space<hbm>> -> memref<16384x64xf32, #tpu.memory_space<hbm>>
    tpu.enqueue_indirect_dma source(%dma_start3A_40 : memref<16384x64xf32, #tpu.memory_space<hbm>>) target(%arg12 : memref<128x64xf32, #tpu.memory_space<vmem>>) offsets(%dma_start3A_37 : memref<128xi32, #tpu.memory_space<vmem>>) semaphore(%arg16 : memref<!tpu.dma_semaphore, #tpu.memory_space<semaphore_mem>>)
    %barrier3A = arith.constant 0 : index
    tpu.barrier barrier_id(%barrier3A)
    %scan3A_41 = arith.constant 0 : i32
    %scan3A_42 = arith.constant 33 : i32
    %scan3A_43 = arith.addi %scan3A_41, %scan3A_42 : i32
    %scan3A_44 = arith.constant 1 : i32
    scf.for %scan3A_47 = %scan3A_41 to %scan3A_43 step %scan3A_44  : i32 {
      %mul3A_48 = arith.constant 2 : i32
      %mul3A_49 = arith.muli %scan3A_47, %mul3A_48 : i32
      %add3A_50 = arith.constant 0 : i32
      %add3A_51 = arith.addi %add3A_50, %mul3A_49 : i32
      %dma_wait3A = arith.constant 0 : i32
      %dma_wait3A_52 = tpu.memref_slice %arg8[%add3A_51, %dma_wait3A] : memref<66x128xi32, #tpu.memory_space<vmem>> -> memref<1x128xi32, #tpu.memory_space<vmem>>
      %dma_wait3A_53 = tpu.memref_squeeze %dma_wait3A_52 : memref<1x128xi32, #tpu.memory_space<vmem>> -> memref<128xi32, #tpu.memory_space<vmem>>
      %dma_wait3A_54 = arith.constant 0 : i32
      %dma_wait3A_55 = arith.constant 0 : i32
      %dma_wait3A_56 = tpu.memref_slice %arg2[%dma_wait3A_54, %dma_wait3A_55] : memref<16384x64xf32, #tpu.memory_space<hbm>> -> memref<16384x64xf32, #tpu.memory_space<hbm>>
      tpu.wait_indirect_dma semaphore(%arg15 : memref<!tpu.dma_semaphore, #tpu.memory_space<semaphore_mem>>) src(%dma_wait3A_56 : memref<16384x64xf32, #tpu.memory_space<hbm>>) dst(%arg11 : memref<128x64xf32, #tpu.memory_space<vmem>>)
      %scan3A_57 = arith.constant 0 : i32
      %scan3A_58 = arith.constant 128 : i32
      %scan3A_59 = arith.addi %scan3A_57, %scan3A_58 : i32
      %scan3A_60 = arith.constant 1 : i32
      scf.for %scan3A_576 = %scan3A_57 to %scan3A_59 step %scan3A_60  : i32 {
        %mul3A_577 = arith.constant 1 : i32
        %mul3A_578 = arith.muli %scan3A_576, %mul3A_577 : i32
        %add3A_579 = arith.constant 0 : i32
        %add3A_580 = arith.addi %add3A_579, %mul3A_578 : i32
        %broadcast_in_dim3A_581 = arith.constant 16 : i32
        %broadcast_in_dim3A_582 = vector.broadcast %broadcast_in_dim3A_581 : i32 to vector<16xi32>
        %mul3A_583 = arith.constant 128 : i32
        %mul3A_584 = arith.muli %add3A_51, %mul3A_583 : i32
        %add3A_585 = arith.addi %mul3A_584, %add3A_580 : i32
        %add3A_586 = vector.broadcast %add3A_585 : i32 to vector<16xi32>
        %add3A_587 = arith.addi %broadcast_in_dim3A_582, %add3A_586 : vector<16xi32>
        %gather3A_588 = tpu.vector_load_idx %arg10[%add3A_587] : memref<8464xf32, #tpu.memory_space<vmem>>[vector<16xi32>], vector<16xf32>,
        %get3A_589 = arith.index_cast %add3A_580 : i32 to index
        %get3A_590 = arith.constant 0 : index
        %get3A_591 = tpu.vector_load %arg11[%get3A_589, %get3A_590] {strides = array<i32>} : memref<128x64xf32, #tpu.memory_space<vmem>>, vector<16xf32>,
        %mul3A_592 = arith.mulf %get3A_591, %gather3A_588 : vector<16xf32>
        %swap3A_593 = arith.index_cast %add3A_580 : i32 to index
        %swap3A_594 = arith.constant 0 : index
        %swap3A_595 = tpu.vector_load %arg11[%swap3A_593, %swap3A_594] {strides = array<i32>} : memref<128x64xf32, #tpu.memory_space<vmem>>, vector<16xf32>,
        tpu.vector_store %arg11[%swap3A_593, %swap3A_594], %mul3A_592 {strides = array<i32>} : memref<128x64xf32, #tpu.memory_space<vmem>>, vector<16xf32>,
        %get3A_596 = arith.index_cast %add3A_580 : i32 to index
        %get3A_597 = arith.constant 16 : index
        %get3A_598 = tpu.vector_load %arg11[%get3A_596, %get3A_597] {strides = array<i32>} : memref<128x64xf32, #tpu.memory_space<vmem>>, vector<16xf32>,
        %mul3A_599 = arith.mulf %get3A_598, %gather3A_588 : vector<16xf32>
        %swap3A_600 = arith.index_cast %add3A_580 : i32 to index
        %swap3A_601 = arith.constant 16 : index
        %swap3A_602 = tpu.vector_load %arg11[%swap3A_600, %swap3A_601] {strides = array<i32>} : memref<128x64xf32, #tpu.memory_space<vmem>>, vector<16xf32>,
        tpu.vector_store %arg11[%swap3A_600, %swap3A_601], %mul3A_599 {strides = array<i32>} : memref<128x64xf32, #tpu.memory_space<vmem>>, vector<16xf32>,
        %get3A_603 = arith.index_cast %add3A_580 : i32 to index
        %get3A_604 = arith.constant 32 : index
        %get3A_605 = tpu.vector_load %arg11[%get3A_603, %get3A_604] {strides = array<i32>} : memref<128x64xf32, #tpu.memory_space<vmem>>, vector<16xf32>,
        %mul3A_606 = arith.mulf %get3A_605, %gather3A_588 : vector<16xf32>
        %swap3A_607 = arith.index_cast %add3A_580 : i32 to index
        %swap3A_608 = arith.constant 32 : index
        %swap3A_609 = tpu.vector_load %arg11[%swap3A_607, %swap3A_608] {strides = array<i32>} : memref<128x64xf32, #tpu.memory_space<vmem>>, vector<16xf32>,
        tpu.vector_store %arg11[%swap3A_607, %swap3A_608], %mul3A_606 {strides = array<i32>} : memref<128x64xf32, #tpu.memory_space<vmem>>, vector<16xf32>,
        %get3A_610 = arith.index_cast %add3A_580 : i32 to index
        %get3A_611 = arith.constant 48 : index
        %get3A_612 = tpu.vector_load %arg11[%get3A_610, %get3A_611] {strides = array<i32>} : memref<128x64xf32, #tpu.memory_space<vmem>>, vector<16xf32>,
        %mul3A_613 = arith.mulf %get3A_612, %gather3A_588 : vector<16xf32>
        %swap3A_614 = arith.index_cast %add3A_580 : i32 to index
        %swap3A_615 = arith.constant 48 : index
        %swap3A_616 = tpu.vector_load %arg11[%swap3A_614, %swap3A_615] {strides = array<i32>} : memref<128x64xf32, #tpu.memory_space<vmem>>, vector<16xf32>,
        tpu.vector_store %arg11[%swap3A_614, %swap3A_615], %mul3A_613 {strides = array<i32>} : memref<128x64xf32, #tpu.memory_space<vmem>>, vector<16xf32>,
      }
      %scan3A_61 = arith.constant 128 : i32
      %get3A = arith.index_cast %add3A_51 : i32 to index
      %get3A_62 = arith.constant 0 : index
      %get3A_63 = tpu.vector_load %arg9[%get3A, %get3A_62] {strides = array<i32>} : memref<66x128xi32, #tpu.memory_space<vmem>>, vector<16xi32>,
      %get3A_64 = arith.index_cast %add3A_51 : i32 to index
      %get3A_65 = arith.constant 16 : index
      %get3A_66 = tpu.vector_load %arg9[%get3A_64, %get3A_65] {strides = array<i32>} : memref<66x128xi32, #tpu.memory_space<vmem>>, vector<16xi32>,
      %get3A_67 = arith.index_cast %add3A_51 : i32 to index
      %get3A_68 = arith.constant 32 : index
      %get3A_69 = tpu.vector_load %arg9[%get3A_67, %get3A_68] {strides = array<i32>} : memref<66x128xi32, #tpu.memory_space<vmem>>, vector<16xi32>,
      %get3A_70 = arith.index_cast %add3A_51 : i32 to index
      %get3A_71 = arith.constant 48 : index
      %get3A_72 = tpu.vector_load %arg9[%get3A_70, %get3A_71] {strides = array<i32>} : memref<66x128xi32, #tpu.memory_space<vmem>>, vector<16xi32>,
      %get3A_73 = arith.index_cast %add3A_51 : i32 to index
      %get3A_74 = arith.constant 64 : index
      %get3A_75 = tpu.vector_load %arg9[%get3A_73, %get3A_74] {strides = array<i32>} : memref<66x128xi32, #tpu.memory_space<vmem>>, vector<16xi32>,
      %get3A_76 = arith.index_cast %add3A_51 : i32 to index
      %get3A_77 = arith.constant 80 : index
      %get3A_78 = tpu.vector_load %arg9[%get3A_76, %get3A_77] {strides = array<i32>} : memref<66x128xi32, #tpu.memory_space<vmem>>, vector<16xi32>,
      %get3A_79 = arith.index_cast %add3A_51 : i32 to index
      %get3A_80 = arith.constant 96 : index
      %get3A_81 = tpu.vector_load %arg9[%get3A_79, %get3A_80] {strides = array<i32>} : memref<66x128xi32, #tpu.memory_space<vmem>>, vector<16xi32>,
      %get3A_82 = arith.index_cast %add3A_51 : i32 to index
      %get3A_83 = arith.constant 112 : index
      %get3A_84 = tpu.vector_load %arg9[%get3A_82, %get3A_83] {strides = array<i32>} : memref<66x128xi32, #tpu.memory_space<vmem>>, vector<16xi32>,
      %add3A_85 = arith.constant 0 : i32
      %add3A_86 = vector.broadcast %add3A_85 : i32 to vector<16xi32>
      %add3A_87 = arith.addi %iota3A, %add3A_86 : vector<16xi32>
      tpu.vector_store_idx %arg14[%get3A_63], %add3A_87 : memref<16384xi32, #tpu.memory_space<vmem>>[vector<16xi32>], vector<16xi32>,
      %add3A_88 = arith.constant 16 : i32
      %add3A_89 = vector.broadcast %add3A_88 : i32 to vector<16xi32>
      %add3A_90 = arith.addi %iota3A, %add3A_89 : vector<16xi32>
      tpu.vector_store_idx %arg14[%get3A_66], %add3A_90 : memref<16384xi32, #tpu.memory_space<vmem>>[vector<16xi32>], vector<16xi32>,
      %add3A_91 = arith.constant 32 : i32
      %add3A_92 = vector.broadcast %add3A_91 : i32 to vector<16xi32>
      %add3A_93 = arith.addi %iota3A, %add3A_92 : vector<16xi32>
      tpu.vector_store_idx %arg14[%get3A_69], %add3A_93 : memref<16384xi32, #tpu.memory_space<vmem>>[vector<16xi32>], vector<16xi32>,
      %add3A_94 = arith.constant 48 : i32
      %add3A_95 = vector.broadcast %add3A_94 : i32 to vector<16xi32>
      %add3A_96 = arith.addi %iota3A, %add3A_95 : vector<16xi32>
      tpu.vector_store_idx %arg14[%get3A_72], %add3A_96 : memref<16384xi32, #tpu.memory_space<vmem>>[vector<16xi32>], vector<16xi32>,
      %add3A_97 = arith.constant 64 : i32
      %add3A_98 = vector.broadcast %add3A_97 : i32 to vector<16xi32>
      %add3A_99 = arith.addi %iota3A, %add3A_98 : vector<16xi32>
      tpu.vector_store_idx %arg14[%get3A_75], %add3A_99 : memref<16384xi32, #tpu.memory_space<vmem>>[vector<16xi32>], vector<16xi32>,
      %add3A_100 = arith.constant 80 : i32
      %add3A_101 = vector.broadcast %add3A_100 : i32 to vector<16xi32>
      %add3A_102 = arith.addi %iota3A, %add3A_101 : vector<16xi32>
      tpu.vector_store_idx %arg14[%get3A_78], %add3A_102 : memref<16384xi32, #tpu.memory_space<vmem>>[vector<16xi32>], vector<16xi32>,
      %add3A_103 = arith.constant 96 : i32
      %add3A_104 = vector.broadcast %add3A_103 : i32 to vector<16xi32>
      %add3A_105 = arith.addi %iota3A, %add3A_104 : vector<16xi32>
      tpu.vector_store_idx %arg14[%get3A_81], %add3A_105 : memref<16384xi32, #tpu.memory_space<vmem>>[vector<16xi32>], vector<16xi32>,
      %add3A_106 = arith.constant 112 : i32
      %add3A_107 = vector.broadcast %add3A_106 : i32 to vector<16xi32>
      %add3A_108 = arith.addi %iota3A, %add3A_107 : vector<16xi32>
      tpu.vector_store_idx %arg14[%get3A_84], %add3A_108 : memref<16384xi32, #tpu.memory_space<vmem>>[vector<16xi32>], vector<16xi32>,
      %gather3A = tpu.vector_load_idx %arg14[%get3A_63] : memref<16384xi32, #tpu.memory_space<vmem>>[vector<16xi32>], vector<16xi32>,
      %add3A_109 = arith.constant 0 : i32
      %add3A_110 = vector.broadcast %add3A_109 : i32 to vector<16xi32>
      %add3A_111 = arith.addi %iota3A, %add3A_110 : vector<16xi32>
      %ne3A = arith.cmpi ne, %gather3A, %add3A_111 : vector<16xi32>
      %add3A_112 = arith.constant 16384 : i32
      %add3A_113 = vector.broadcast %add3A_112 : i32 to vector<16xi32>
      %add3A_114 = arith.addi %add3A_113, %iota3A : vector<16xi32>
      %select_n3A = arith.select %ne3A, %add3A_114, %get3A_63 : vector<16xi1>, vector<16xi32>
      %swap3A = arith.constant 0 : index
      %swap3A_115 = tpu.vector_load %arg13[%swap3A] {strides = array<i32>} : memref<128xi32, #tpu.memory_space<vmem>>, vector<16xi32>,
      tpu.vector_store %arg13[%swap3A], %select_n3A {strides = array<i32>} : memref<128xi32, #tpu.memory_space<vmem>>, vector<16xi32>,
      %reduce_or3A = arith.constant 1.000000e+00 : f32
      %reduce_or3A_116 = arith.constant 0.000000e+00 : f32
      %reduce_or3A_117 = vector.broadcast %reduce_or3A : f32 to vector<16xf32>
      %reduce_or3A_118 = vector.broadcast %reduce_or3A_116 : f32 to vector<16xf32>
      %reduce_or3A_119 = arith.select %ne3A, %reduce_or3A_117, %reduce_or3A_118 : vector<16xi1>, vector<16xf32>
      %reduce_or3A_120 = arith.constant true
      %reduce_or3A_121 = vector.broadcast %reduce_or3A_120 : i1 to vector<16xi1>
      %reduce_or3A_122 = tpu.scan <max>, %reduce_or3A_119 masked %reduce_or3A_121 : vector<16xf32>, vector<16xi1> -> vector<16xf32>
      %reduce_or3A_123 = vector.extract %reduce_or3A_122[15] : f32 from vector<16xf32>
      %reduce_or3A_124 = arith.constant 0.000000e+00 : f32
      %reduce_or3A_125 = arith.cmpf ogt, %reduce_or3A_123, %reduce_or3A_124 : f32
      %convert_element_type3A = arith.extui %reduce_or3A_125 : i1 to i32
      %cond3A = arith.constant 0 : i32
      %cond3A_126 = arith.cmpi ne, %convert_element_type3A, %cond3A : i32
      scf.if %cond3A_126 {
        %while3A = scf.while (%while3A_576 = %ne3A) : (vector<16xi1>) -> vector<16xi1> {
          %reduce_or3A_577 = arith.constant 1.000000e+00 : f32
          %reduce_or3A_578 = arith.constant 0.000000e+00 : f32
          %reduce_or3A_579 = vector.broadcast %reduce_or3A_577 : f32 to vector<16xf32>
          %reduce_or3A_580 = vector.broadcast %reduce_or3A_578 : f32 to vector<16xf32>
          %reduce_or3A_581 = arith.select %while3A_576, %reduce_or3A_579, %reduce_or3A_580 : vector<16xi1>, vector<16xf32>
          %reduce_or3A_582 = arith.constant true
          %reduce_or3A_583 = vector.broadcast %reduce_or3A_582 : i1 to vector<16xi1>
          %reduce_or3A_584 = tpu.scan <max>, %reduce_or3A_581 masked %reduce_or3A_583 : vector<16xf32>, vector<16xi1> -> vector<16xf32>
          %reduce_or3A_585 = vector.extract %reduce_or3A_584[15] : f32 from vector<16xf32>
          %reduce_or3A_586 = arith.constant 0.000000e+00 : f32
          %reduce_or3A_587 = arith.cmpf ogt, %reduce_or3A_585, %reduce_or3A_586 : f32
          scf.condition(%reduce_or3A_587) %while3A_576 : vector<16xi1>
        } do {
        ^bb0(%while3A_576: vector<16xi1>):
          %all_reduce_ffs3A = tpu.all_reduce %while3A_576 {dim = 0 : i64, kind = #tpu.reduction_kind<find_first_set>} : vector<16xi1> -> vector<16xi32>
          %broadcast_in_dim3A_577 = arith.constant 0 : i32
          %broadcast_in_dim3A_578 = vector.broadcast %broadcast_in_dim3A_577 : i32 to vector<16xi32>
          %add3A_579 = arith.addi %broadcast_in_dim3A_578, %all_reduce_ffs3A : vector<16xi32>
          %broadcast_in_dim3A_580 = vector.shape_cast %all_reduce_ffs3A : vector<16xi32> to vector<16x1xi32>
          %gather3A_581 = vector.shape_cast %broadcast_in_dim3A_580 : vector<16x1xi32> to vector<16xi32>
          %gather3A_582 = tpu.dynamic_gather %gather3A[%gather3A_581] in [0] : vector<16xi32>, vector<16xi32> -> vector<16xi32>
          %add3A_583 = arith.constant 0 : i32
          %add3A_584 = vector.broadcast %add3A_583 : i32 to vector<16xi32>
          %add3A_585 = arith.addi %iota3A, %add3A_584 : vector<16xi32>
          %gather3A_586 = tpu.vector_load_idx %arg11[%gather3A_582, %add3A_585] : memref<128x64xf32, #tpu.memory_space<vmem>>[vector<16xi32>, vector<16xi32>], vector<16xf32>,
          %gather3A_587 = tpu.vector_load_idx %arg11[%add3A_579, %add3A_585] : memref<128x64xf32, #tpu.memory_space<vmem>>[vector<16xi32>, vector<16xi32>], vector<16xf32>,
          %add3A_588 = arith.addf %gather3A_586, %gather3A_587 : vector<16xf32>
          tpu.vector_store_idx %arg11[%gather3A_582, %add3A_585], %add3A_588 : memref<128x64xf32, #tpu.memory_space<vmem>>[vector<16xi32>, vector<16xi32>], vector<16xf32>,
          %broadcast_in_dim3A_589 = arith.constant 0.000000e+00 : f32
          %broadcast_in_dim3A_590 = vector.broadcast %broadcast_in_dim3A_589 : f32 to vector<16xf32>
          tpu.vector_store_idx %arg11[%add3A_579, %add3A_585], %broadcast_in_dim3A_590 : memref<128x64xf32, #tpu.memory_space<vmem>>[vector<16xi32>, vector<16xi32>], vector<16xf32>,
          %add3A_591 = arith.constant 16 : i32
          %add3A_592 = vector.broadcast %add3A_591 : i32 to vector<16xi32>
          %add3A_593 = arith.addi %iota3A, %add3A_592 : vector<16xi32>
          %gather3A_594 = tpu.vector_load_idx %arg11[%gather3A_582, %add3A_593] : memref<128x64xf32, #tpu.memory_space<vmem>>[vector<16xi32>, vector<16xi32>], vector<16xf32>,
          %gather3A_595 = tpu.vector_load_idx %arg11[%add3A_579, %add3A_593] : memref<128x64xf32, #tpu.memory_space<vmem>>[vector<16xi32>, vector<16xi32>], vector<16xf32>,
          %add3A_596 = arith.addf %gather3A_594, %gather3A_595 : vector<16xf32>
          tpu.vector_store_idx %arg11[%gather3A_582, %add3A_593], %add3A_596 : memref<128x64xf32, #tpu.memory_space<vmem>>[vector<16xi32>, vector<16xi32>], vector<16xf32>,
          %broadcast_in_dim3A_597 = arith.constant 0.000000e+00 : f32
          %broadcast_in_dim3A_598 = vector.broadcast %broadcast_in_dim3A_597 : f32 to vector<16xf32>
          tpu.vector_store_idx %arg11[%add3A_579, %add3A_593], %broadcast_in_dim3A_598 : memref<128x64xf32, #tpu.memory_space<vmem>>[vector<16xi32>, vector<16xi32>], vector<16xf32>,
          %add3A_599 = arith.constant 32 : i32
          %add3A_600 = vector.broadcast %add3A_599 : i32 to vector<16xi32>
          %add3A_601 = arith.addi %iota3A, %add3A_600 : vector<16xi32>
          %gather3A_602 = tpu.vector_load_idx %arg11[%gather3A_582, %add3A_601] : memref<128x64xf32, #tpu.memory_space<vmem>>[vector<16xi32>, vector<16xi32>], vector<16xf32>,
          %gather3A_603 = tpu.vector_load_idx %arg11[%add3A_579, %add3A_601] : memref<128x64xf32, #tpu.memory_space<vmem>>[vector<16xi32>, vector<16xi32>], vector<16xf32>,
          %add3A_604 = arith.addf %gather3A_602, %gather3A_603 : vector<16xf32>
          tpu.vector_store_idx %arg11[%gather3A_582, %add3A_601], %add3A_604 : memref<128x64xf32, #tpu.memory_space<vmem>>[vector<16xi32>, vector<16xi32>], vector<16xf32>,
          %broadcast_in_dim3A_605 = arith.constant 0.000000e+00 : f32
          %broadcast_in_dim3A_606 = vector.broadcast %broadcast_in_dim3A_605 : f32 to vector<16xf32>
          tpu.vector_store_idx %arg11[%add3A_579, %add3A_601], %broadcast_in_dim3A_606 : memref<128x64xf32, #tpu.memory_space<vmem>>[vector<16xi32>, vector<16xi32>], vector<16xf32>,
          %add3A_607 = arith.constant 48 : i32
          %add3A_608 = vector.broadcast %add3A_607 : i32 to vector<16xi32>
          %add3A_609 = arith.addi %iota3A, %add3A_608 : vector<16xi32>
          %gather3A_610 = tpu.vector_load_idx %arg11[%gather3A_582, %add3A_609] : memref<128x64xf32, #tpu.memory_space<vmem>>[vector<16xi32>, vector<16xi32>], vector<16xf32>,
          %gather3A_611 = tpu.vector_load_idx %arg11[%add3A_579, %add3A_609] : memref<128x64xf32, #tpu.memory_space<vmem>>[vector<16xi32>, vector<16xi32>], vector<16xf32>,
          %add3A_612 = arith.addf %gather3A_610, %gather3A_611 : vector<16xf32>
          tpu.vector_store_idx %arg11[%gather3A_582, %add3A_609], %add3A_612 : memref<128x64xf32, #tpu.memory_space<vmem>>[vector<16xi32>, vector<16xi32>], vector<16xf32>,
          %broadcast_in_dim3A_613 = arith.constant 0.000000e+00 : f32
          %broadcast_in_dim3A_614 = vector.broadcast %broadcast_in_dim3A_613 : f32 to vector<16xf32>
          tpu.vector_store_idx %arg11[%add3A_579, %add3A_609], %broadcast_in_dim3A_614 : memref<128x64xf32, #tpu.memory_space<vmem>>[vector<16xi32>, vector<16xi32>], vector<16xf32>,
          %ne3A_615 = arith.cmpi ne, %iota3A, %all_reduce_ffs3A : vector<16xi32>
          %and3A = arith.andi %while3A_576, %ne3A_615 : vector<16xi1>
          scf.yield %and3A : vector<16xi1>
        }
      } else {
      }
      %gather3A_127 = tpu.vector_load_idx %arg14[%get3A_66] : memref<16384xi32, #tpu.memory_space<vmem>>[vector<16xi32>], vector<16xi32>,
      %add3A_128 = arith.constant 16 : i32
      %add3A_129 = vector.broadcast %add3A_128 : i32 to vector<16xi32>
      %add3A_130 = arith.addi %iota3A, %add3A_129 : vector<16xi32>
      %ne3A_131 = arith.cmpi ne, %gather3A_127, %add3A_130 : vector<16xi32>
      %add3A_132 = arith.constant 16400 : i32
      %add3A_133 = vector.broadcast %add3A_132 : i32 to vector<16xi32>
      %add3A_134 = arith.addi %add3A_133, %iota3A : vector<16xi32>
      %select_n3A_135 = arith.select %ne3A_131, %add3A_134, %get3A_66 : vector<16xi1>, vector<16xi32>
      %swap3A_136 = arith.constant 16 : index
      %swap3A_137 = tpu.vector_load %arg13[%swap3A_136] {strides = array<i32>} : memref<128xi32, #tpu.memory_space<vmem>>, vector<16xi32>,
      tpu.vector_store %arg13[%swap3A_136], %select_n3A_135 {strides = array<i32>} : memref<128xi32, #tpu.memory_space<vmem>>, vector<16xi32>,
      %reduce_or3A_138 = arith.constant 1.000000e+00 : f32
      %reduce_or3A_139 = arith.constant 0.000000e+00 : f32
      %reduce_or3A_140 = vector.broadcast %reduce_or3A_138 : f32 to vector<16xf32>
      %reduce_or3A_141 = vector.broadcast %reduce_or3A_139 : f32 to vector<16xf32>
      %reduce_or3A_142 = arith.select %ne3A_131, %reduce_or3A_140, %reduce_or3A_141 : vector<16xi1>, vector<16xf32>
      %reduce_or3A_143 = arith.constant true
      %reduce_or3A_144 = vector.broadcast %reduce_or3A_143 : i1 to vector<16xi1>
      %reduce_or3A_145 = tpu.scan <max>, %reduce_or3A_142 masked %reduce_or3A_144 : vector<16xf32>, vector<16xi1> -> vector<16xf32>
      %reduce_or3A_146 = vector.extract %reduce_or3A_145[15] : f32 from vector<16xf32>
      %reduce_or3A_147 = arith.constant 0.000000e+00 : f32
      %reduce_or3A_148 = arith.cmpf ogt, %reduce_or3A_146, %reduce_or3A_147 : f32
      %convert_element_type3A_149 = arith.extui %reduce_or3A_148 : i1 to i32
      %cond3A_150 = arith.constant 0 : i32
      %cond3A_151 = arith.cmpi ne, %convert_element_type3A_149, %cond3A_150 : i32
      scf.if %cond3A_151 {
        %while3A = scf.while (%while3A_576 = %ne3A_131) : (vector<16xi1>) -> vector<16xi1> {
          %reduce_or3A_577 = arith.constant 1.000000e+00 : f32
          %reduce_or3A_578 = arith.constant 0.000000e+00 : f32
          %reduce_or3A_579 = vector.broadcast %reduce_or3A_577 : f32 to vector<16xf32>
          %reduce_or3A_580 = vector.broadcast %reduce_or3A_578 : f32 to vector<16xf32>
          %reduce_or3A_581 = arith.select %while3A_576, %reduce_or3A_579, %reduce_or3A_580 : vector<16xi1>, vector<16xf32>
          %reduce_or3A_582 = arith.constant true
          %reduce_or3A_583 = vector.broadcast %reduce_or3A_582 : i1 to vector<16xi1>
          %reduce_or3A_584 = tpu.scan <max>, %reduce_or3A_581 masked %reduce_or3A_583 : vector<16xf32>, vector<16xi1> -> vector<16xf32>
          %reduce_or3A_585 = vector.extract %reduce_or3A_584[15] : f32 from vector<16xf32>
          %reduce_or3A_586 = arith.constant 0.000000e+00 : f32
          %reduce_or3A_587 = arith.cmpf ogt, %reduce_or3A_585, %reduce_or3A_586 : f32
          scf.condition(%reduce_or3A_587) %while3A_576 : vector<16xi1>
        } do {
        ^bb0(%while3A_576: vector<16xi1>):
          %all_reduce_ffs3A = tpu.all_reduce %while3A_576 {dim = 0 : i64, kind = #tpu.reduction_kind<find_first_set>} : vector<16xi1> -> vector<16xi32>
          %broadcast_in_dim3A_577 = arith.constant 16 : i32
          %broadcast_in_dim3A_578 = vector.broadcast %broadcast_in_dim3A_577 : i32 to vector<16xi32>
          %add3A_579 = arith.addi %broadcast_in_dim3A_578, %all_reduce_ffs3A : vector<16xi32>
          %broadcast_in_dim3A_580 = vector.shape_cast %all_reduce_ffs3A : vector<16xi32> to vector<16x1xi32>
          %gather3A_581 = vector.shape_cast %broadcast_in_dim3A_580 : vector<16x1xi32> to vector<16xi32>
          %gather3A_582 = tpu.dynamic_gather %gather3A_127[%gather3A_581] in [0] : vector<16xi32>, vector<16xi32> -> vector<16xi32>
          %add3A_583 = arith.constant 0 : i32
          %add3A_584 = vector.broadcast %add3A_583 : i32 to vector<16xi32>
          %add3A_585 = arith.addi %iota3A, %add3A_584 : vector<16xi32>
          %gather3A_586 = tpu.vector_load_idx %arg11[%gather3A_582, %add3A_585] : memref<128x64xf32, #tpu.memory_space<vmem>>[vector<16xi32>, vector<16xi32>], vector<16xf32>,
          %gather3A_587 = tpu.vector_load_idx %arg11[%add3A_579, %add3A_585] : memref<128x64xf32, #tpu.memory_space<vmem>>[vector<16xi32>, vector<16xi32>], vector<16xf32>,
          %add3A_588 = arith.addf %gather3A_586, %gather3A_587 : vector<16xf32>
          tpu.vector_store_idx %arg11[%gather3A_582, %add3A_585], %add3A_588 : memref<128x64xf32, #tpu.memory_space<vmem>>[vector<16xi32>, vector<16xi32>], vector<16xf32>,
          %broadcast_in_dim3A_589 = arith.constant 0.000000e+00 : f32
          %broadcast_in_dim3A_590 = vector.broadcast %broadcast_in_dim3A_589 : f32 to vector<16xf32>
          tpu.vector_store_idx %arg11[%add3A_579, %add3A_585], %broadcast_in_dim3A_590 : memref<128x64xf32, #tpu.memory_space<vmem>>[vector<16xi32>, vector<16xi32>], vector<16xf32>,
          %add3A_591 = arith.constant 16 : i32
          %add3A_592 = vector.broadcast %add3A_591 : i32 to vector<16xi32>
          %add3A_593 = arith.addi %iota3A, %add3A_592 : vector<16xi32>
          %gather3A_594 = tpu.vector_load_idx %arg11[%gather3A_582, %add3A_593] : memref<128x64xf32, #tpu.memory_space<vmem>>[vector<16xi32>, vector<16xi32>], vector<16xf32>,
          %gather3A_595 = tpu.vector_load_idx %arg11[%add3A_579, %add3A_593] : memref<128x64xf32, #tpu.memory_space<vmem>>[vector<16xi32>, vector<16xi32>], vector<16xf32>,
          %add3A_596 = arith.addf %gather3A_594, %gather3A_595 : vector<16xf32>
          tpu.vector_store_idx %arg11[%gather3A_582, %add3A_593], %add3A_596 : memref<128x64xf32, #tpu.memory_space<vmem>>[vector<16xi32>, vector<16xi32>], vector<16xf32>,
          %broadcast_in_dim3A_597 = arith.constant 0.000000e+00 : f32
          %broadcast_in_dim3A_598 = vector.broadcast %broadcast_in_dim3A_597 : f32 to vector<16xf32>
          tpu.vector_store_idx %arg11[%add3A_579, %add3A_593], %broadcast_in_dim3A_598 : memref<128x64xf32, #tpu.memory_space<vmem>>[vector<16xi32>, vector<16xi32>], vector<16xf32>,
          %add3A_599 = arith.constant 32 : i32
          %add3A_600 = vector.broadcast %add3A_599 : i32 to vector<16xi32>
          %add3A_601 = arith.addi %iota3A, %add3A_600 : vector<16xi32>
          %gather3A_602 = tpu.vector_load_idx %arg11[%gather3A_582, %add3A_601] : memref<128x64xf32, #tpu.memory_space<vmem>>[vector<16xi32>, vector<16xi32>], vector<16xf32>,
          %gather3A_603 = tpu.vector_load_idx %arg11[%add3A_579, %add3A_601] : memref<128x64xf32, #tpu.memory_space<vmem>>[vector<16xi32>, vector<16xi32>], vector<16xf32>,
          %add3A_604 = arith.addf %gather3A_602, %gather3A_603 : vector<16xf32>
          tpu.vector_store_idx %arg11[%gather3A_582, %add3A_601], %add3A_604 : memref<128x64xf32, #tpu.memory_space<vmem>>[vector<16xi32>, vector<16xi32>], vector<16xf32>,
          %broadcast_in_dim3A_605 = arith.constant 0.000000e+00 : f32
          %broadcast_in_dim3A_606 = vector.broadcast %broadcast_in_dim3A_605 : f32 to vector<16xf32>
          tpu.vector_store_idx %arg11[%add3A_579, %add3A_601], %broadcast_in_dim3A_606 : memref<128x64xf32, #tpu.memory_space<vmem>>[vector<16xi32>, vector<16xi32>], vector<16xf32>,
          %add3A_607 = arith.constant 48 : i32
          %add3A_608 = vector.broadcast %add3A_607 : i32 to vector<16xi32>
          %add3A_609 = arith.addi %iota3A, %add3A_608 : vector<16xi32>
          %gather3A_610 = tpu.vector_load_idx %arg11[%gather3A_582, %add3A_609] : memref<128x64xf32, #tpu.memory_space<vmem>>[vector<16xi32>, vector<16xi32>], vector<16xf32>,
          %gather3A_611 = tpu.vector_load_idx %arg11[%add3A_579, %add3A_609] : memref<128x64xf32, #tpu.memory_space<vmem>>[vector<16xi32>, vector<16xi32>], vector<16xf32>,
          %add3A_612 = arith.addf %gather3A_610, %gather3A_611 : vector<16xf32>
          tpu.vector_store_idx %arg11[%gather3A_582, %add3A_609], %add3A_612 : memref<128x64xf32, #tpu.memory_space<vmem>>[vector<16xi32>, vector<16xi32>], vector<16xf32>,
          %broadcast_in_dim3A_613 = arith.constant 0.000000e+00 : f32
          %broadcast_in_dim3A_614 = vector.broadcast %broadcast_in_dim3A_613 : f32 to vector<16xf32>
          tpu.vector_store_idx %arg11[%add3A_579, %add3A_609], %broadcast_in_dim3A_614 : memref<128x64xf32, #tpu.memory_space<vmem>>[vector<16xi32>, vector<16xi32>], vector<16xf32>,
          %ne3A_615 = arith.cmpi ne, %iota3A, %all_reduce_ffs3A : vector<16xi32>
          %and3A = arith.andi %while3A_576, %ne3A_615 : vector<16xi1>
          scf.yield %and3A : vector<16xi1>
        }
      } else {
      }
      %gather3A_152 = tpu.vector_load_idx %arg14[%get3A_69] : memref<16384xi32, #tpu.memory_space<vmem>>[vector<16xi32>], vector<16xi32>,
      %add3A_153 = arith.constant 32 : i32
      %add3A_154 = vector.broadcast %add3A_153 : i32 to vector<16xi32>
      %add3A_155 = arith.addi %iota3A, %add3A_154 : vector<16xi32>
      %ne3A_156 = arith.cmpi ne, %gather3A_152, %add3A_155 : vector<16xi32>
      %add3A_157 = arith.constant 16416 : i32
      %add3A_158 = vector.broadcast %add3A_157 : i32 to vector<16xi32>
      %add3A_159 = arith.addi %add3A_158, %iota3A : vector<16xi32>
      %select_n3A_160 = arith.select %ne3A_156, %add3A_159, %get3A_69 : vector<16xi1>, vector<16xi32>
      %swap3A_161 = arith.constant 32 : index
      %swap3A_162 = tpu.vector_load %arg13[%swap3A_161] {strides = array<i32>} : memref<128xi32, #tpu.memory_space<vmem>>, vector<16xi32>,
      tpu.vector_store %arg13[%swap3A_161], %select_n3A_160 {strides = array<i32>} : memref<128xi32, #tpu.memory_space<vmem>>, vector<16xi32>,
      %reduce_or3A_163 = arith.constant 1.000000e+00 : f32
      %reduce_or3A_164 = arith.constant 0.000000e+00 : f32
      %reduce_or3A_165 = vector.broadcast %reduce_or3A_163 : f32 to vector<16xf32>
      %reduce_or3A_166 = vector.broadcast %reduce_or3A_164 : f32 to vector<16xf32>
      %reduce_or3A_167 = arith.select %ne3A_156, %reduce_or3A_165, %reduce_or3A_166 : vector<16xi1>, vector<16xf32>
      %reduce_or3A_168 = arith.constant true
      %reduce_or3A_169 = vector.broadcast %reduce_or3A_168 : i1 to vector<16xi1>
      %reduce_or3A_170 = tpu.scan <max>, %reduce_or3A_167 masked %reduce_or3A_169 : vector<16xf32>, vector<16xi1> -> vector<16xf32>
      %reduce_or3A_171 = vector.extract %reduce_or3A_170[15] : f32 from vector<16xf32>
      %reduce_or3A_172 = arith.constant 0.000000e+00 : f32
      %reduce_or3A_173 = arith.cmpf ogt, %reduce_or3A_171, %reduce_or3A_172 : f32
      %convert_element_type3A_174 = arith.extui %reduce_or3A_173 : i1 to i32
      %cond3A_175 = arith.constant 0 : i32
      %cond3A_176 = arith.cmpi ne, %convert_element_type3A_174, %cond3A_175 : i32
      scf.if %cond3A_176 {
        %while3A = scf.while (%while3A_576 = %ne3A_156) : (vector<16xi1>) -> vector<16xi1> {
          %reduce_or3A_577 = arith.constant 1.000000e+00 : f32
          %reduce_or3A_578 = arith.constant 0.000000e+00 : f32
          %reduce_or3A_579 = vector.broadcast %reduce_or3A_577 : f32 to vector<16xf32>
          %reduce_or3A_580 = vector.broadcast %reduce_or3A_578 : f32 to vector<16xf32>
          %reduce_or3A_581 = arith.select %while3A_576, %reduce_or3A_579, %reduce_or3A_580 : vector<16xi1>, vector<16xf32>
          %reduce_or3A_582 = arith.constant true
          %reduce_or3A_583 = vector.broadcast %reduce_or3A_582 : i1 to vector<16xi1>
          %reduce_or3A_584 = tpu.scan <max>, %reduce_or3A_581 masked %reduce_or3A_583 : vector<16xf32>, vector<16xi1> -> vector<16xf32>
          %reduce_or3A_585 = vector.extract %reduce_or3A_584[15] : f32 from vector<16xf32>
          %reduce_or3A_586 = arith.constant 0.000000e+00 : f32
          %reduce_or3A_587 = arith.cmpf ogt, %reduce_or3A_585, %reduce_or3A_586 : f32
          scf.condition(%reduce_or3A_587) %while3A_576 : vector<16xi1>
        } do {
        ^bb0(%while3A_576: vector<16xi1>):
          %all_reduce_ffs3A = tpu.all_reduce %while3A_576 {dim = 0 : i64, kind = #tpu.reduction_kind<find_first_set>} : vector<16xi1> -> vector<16xi32>
          %broadcast_in_dim3A_577 = arith.constant 32 : i32
          %broadcast_in_dim3A_578 = vector.broadcast %broadcast_in_dim3A_577 : i32 to vector<16xi32>
          %add3A_579 = arith.addi %broadcast_in_dim3A_578, %all_reduce_ffs3A : vector<16xi32>
          %broadcast_in_dim3A_580 = vector.shape_cast %all_reduce_ffs3A : vector<16xi32> to vector<16x1xi32>
          %gather3A_581 = vector.shape_cast %broadcast_in_dim3A_580 : vector<16x1xi32> to vector<16xi32>
          %gather3A_582 = tpu.dynamic_gather %gather3A_152[%gather3A_581] in [0] : vector<16xi32>, vector<16xi32> -> vector<16xi32>
          %add3A_583 = arith.constant 0 : i32
          %add3A_584 = vector.broadcast %add3A_583 : i32 to vector<16xi32>
          %add3A_585 = arith.addi %iota3A, %add3A_584 : vector<16xi32>
          %gather3A_586 = tpu.vector_load_idx %arg11[%gather3A_582, %add3A_585] : memref<128x64xf32, #tpu.memory_space<vmem>>[vector<16xi32>, vector<16xi32>], vector<16xf32>,
          %gather3A_587 = tpu.vector_load_idx %arg11[%add3A_579, %add3A_585] : memref<128x64xf32, #tpu.memory_space<vmem>>[vector<16xi32>, vector<16xi32>], vector<16xf32>,
          %add3A_588 = arith.addf %gather3A_586, %gather3A_587 : vector<16xf32>
          tpu.vector_store_idx %arg11[%gather3A_582, %add3A_585], %add3A_588 : memref<128x64xf32, #tpu.memory_space<vmem>>[vector<16xi32>, vector<16xi32>], vector<16xf32>,
          %broadcast_in_dim3A_589 = arith.constant 0.000000e+00 : f32
          %broadcast_in_dim3A_590 = vector.broadcast %broadcast_in_dim3A_589 : f32 to vector<16xf32>
          tpu.vector_store_idx %arg11[%add3A_579, %add3A_585], %broadcast_in_dim3A_590 : memref<128x64xf32, #tpu.memory_space<vmem>>[vector<16xi32>, vector<16xi32>], vector<16xf32>,
          %add3A_591 = arith.constant 16 : i32
          %add3A_592 = vector.broadcast %add3A_591 : i32 to vector<16xi32>
          %add3A_593 = arith.addi %iota3A, %add3A_592 : vector<16xi32>
          %gather3A_594 = tpu.vector_load_idx %arg11[%gather3A_582, %add3A_593] : memref<128x64xf32, #tpu.memory_space<vmem>>[vector<16xi32>, vector<16xi32>], vector<16xf32>,
          %gather3A_595 = tpu.vector_load_idx %arg11[%add3A_579, %add3A_593] : memref<128x64xf32, #tpu.memory_space<vmem>>[vector<16xi32>, vector<16xi32>], vector<16xf32>,
          %add3A_596 = arith.addf %gather3A_594, %gather3A_595 : vector<16xf32>
          tpu.vector_store_idx %arg11[%gather3A_582, %add3A_593], %add3A_596 : memref<128x64xf32, #tpu.memory_space<vmem>>[vector<16xi32>, vector<16xi32>], vector<16xf32>,
          %broadcast_in_dim3A_597 = arith.constant 0.000000e+00 : f32
          %broadcast_in_dim3A_598 = vector.broadcast %broadcast_in_dim3A_597 : f32 to vector<16xf32>
          tpu.vector_store_idx %arg11[%add3A_579, %add3A_593], %broadcast_in_dim3A_598 : memref<128x64xf32, #tpu.memory_space<vmem>>[vector<16xi32>, vector<16xi32>], vector<16xf32>,
          %add3A_599 = arith.constant 32 : i32
          %add3A_600 = vector.broadcast %add3A_599 : i32 to vector<16xi32>
          %add3A_601 = arith.addi %iota3A, %add3A_600 : vector<16xi32>
          %gather3A_602 = tpu.vector_load_idx %arg11[%gather3A_582, %add3A_601] : memref<128x64xf32, #tpu.memory_space<vmem>>[vector<16xi32>, vector<16xi32>], vector<16xf32>,
          %gather3A_603 = tpu.vector_load_idx %arg11[%add3A_579, %add3A_601] : memref<128x64xf32, #tpu.memory_space<vmem>>[vector<16xi32>, vector<16xi32>], vector<16xf32>,
          %add3A_604 = arith.addf %gather3A_602, %gather3A_603 : vector<16xf32>
          tpu.vector_store_idx %arg11[%gather3A_582, %add3A_601], %add3A_604 : memref<128x64xf32, #tpu.memory_space<vmem>>[vector<16xi32>, vector<16xi32>], vector<16xf32>,
          %broadcast_in_dim3A_605 = arith.constant 0.000000e+00 : f32
          %broadcast_in_dim3A_606 = vector.broadcast %broadcast_in_dim3A_605 : f32 to vector<16xf32>
          tpu.vector_store_idx %arg11[%add3A_579, %add3A_601], %broadcast_in_dim3A_606 : memref<128x64xf32, #tpu.memory_space<vmem>>[vector<16xi32>, vector<16xi32>], vector<16xf32>,
          %add3A_607 = arith.constant 48 : i32
          %add3A_608 = vector.broadcast %add3A_607 : i32 to vector<16xi32>
          %add3A_609 = arith.addi %iota3A, %add3A_608 : vector<16xi32>
          %gather3A_610 = tpu.vector_load_idx %arg11[%gather3A_582, %add3A_609] : memref<128x64xf32, #tpu.memory_space<vmem>>[vector<16xi32>, vector<16xi32>], vector<16xf32>,
          %gather3A_611 = tpu.vector_load_idx %arg11[%add3A_579, %add3A_609] : memref<128x64xf32, #tpu.memory_space<vmem>>[vector<16xi32>, vector<16xi32>], vector<16xf32>,
          %add3A_612 = arith.addf %gather3A_610, %gather3A_611 : vector<16xf32>
          tpu.vector_store_idx %arg11[%gather3A_582, %add3A_609], %add3A_612 : memref<128x64xf32, #tpu.memory_space<vmem>>[vector<16xi32>, vector<16xi32>], vector<16xf32>,
          %broadcast_in_dim3A_613 = arith.constant 0.000000e+00 : f32
          %broadcast_in_dim3A_614 = vector.broadcast %broadcast_in_dim3A_613 : f32 to vector<16xf32>
          tpu.vector_store_idx %arg11[%add3A_579, %add3A_609], %broadcast_in_dim3A_614 : memref<128x64xf32, #tpu.memory_space<vmem>>[vector<16xi32>, vector<16xi32>], vector<16xf32>,
          %ne3A_615 = arith.cmpi ne, %iota3A, %all_reduce_ffs3A : vector<16xi32>
          %and3A = arith.andi %while3A_576, %ne3A_615 : vector<16xi1>
          scf.yield %and3A : vector<16xi1>
        }
      } else {
      }
      %gather3A_177 = tpu.vector_load_idx %arg14[%get3A_72] : memref<16384xi32, #tpu.memory_space<vmem>>[vector<16xi32>], vector<16xi32>,
      %add3A_178 = arith.constant 48 : i32
      %add3A_179 = vector.broadcast %add3A_178 : i32 to vector<16xi32>
      %add3A_180 = arith.addi %iota3A, %add3A_179 : vector<16xi32>
      %ne3A_181 = arith.cmpi ne, %gather3A_177, %add3A_180 : vector<16xi32>
      %add3A_182 = arith.constant 16432 : i32
      %add3A_183 = vector.broadcast %add3A_182 : i32 to vector<16xi32>
      %add3A_184 = arith.addi %add3A_183, %iota3A : vector<16xi32>
      %select_n3A_185 = arith.select %ne3A_181, %add3A_184, %get3A_72 : vector<16xi1>, vector<16xi32>
      %swap3A_186 = arith.constant 48 : index
      %swap3A_187 = tpu.vector_load %arg13[%swap3A_186] {strides = array<i32>} : memref<128xi32, #tpu.memory_space<vmem>>, vector<16xi32>,
      tpu.vector_store %arg13[%swap3A_186], %select_n3A_185 {strides = array<i32>} : memref<128xi32, #tpu.memory_space<vmem>>, vector<16xi32>,
      %reduce_or3A_188 = arith.constant 1.000000e+00 : f32
      %reduce_or3A_189 = arith.constant 0.000000e+00 : f32
      %reduce_or3A_190 = vector.broadcast %reduce_or3A_188 : f32 to vector<16xf32>
      %reduce_or3A_191 = vector.broadcast %reduce_or3A_189 : f32 to vector<16xf32>
      %reduce_or3A_192 = arith.select %ne3A_181, %reduce_or3A_190, %reduce_or3A_191 : vector<16xi1>, vector<16xf32>
      %reduce_or3A_193 = arith.constant true
      %reduce_or3A_194 = vector.broadcast %reduce_or3A_193 : i1 to vector<16xi1>
      %reduce_or3A_195 = tpu.scan <max>, %reduce_or3A_192 masked %reduce_or3A_194 : vector<16xf32>, vector<16xi1> -> vector<16xf32>
      %reduce_or3A_196 = vector.extract %reduce_or3A_195[15] : f32 from vector<16xf32>
      %reduce_or3A_197 = arith.constant 0.000000e+00 : f32
      %reduce_or3A_198 = arith.cmpf ogt, %reduce_or3A_196, %reduce_or3A_197 : f32
      %convert_element_type3A_199 = arith.extui %reduce_or3A_198 : i1 to i32
      %cond3A_200 = arith.constant 0 : i32
      %cond3A_201 = arith.cmpi ne, %convert_element_type3A_199, %cond3A_200 : i32
      scf.if %cond3A_201 {
        %while3A = scf.while (%while3A_576 = %ne3A_181) : (vector<16xi1>) -> vector<16xi1> {
          %reduce_or3A_577 = arith.constant 1.000000e+00 : f32
          %reduce_or3A_578 = arith.constant 0.000000e+00 : f32
          %reduce_or3A_579 = vector.broadcast %reduce_or3A_577 : f32 to vector<16xf32>
          %reduce_or3A_580 = vector.broadcast %reduce_or3A_578 : f32 to vector<16xf32>
          %reduce_or3A_581 = arith.select %while3A_576, %reduce_or3A_579, %reduce_or3A_580 : vector<16xi1>, vector<16xf32>
          %reduce_or3A_582 = arith.constant true
          %reduce_or3A_583 = vector.broadcast %reduce_or3A_582 : i1 to vector<16xi1>
          %reduce_or3A_584 = tpu.scan <max>, %reduce_or3A_581 masked %reduce_or3A_583 : vector<16xf32>, vector<16xi1> -> vector<16xf32>
          %reduce_or3A_585 = vector.extract %reduce_or3A_584[15] : f32 from vector<16xf32>
          %reduce_or3A_586 = arith.constant 0.000000e+00 : f32
          %reduce_or3A_587 = arith.cmpf ogt, %reduce_or3A_585, %reduce_or3A_586 : f32
          scf.condition(%reduce_or3A_587) %while3A_576 : vector<16xi1>
        } do {
        ^bb0(%while3A_576: vector<16xi1>):
          %all_reduce_ffs3A = tpu.all_reduce %while3A_576 {dim = 0 : i64, kind = #tpu.reduction_kind<find_first_set>} : vector<16xi1> -> vector<16xi32>
          %broadcast_in_dim3A_577 = arith.constant 48 : i32
          %broadcast_in_dim3A_578 = vector.broadcast %broadcast_in_dim3A_577 : i32 to vector<16xi32>
          %add3A_579 = arith.addi %broadcast_in_dim3A_578, %all_reduce_ffs3A : vector<16xi32>
          %broadcast_in_dim3A_580 = vector.shape_cast %all_reduce_ffs3A : vector<16xi32> to vector<16x1xi32>
          %gather3A_581 = vector.shape_cast %broadcast_in_dim3A_580 : vector<16x1xi32> to vector<16xi32>
          %gather3A_582 = tpu.dynamic_gather %gather3A_177[%gather3A_581] in [0] : vector<16xi32>, vector<16xi32> -> vector<16xi32>
          %add3A_583 = arith.constant 0 : i32
          %add3A_584 = vector.broadcast %add3A_583 : i32 to vector<16xi32>
          %add3A_585 = arith.addi %iota3A, %add3A_584 : vector<16xi32>
          %gather3A_586 = tpu.vector_load_idx %arg11[%gather3A_582, %add3A_585] : memref<128x64xf32, #tpu.memory_space<vmem>>[vector<16xi32>, vector<16xi32>], vector<16xf32>,
          %gather3A_587 = tpu.vector_load_idx %arg11[%add3A_579, %add3A_585] : memref<128x64xf32, #tpu.memory_space<vmem>>[vector<16xi32>, vector<16xi32>], vector<16xf32>,
          %add3A_588 = arith.addf %gather3A_586, %gather3A_587 : vector<16xf32>
          tpu.vector_store_idx %arg11[%gather3A_582, %add3A_585], %add3A_588 : memref<128x64xf32, #tpu.memory_space<vmem>>[vector<16xi32>, vector<16xi32>], vector<16xf32>,
          %broadcast_in_dim3A_589 = arith.constant 0.000000e+00 : f32
          %broadcast_in_dim3A_590 = vector.broadcast %broadcast_in_dim3A_589 : f32 to vector<16xf32>
          tpu.vector_store_idx %arg11[%add3A_579, %add3A_585], %broadcast_in_dim3A_590 : memref<128x64xf32, #tpu.memory_space<vmem>>[vector<16xi32>, vector<16xi32>], vector<16xf32>,
          %add3A_591 = arith.constant 16 : i32
          %add3A_592 = vector.broadcast %add3A_591 : i32 to vector<16xi32>
          %add3A_593 = arith.addi %iota3A, %add3A_592 : vector<16xi32>
          %gather3A_594 = tpu.vector_load_idx %arg11[%gather3A_582, %add3A_593] : memref<128x64xf32, #tpu.memory_space<vmem>>[vector<16xi32>, vector<16xi32>], vector<16xf32>,
          %gather3A_595 = tpu.vector_load_idx %arg11[%add3A_579, %add3A_593] : memref<128x64xf32, #tpu.memory_space<vmem>>[vector<16xi32>, vector<16xi32>], vector<16xf32>,
          %add3A_596 = arith.addf %gather3A_594, %gather3A_595 : vector<16xf32>
          tpu.vector_store_idx %arg11[%gather3A_582, %add3A_593], %add3A_596 : memref<128x64xf32, #tpu.memory_space<vmem>>[vector<16xi32>, vector<16xi32>], vector<16xf32>,
          %broadcast_in_dim3A_597 = arith.constant 0.000000e+00 : f32
          %broadcast_in_dim3A_598 = vector.broadcast %broadcast_in_dim3A_597 : f32 to vector<16xf32>
          tpu.vector_store_idx %arg11[%add3A_579, %add3A_593], %broadcast_in_dim3A_598 : memref<128x64xf32, #tpu.memory_space<vmem>>[vector<16xi32>, vector<16xi32>], vector<16xf32>,
          %add3A_599 = arith.constant 32 : i32
          %add3A_600 = vector.broadcast %add3A_599 : i32 to vector<16xi32>
          %add3A_601 = arith.addi %iota3A, %add3A_600 : vector<16xi32>
          %gather3A_602 = tpu.vector_load_idx %arg11[%gather3A_582, %add3A_601] : memref<128x64xf32, #tpu.memory_space<vmem>>[vector<16xi32>, vector<16xi32>], vector<16xf32>,
          %gather3A_603 = tpu.vector_load_idx %arg11[%add3A_579, %add3A_601] : memref<128x64xf32, #tpu.memory_space<vmem>>[vector<16xi32>, vector<16xi32>], vector<16xf32>,
          %add3A_604 = arith.addf %gather3A_602, %gather3A_603 : vector<16xf32>
          tpu.vector_store_idx %arg11[%gather3A_582, %add3A_601], %add3A_604 : memref<128x64xf32, #tpu.memory_space<vmem>>[vector<16xi32>, vector<16xi32>], vector<16xf32>,
          %broadcast_in_dim3A_605 = arith.constant 0.000000e+00 : f32
          %broadcast_in_dim3A_606 = vector.broadcast %broadcast_in_dim3A_605 : f32 to vector<16xf32>
          tpu.vector_store_idx %arg11[%add3A_579, %add3A_601], %broadcast_in_dim3A_606 : memref<128x64xf32, #tpu.memory_space<vmem>>[vector<16xi32>, vector<16xi32>], vector<16xf32>,
          %add3A_607 = arith.constant 48 : i32
          %add3A_608 = vector.broadcast %add3A_607 : i32 to vector<16xi32>
          %add3A_609 = arith.addi %iota3A, %add3A_608 : vector<16xi32>
          %gather3A_610 = tpu.vector_load_idx %arg11[%gather3A_582, %add3A_609] : memref<128x64xf32, #tpu.memory_space<vmem>>[vector<16xi32>, vector<16xi32>], vector<16xf32>,
          %gather3A_611 = tpu.vector_load_idx %arg11[%add3A_579, %add3A_609] : memref<128x64xf32, #tpu.memory_space<vmem>>[vector<16xi32>, vector<16xi32>], vector<16xf32>,
          %add3A_612 = arith.addf %gather3A_610, %gather3A_611 : vector<16xf32>
          tpu.vector_store_idx %arg11[%gather3A_582, %add3A_609], %add3A_612 : memref<128x64xf32, #tpu.memory_space<vmem>>[vector<16xi32>, vector<16xi32>], vector<16xf32>,
          %broadcast_in_dim3A_613 = arith.constant 0.000000e+00 : f32
          %broadcast_in_dim3A_614 = vector.broadcast %broadcast_in_dim3A_613 : f32 to vector<16xf32>
          tpu.vector_store_idx %arg11[%add3A_579, %add3A_609], %broadcast_in_dim3A_614 : memref<128x64xf32, #tpu.memory_space<vmem>>[vector<16xi32>, vector<16xi32>], vector<16xf32>,
          %ne3A_615 = arith.cmpi ne, %iota3A, %all_reduce_ffs3A : vector<16xi32>
          %and3A = arith.andi %while3A_576, %ne3A_615 : vector<16xi1>
          scf.yield %and3A : vector<16xi1>
        }
      } else {
      }
      %gather3A_202 = tpu.vector_load_idx %arg14[%get3A_75] : memref<16384xi32, #tpu.memory_space<vmem>>[vector<16xi32>], vector<16xi32>,
      %add3A_203 = arith.constant 64 : i32
      %add3A_204 = vector.broadcast %add3A_203 : i32 to vector<16xi32>
      %add3A_205 = arith.addi %iota3A, %add3A_204 : vector<16xi32>
      %ne3A_206 = arith.cmpi ne, %gather3A_202, %add3A_205 : vector<16xi32>
      %add3A_207 = arith.constant 16448 : i32
      %add3A_208 = vector.broadcast %add3A_207 : i32 to vector<16xi32>
      %add3A_209 = arith.addi %add3A_208, %iota3A : vector<16xi32>
      %select_n3A_210 = arith.select %ne3A_206, %add3A_209, %get3A_75 : vector<16xi1>, vector<16xi32>
      %swap3A_211 = arith.constant 64 : index
      %swap3A_212 = tpu.vector_load %arg13[%swap3A_211] {strides = array<i32>} : memref<128xi32, #tpu.memory_space<vmem>>, vector<16xi32>,
      tpu.vector_store %arg13[%swap3A_211], %select_n3A_210 {strides = array<i32>} : memref<128xi32, #tpu.memory_space<vmem>>, vector<16xi32>,
      %reduce_or3A_213 = arith.constant 1.000000e+00 : f32
      %reduce_or3A_214 = arith.constant 0.000000e+00 : f32
      %reduce_or3A_215 = vector.broadcast %reduce_or3A_213 : f32 to vector<16xf32>
      %reduce_or3A_216 = vector.broadcast %reduce_or3A_214 : f32 to vector<16xf32>
      %reduce_or3A_217 = arith.select %ne3A_206, %reduce_or3A_215, %reduce_or3A_216 : vector<16xi1>, vector<16xf32>
      %reduce_or3A_218 = arith.constant true
      %reduce_or3A_219 = vector.broadcast %reduce_or3A_218 : i1 to vector<16xi1>
      %reduce_or3A_220 = tpu.scan <max>, %reduce_or3A_217 masked %reduce_or3A_219 : vector<16xf32>, vector<16xi1> -> vector<16xf32>
      %reduce_or3A_221 = vector.extract %reduce_or3A_220[15] : f32 from vector<16xf32>
      %reduce_or3A_222 = arith.constant 0.000000e+00 : f32
      %reduce_or3A_223 = arith.cmpf ogt, %reduce_or3A_221, %reduce_or3A_222 : f32
      %convert_element_type3A_224 = arith.extui %reduce_or3A_223 : i1 to i32
      %cond3A_225 = arith.constant 0 : i32
      %cond3A_226 = arith.cmpi ne, %convert_element_type3A_224, %cond3A_225 : i32
      scf.if %cond3A_226 {
        %while3A = scf.while (%while3A_576 = %ne3A_206) : (vector<16xi1>) -> vector<16xi1> {
          %reduce_or3A_577 = arith.constant 1.000000e+00 : f32
          %reduce_or3A_578 = arith.constant 0.000000e+00 : f32
          %reduce_or3A_579 = vector.broadcast %reduce_or3A_577 : f32 to vector<16xf32>
          %reduce_or3A_580 = vector.broadcast %reduce_or3A_578 : f32 to vector<16xf32>
          %reduce_or3A_581 = arith.select %while3A_576, %reduce_or3A_579, %reduce_or3A_580 : vector<16xi1>, vector<16xf32>
          %reduce_or3A_582 = arith.constant true
          %reduce_or3A_583 = vector.broadcast %reduce_or3A_582 : i1 to vector<16xi1>
          %reduce_or3A_584 = tpu.scan <max>, %reduce_or3A_581 masked %reduce_or3A_583 : vector<16xf32>, vector<16xi1> -> vector<16xf32>
          %reduce_or3A_585 = vector.extract %reduce_or3A_584[15] : f32 from vector<16xf32>
          %reduce_or3A_586 = arith.constant 0.000000e+00 : f32
          %reduce_or3A_587 = arith.cmpf ogt, %reduce_or3A_585, %reduce_or3A_586 : f32
          scf.condition(%reduce_or3A_587) %while3A_576 : vector<16xi1>
        } do {
        ^bb0(%while3A_576: vector<16xi1>):
          %all_reduce_ffs3A = tpu.all_reduce %while3A_576 {dim = 0 : i64, kind = #tpu.reduction_kind<find_first_set>} : vector<16xi1> -> vector<16xi32>
          %broadcast_in_dim3A_577 = arith.constant 64 : i32
          %broadcast_in_dim3A_578 = vector.broadcast %broadcast_in_dim3A_577 : i32 to vector<16xi32>
          %add3A_579 = arith.addi %broadcast_in_dim3A_578, %all_reduce_ffs3A : vector<16xi32>
          %broadcast_in_dim3A_580 = vector.shape_cast %all_reduce_ffs3A : vector<16xi32> to vector<16x1xi32>
          %gather3A_581 = vector.shape_cast %broadcast_in_dim3A_580 : vector<16x1xi32> to vector<16xi32>
          %gather3A_582 = tpu.dynamic_gather %gather3A_202[%gather3A_581] in [0] : vector<16xi32>, vector<16xi32> -> vector<16xi32>
          %add3A_583 = arith.constant 0 : i32
          %add3A_584 = vector.broadcast %add3A_583 : i32 to vector<16xi32>
          %add3A_585 = arith.addi %iota3A, %add3A_584 : vector<16xi32>
          %gather3A_586 = tpu.vector_load_idx %arg11[%gather3A_582, %add3A_585] : memref<128x64xf32, #tpu.memory_space<vmem>>[vector<16xi32>, vector<16xi32>], vector<16xf32>,
          %gather3A_587 = tpu.vector_load_idx %arg11[%add3A_579, %add3A_585] : memref<128x64xf32, #tpu.memory_space<vmem>>[vector<16xi32>, vector<16xi32>], vector<16xf32>,
          %add3A_588 = arith.addf %gather3A_586, %gather3A_587 : vector<16xf32>
          tpu.vector_store_idx %arg11[%gather3A_582, %add3A_585], %add3A_588 : memref<128x64xf32, #tpu.memory_space<vmem>>[vector<16xi32>, vector<16xi32>], vector<16xf32>,
          %broadcast_in_dim3A_589 = arith.constant 0.000000e+00 : f32
          %broadcast_in_dim3A_590 = vector.broadcast %broadcast_in_dim3A_589 : f32 to vector<16xf32>
          tpu.vector_store_idx %arg11[%add3A_579, %add3A_585], %broadcast_in_dim3A_590 : memref<128x64xf32, #tpu.memory_space<vmem>>[vector<16xi32>, vector<16xi32>], vector<16xf32>,
          %add3A_591 = arith.constant 16 : i32
          %add3A_592 = vector.broadcast %add3A_591 : i32 to vector<16xi32>
          %add3A_593 = arith.addi %iota3A, %add3A_592 : vector<16xi32>
          %gather3A_594 = tpu.vector_load_idx %arg11[%gather3A_582, %add3A_593] : memref<128x64xf32, #tpu.memory_space<vmem>>[vector<16xi32>, vector<16xi32>], vector<16xf32>,
          %gather3A_595 = tpu.vector_load_idx %arg11[%add3A_579, %add3A_593] : memref<128x64xf32, #tpu.memory_space<vmem>>[vector<16xi32>, vector<16xi32>], vector<16xf32>,
          %add3A_596 = arith.addf %gather3A_594, %gather3A_595 : vector<16xf32>
          tpu.vector_store_idx %arg11[%gather3A_582, %add3A_593], %add3A_596 : memref<128x64xf32, #tpu.memory_space<vmem>>[vector<16xi32>, vector<16xi32>], vector<16xf32>,
          %broadcast_in_dim3A_597 = arith.constant 0.000000e+00 : f32
          %broadcast_in_dim3A_598 = vector.broadcast %broadcast_in_dim3A_597 : f32 to vector<16xf32>
          tpu.vector_store_idx %arg11[%add3A_579, %add3A_593], %broadcast_in_dim3A_598 : memref<128x64xf32, #tpu.memory_space<vmem>>[vector<16xi32>, vector<16xi32>], vector<16xf32>,
          %add3A_599 = arith.constant 32 : i32
          %add3A_600 = vector.broadcast %add3A_599 : i32 to vector<16xi32>
          %add3A_601 = arith.addi %iota3A, %add3A_600 : vector<16xi32>
          %gather3A_602 = tpu.vector_load_idx %arg11[%gather3A_582, %add3A_601] : memref<128x64xf32, #tpu.memory_space<vmem>>[vector<16xi32>, vector<16xi32>], vector<16xf32>,
          %gather3A_603 = tpu.vector_load_idx %arg11[%add3A_579, %add3A_601] : memref<128x64xf32, #tpu.memory_space<vmem>>[vector<16xi32>, vector<16xi32>], vector<16xf32>,
          %add3A_604 = arith.addf %gather3A_602, %gather3A_603 : vector<16xf32>
          tpu.vector_store_idx %arg11[%gather3A_582, %add3A_601], %add3A_604 : memref<128x64xf32, #tpu.memory_space<vmem>>[vector<16xi32>, vector<16xi32>], vector<16xf32>,
          %broadcast_in_dim3A_605 = arith.constant 0.000000e+00 : f32
          %broadcast_in_dim3A_606 = vector.broadcast %broadcast_in_dim3A_605 : f32 to vector<16xf32>
          tpu.vector_store_idx %arg11[%add3A_579, %add3A_601], %broadcast_in_dim3A_606 : memref<128x64xf32, #tpu.memory_space<vmem>>[vector<16xi32>, vector<16xi32>], vector<16xf32>,
          %add3A_607 = arith.constant 48 : i32
          %add3A_608 = vector.broadcast %add3A_607 : i32 to vector<16xi32>
          %add3A_609 = arith.addi %iota3A, %add3A_608 : vector<16xi32>
          %gather3A_610 = tpu.vector_load_idx %arg11[%gather3A_582, %add3A_609] : memref<128x64xf32, #tpu.memory_space<vmem>>[vector<16xi32>, vector<16xi32>], vector<16xf32>,
          %gather3A_611 = tpu.vector_load_idx %arg11[%add3A_579, %add3A_609] : memref<128x64xf32, #tpu.memory_space<vmem>>[vector<16xi32>, vector<16xi32>], vector<16xf32>,
          %add3A_612 = arith.addf %gather3A_610, %gather3A_611 : vector<16xf32>
          tpu.vector_store_idx %arg11[%gather3A_582, %add3A_609], %add3A_612 : memref<128x64xf32, #tpu.memory_space<vmem>>[vector<16xi32>, vector<16xi32>], vector<16xf32>,
          %broadcast_in_dim3A_613 = arith.constant 0.000000e+00 : f32
          %broadcast_in_dim3A_614 = vector.broadcast %broadcast_in_dim3A_613 : f32 to vector<16xf32>
          tpu.vector_store_idx %arg11[%add3A_579, %add3A_609], %broadcast_in_dim3A_614 : memref<128x64xf32, #tpu.memory_space<vmem>>[vector<16xi32>, vector<16xi32>], vector<16xf32>,
          %ne3A_615 = arith.cmpi ne, %iota3A, %all_reduce_ffs3A : vector<16xi32>
          %and3A = arith.andi %while3A_576, %ne3A_615 : vector<16xi1>
          scf.yield %and3A : vector<16xi1>
        }
      } else {
      }
      %gather3A_227 = tpu.vector_load_idx %arg14[%get3A_78] : memref<16384xi32, #tpu.memory_space<vmem>>[vector<16xi32>], vector<16xi32>,
      %add3A_228 = arith.constant 80 : i32
      %add3A_229 = vector.broadcast %add3A_228 : i32 to vector<16xi32>
      %add3A_230 = arith.addi %iota3A, %add3A_229 : vector<16xi32>
      %ne3A_231 = arith.cmpi ne, %gather3A_227, %add3A_230 : vector<16xi32>
      %add3A_232 = arith.constant 16464 : i32
      %add3A_233 = vector.broadcast %add3A_232 : i32 to vector<16xi32>
      %add3A_234 = arith.addi %add3A_233, %iota3A : vector<16xi32>
      %select_n3A_235 = arith.select %ne3A_231, %add3A_234, %get3A_78 : vector<16xi1>, vector<16xi32>
      %swap3A_236 = arith.constant 80 : index
      %swap3A_237 = tpu.vector_load %arg13[%swap3A_236] {strides = array<i32>} : memref<128xi32, #tpu.memory_space<vmem>>, vector<16xi32>,
      tpu.vector_store %arg13[%swap3A_236], %select_n3A_235 {strides = array<i32>} : memref<128xi32, #tpu.memory_space<vmem>>, vector<16xi32>,
      %reduce_or3A_238 = arith.constant 1.000000e+00 : f32
      %reduce_or3A_239 = arith.constant 0.000000e+00 : f32
      %reduce_or3A_240 = vector.broadcast %reduce_or3A_238 : f32 to vector<16xf32>
      %reduce_or3A_241 = vector.broadcast %reduce_or3A_239 : f32 to vector<16xf32>
      %reduce_or3A_242 = arith.select %ne3A_231, %reduce_or3A_240, %reduce_or3A_241 : vector<16xi1>, vector<16xf32>
      %reduce_or3A_243 = arith.constant true
      %reduce_or3A_244 = vector.broadcast %reduce_or3A_243 : i1 to vector<16xi1>
      %reduce_or3A_245 = tpu.scan <max>, %reduce_or3A_242 masked %reduce_or3A_244 : vector<16xf32>, vector<16xi1> -> vector<16xf32>
      %reduce_or3A_246 = vector.extract %reduce_or3A_245[15] : f32 from vector<16xf32>
      %reduce_or3A_247 = arith.constant 0.000000e+00 : f32
      %reduce_or3A_248 = arith.cmpf ogt, %reduce_or3A_246, %reduce_or3A_247 : f32
      %convert_element_type3A_249 = arith.extui %reduce_or3A_248 : i1 to i32
      %cond3A_250 = arith.constant 0 : i32
      %cond3A_251 = arith.cmpi ne, %convert_element_type3A_249, %cond3A_250 : i32
      scf.if %cond3A_251 {
        %while3A = scf.while (%while3A_576 = %ne3A_231) : (vector<16xi1>) -> vector<16xi1> {
          %reduce_or3A_577 = arith.constant 1.000000e+00 : f32
          %reduce_or3A_578 = arith.constant 0.000000e+00 : f32
          %reduce_or3A_579 = vector.broadcast %reduce_or3A_577 : f32 to vector<16xf32>
          %reduce_or3A_580 = vector.broadcast %reduce_or3A_578 : f32 to vector<16xf32>
          %reduce_or3A_581 = arith.select %while3A_576, %reduce_or3A_579, %reduce_or3A_580 : vector<16xi1>, vector<16xf32>
          %reduce_or3A_582 = arith.constant true
          %reduce_or3A_583 = vector.broadcast %reduce_or3A_582 : i1 to vector<16xi1>
          %reduce_or3A_584 = tpu.scan <max>, %reduce_or3A_581 masked %reduce_or3A_583 : vector<16xf32>, vector<16xi1> -> vector<16xf32>
          %reduce_or3A_585 = vector.extract %reduce_or3A_584[15] : f32 from vector<16xf32>
          %reduce_or3A_586 = arith.constant 0.000000e+00 : f32
          %reduce_or3A_587 = arith.cmpf ogt, %reduce_or3A_585, %reduce_or3A_586 : f32
          scf.condition(%reduce_or3A_587) %while3A_576 : vector<16xi1>
        } do {
        ^bb0(%while3A_576: vector<16xi1>):
          %all_reduce_ffs3A = tpu.all_reduce %while3A_576 {dim = 0 : i64, kind = #tpu.reduction_kind<find_first_set>} : vector<16xi1> -> vector<16xi32>
          %broadcast_in_dim3A_577 = arith.constant 80 : i32
          %broadcast_in_dim3A_578 = vector.broadcast %broadcast_in_dim3A_577 : i32 to vector<16xi32>
          %add3A_579 = arith.addi %broadcast_in_dim3A_578, %all_reduce_ffs3A : vector<16xi32>
          %broadcast_in_dim3A_580 = vector.shape_cast %all_reduce_ffs3A : vector<16xi32> to vector<16x1xi32>
          %gather3A_581 = vector.shape_cast %broadcast_in_dim3A_580 : vector<16x1xi32> to vector<16xi32>
          %gather3A_582 = tpu.dynamic_gather %gather3A_227[%gather3A_581] in [0] : vector<16xi32>, vector<16xi32> -> vector<16xi32>
          %add3A_583 = arith.constant 0 : i32
          %add3A_584 = vector.broadcast %add3A_583 : i32 to vector<16xi32>
          %add3A_585 = arith.addi %iota3A, %add3A_584 : vector<16xi32>
          %gather3A_586 = tpu.vector_load_idx %arg11[%gather3A_582, %add3A_585] : memref<128x64xf32, #tpu.memory_space<vmem>>[vector<16xi32>, vector<16xi32>], vector<16xf32>,
          %gather3A_587 = tpu.vector_load_idx %arg11[%add3A_579, %add3A_585] : memref<128x64xf32, #tpu.memory_space<vmem>>[vector<16xi32>, vector<16xi32>], vector<16xf32>,
          %add3A_588 = arith.addf %gather3A_586, %gather3A_587 : vector<16xf32>
          tpu.vector_store_idx %arg11[%gather3A_582, %add3A_585], %add3A_588 : memref<128x64xf32, #tpu.memory_space<vmem>>[vector<16xi32>, vector<16xi32>], vector<16xf32>,
          %broadcast_in_dim3A_589 = arith.constant 0.000000e+00 : f32
          %broadcast_in_dim3A_590 = vector.broadcast %broadcast_in_dim3A_589 : f32 to vector<16xf32>
          tpu.vector_store_idx %arg11[%add3A_579, %add3A_585], %broadcast_in_dim3A_590 : memref<128x64xf32, #tpu.memory_space<vmem>>[vector<16xi32>, vector<16xi32>], vector<16xf32>,
          %add3A_591 = arith.constant 16 : i32
          %add3A_592 = vector.broadcast %add3A_591 : i32 to vector<16xi32>
          %add3A_593 = arith.addi %iota3A, %add3A_592 : vector<16xi32>
          %gather3A_594 = tpu.vector_load_idx %arg11[%gather3A_582, %add3A_593] : memref<128x64xf32, #tpu.memory_space<vmem>>[vector<16xi32>, vector<16xi32>], vector<16xf32>,
          %gather3A_595 = tpu.vector_load_idx %arg11[%add3A_579, %add3A_593] : memref<128x64xf32, #tpu.memory_space<vmem>>[vector<16xi32>, vector<16xi32>], vector<16xf32>,
          %add3A_596 = arith.addf %gather3A_594, %gather3A_595 : vector<16xf32>
          tpu.vector_store_idx %arg11[%gather3A_582, %add3A_593], %add3A_596 : memref<128x64xf32, #tpu.memory_space<vmem>>[vector<16xi32>, vector<16xi32>], vector<16xf32>,
          %broadcast_in_dim3A_597 = arith.constant 0.000000e+00 : f32
          %broadcast_in_dim3A_598 = vector.broadcast %broadcast_in_dim3A_597 : f32 to vector<16xf32>
          tpu.vector_store_idx %arg11[%add3A_579, %add3A_593], %broadcast_in_dim3A_598 : memref<128x64xf32, #tpu.memory_space<vmem>>[vector<16xi32>, vector<16xi32>], vector<16xf32>,
          %add3A_599 = arith.constant 32 : i32
          %add3A_600 = vector.broadcast %add3A_599 : i32 to vector<16xi32>
          %add3A_601 = arith.addi %iota3A, %add3A_600 : vector<16xi32>
          %gather3A_602 = tpu.vector_load_idx %arg11[%gather3A_582, %add3A_601] : memref<128x64xf32, #tpu.memory_space<vmem>>[vector<16xi32>, vector<16xi32>], vector<16xf32>,
          %gather3A_603 = tpu.vector_load_idx %arg11[%add3A_579, %add3A_601] : memref<128x64xf32, #tpu.memory_space<vmem>>[vector<16xi32>, vector<16xi32>], vector<16xf32>,
          %add3A_604 = arith.addf %gather3A_602, %gather3A_603 : vector<16xf32>
          tpu.vector_store_idx %arg11[%gather3A_582, %add3A_601], %add3A_604 : memref<128x64xf32, #tpu.memory_space<vmem>>[vector<16xi32>, vector<16xi32>], vector<16xf32>,
          %broadcast_in_dim3A_605 = arith.constant 0.000000e+00 : f32
          %broadcast_in_dim3A_606 = vector.broadcast %broadcast_in_dim3A_605 : f32 to vector<16xf32>
          tpu.vector_store_idx %arg11[%add3A_579, %add3A_601], %broadcast_in_dim3A_606 : memref<128x64xf32, #tpu.memory_space<vmem>>[vector<16xi32>, vector<16xi32>], vector<16xf32>,
          %add3A_607 = arith.constant 48 : i32
          %add3A_608 = vector.broadcast %add3A_607 : i32 to vector<16xi32>
          %add3A_609 = arith.addi %iota3A, %add3A_608 : vector<16xi32>
          %gather3A_610 = tpu.vector_load_idx %arg11[%gather3A_582, %add3A_609] : memref<128x64xf32, #tpu.memory_space<vmem>>[vector<16xi32>, vector<16xi32>], vector<16xf32>,
          %gather3A_611 = tpu.vector_load_idx %arg11[%add3A_579, %add3A_609] : memref<128x64xf32, #tpu.memory_space<vmem>>[vector<16xi32>, vector<16xi32>], vector<16xf32>,
          %add3A_612 = arith.addf %gather3A_610, %gather3A_611 : vector<16xf32>
          tpu.vector_store_idx %arg11[%gather3A_582, %add3A_609], %add3A_612 : memref<128x64xf32, #tpu.memory_space<vmem>>[vector<16xi32>, vector<16xi32>], vector<16xf32>,
          %broadcast_in_dim3A_613 = arith.constant 0.000000e+00 : f32
          %broadcast_in_dim3A_614 = vector.broadcast %broadcast_in_dim3A_613 : f32 to vector<16xf32>
          tpu.vector_store_idx %arg11[%add3A_579, %add3A_609], %broadcast_in_dim3A_614 : memref<128x64xf32, #tpu.memory_space<vmem>>[vector<16xi32>, vector<16xi32>], vector<16xf32>,
          %ne3A_615 = arith.cmpi ne, %iota3A, %all_reduce_ffs3A : vector<16xi32>
          %and3A = arith.andi %while3A_576, %ne3A_615 : vector<16xi1>
          scf.yield %and3A : vector<16xi1>
        }
      } else {
      }
      %gather3A_252 = tpu.vector_load_idx %arg14[%get3A_81] : memref<16384xi32, #tpu.memory_space<vmem>>[vector<16xi32>], vector<16xi32>,
      %add3A_253 = arith.constant 96 : i32
      %add3A_254 = vector.broadcast %add3A_253 : i32 to vector<16xi32>
      %add3A_255 = arith.addi %iota3A, %add3A_254 : vector<16xi32>
      %ne3A_256 = arith.cmpi ne, %gather3A_252, %add3A_255 : vector<16xi32>
      %add3A_257 = arith.constant 16480 : i32
      %add3A_258 = vector.broadcast %add3A_257 : i32 to vector<16xi32>
      %add3A_259 = arith.addi %add3A_258, %iota3A : vector<16xi32>
      %select_n3A_260 = arith.select %ne3A_256, %add3A_259, %get3A_81 : vector<16xi1>, vector<16xi32>
      %swap3A_261 = arith.constant 96 : index
      %swap3A_262 = tpu.vector_load %arg13[%swap3A_261] {strides = array<i32>} : memref<128xi32, #tpu.memory_space<vmem>>, vector<16xi32>,
      tpu.vector_store %arg13[%swap3A_261], %select_n3A_260 {strides = array<i32>} : memref<128xi32, #tpu.memory_space<vmem>>, vector<16xi32>,
      %reduce_or3A_263 = arith.constant 1.000000e+00 : f32
      %reduce_or3A_264 = arith.constant 0.000000e+00 : f32
      %reduce_or3A_265 = vector.broadcast %reduce_or3A_263 : f32 to vector<16xf32>
      %reduce_or3A_266 = vector.broadcast %reduce_or3A_264 : f32 to vector<16xf32>
      %reduce_or3A_267 = arith.select %ne3A_256, %reduce_or3A_265, %reduce_or3A_266 : vector<16xi1>, vector<16xf32>
      %reduce_or3A_268 = arith.constant true
      %reduce_or3A_269 = vector.broadcast %reduce_or3A_268 : i1 to vector<16xi1>
      %reduce_or3A_270 = tpu.scan <max>, %reduce_or3A_267 masked %reduce_or3A_269 : vector<16xf32>, vector<16xi1> -> vector<16xf32>
      %reduce_or3A_271 = vector.extract %reduce_or3A_270[15] : f32 from vector<16xf32>
      %reduce_or3A_272 = arith.constant 0.000000e+00 : f32
      %reduce_or3A_273 = arith.cmpf ogt, %reduce_or3A_271, %reduce_or3A_272 : f32
      %convert_element_type3A_274 = arith.extui %reduce_or3A_273 : i1 to i32
      %cond3A_275 = arith.constant 0 : i32
      %cond3A_276 = arith.cmpi ne, %convert_element_type3A_274, %cond3A_275 : i32
      scf.if %cond3A_276 {
        %while3A = scf.while (%while3A_576 = %ne3A_256) : (vector<16xi1>) -> vector<16xi1> {
          %reduce_or3A_577 = arith.constant 1.000000e+00 : f32
          %reduce_or3A_578 = arith.constant 0.000000e+00 : f32
          %reduce_or3A_579 = vector.broadcast %reduce_or3A_577 : f32 to vector<16xf32>
          %reduce_or3A_580 = vector.broadcast %reduce_or3A_578 : f32 to vector<16xf32>
          %reduce_or3A_581 = arith.select %while3A_576, %reduce_or3A_579, %reduce_or3A_580 : vector<16xi1>, vector<16xf32>
          %reduce_or3A_582 = arith.constant true
          %reduce_or3A_583 = vector.broadcast %reduce_or3A_582 : i1 to vector<16xi1>
          %reduce_or3A_584 = tpu.scan <max>, %reduce_or3A_581 masked %reduce_or3A_583 : vector<16xf32>, vector<16xi1> -> vector<16xf32>
          %reduce_or3A_585 = vector.extract %reduce_or3A_584[15] : f32 from vector<16xf32>
          %reduce_or3A_586 = arith.constant 0.000000e+00 : f32
          %reduce_or3A_587 = arith.cmpf ogt, %reduce_or3A_585, %reduce_or3A_586 : f32
          scf.condition(%reduce_or3A_587) %while3A_576 : vector<16xi1>
        } do {
        ^bb0(%while3A_576: vector<16xi1>):
          %all_reduce_ffs3A = tpu.all_reduce %while3A_576 {dim = 0 : i64, kind = #tpu.reduction_kind<find_first_set>} : vector<16xi1> -> vector<16xi32>
          %broadcast_in_dim3A_577 = arith.constant 96 : i32
          %broadcast_in_dim3A_578 = vector.broadcast %broadcast_in_dim3A_577 : i32 to vector<16xi32>
          %add3A_579 = arith.addi %broadcast_in_dim3A_578, %all_reduce_ffs3A : vector<16xi32>
          %broadcast_in_dim3A_580 = vector.shape_cast %all_reduce_ffs3A : vector<16xi32> to vector<16x1xi32>
          %gather3A_581 = vector.shape_cast %broadcast_in_dim3A_580 : vector<16x1xi32> to vector<16xi32>
          %gather3A_582 = tpu.dynamic_gather %gather3A_252[%gather3A_581] in [0] : vector<16xi32>, vector<16xi32> -> vector<16xi32>
          %add3A_583 = arith.constant 0 : i32
          %add3A_584 = vector.broadcast %add3A_583 : i32 to vector<16xi32>
          %add3A_585 = arith.addi %iota3A, %add3A_584 : vector<16xi32>
          %gather3A_586 = tpu.vector_load_idx %arg11[%gather3A_582, %add3A_585] : memref<128x64xf32, #tpu.memory_space<vmem>>[vector<16xi32>, vector<16xi32>], vector<16xf32>,
          %gather3A_587 = tpu.vector_load_idx %arg11[%add3A_579, %add3A_585] : memref<128x64xf32, #tpu.memory_space<vmem>>[vector<16xi32>, vector<16xi32>], vector<16xf32>,
          %add3A_588 = arith.addf %gather3A_586, %gather3A_587 : vector<16xf32>
          tpu.vector_store_idx %arg11[%gather3A_582, %add3A_585], %add3A_588 : memref<128x64xf32, #tpu.memory_space<vmem>>[vector<16xi32>, vector<16xi32>], vector<16xf32>,
          %broadcast_in_dim3A_589 = arith.constant 0.000000e+00 : f32
          %broadcast_in_dim3A_590 = vector.broadcast %broadcast_in_dim3A_589 : f32 to vector<16xf32>
          tpu.vector_store_idx %arg11[%add3A_579, %add3A_585], %broadcast_in_dim3A_590 : memref<128x64xf32, #tpu.memory_space<vmem>>[vector<16xi32>, vector<16xi32>], vector<16xf32>,
          %add3A_591 = arith.constant 16 : i32
          %add3A_592 = vector.broadcast %add3A_591 : i32 to vector<16xi32>
          %add3A_593 = arith.addi %iota3A, %add3A_592 : vector<16xi32>
          %gather3A_594 = tpu.vector_load_idx %arg11[%gather3A_582, %add3A_593] : memref<128x64xf32, #tpu.memory_space<vmem>>[vector<16xi32>, vector<16xi32>], vector<16xf32>,
          %gather3A_595 = tpu.vector_load_idx %arg11[%add3A_579, %add3A_593] : memref<128x64xf32, #tpu.memory_space<vmem>>[vector<16xi32>, vector<16xi32>], vector<16xf32>,
          %add3A_596 = arith.addf %gather3A_594, %gather3A_595 : vector<16xf32>
          tpu.vector_store_idx %arg11[%gather3A_582, %add3A_593], %add3A_596 : memref<128x64xf32, #tpu.memory_space<vmem>>[vector<16xi32>, vector<16xi32>], vector<16xf32>,
          %broadcast_in_dim3A_597 = arith.constant 0.000000e+00 : f32
          %broadcast_in_dim3A_598 = vector.broadcast %broadcast_in_dim3A_597 : f32 to vector<16xf32>
          tpu.vector_store_idx %arg11[%add3A_579, %add3A_593], %broadcast_in_dim3A_598 : memref<128x64xf32, #tpu.memory_space<vmem>>[vector<16xi32>, vector<16xi32>], vector<16xf32>,
          %add3A_599 = arith.constant 32 : i32
          %add3A_600 = vector.broadcast %add3A_599 : i32 to vector<16xi32>
          %add3A_601 = arith.addi %iota3A, %add3A_600 : vector<16xi32>
          %gather3A_602 = tpu.vector_load_idx %arg11[%gather3A_582, %add3A_601] : memref<128x64xf32, #tpu.memory_space<vmem>>[vector<16xi32>, vector<16xi32>], vector<16xf32>,
          %gather3A_603 = tpu.vector_load_idx %arg11[%add3A_579, %add3A_601] : memref<128x64xf32, #tpu.memory_space<vmem>>[vector<16xi32>, vector<16xi32>], vector<16xf32>,
          %add3A_604 = arith.addf %gather3A_602, %gather3A_603 : vector<16xf32>
          tpu.vector_store_idx %arg11[%gather3A_582, %add3A_601], %add3A_604 : memref<128x64xf32, #tpu.memory_space<vmem>>[vector<16xi32>, vector<16xi32>], vector<16xf32>,
          %broadcast_in_dim3A_605 = arith.constant 0.000000e+00 : f32
          %broadcast_in_dim3A_606 = vector.broadcast %broadcast_in_dim3A_605 : f32 to vector<16xf32>
          tpu.vector_store_idx %arg11[%add3A_579, %add3A_601], %broadcast_in_dim3A_606 : memref<128x64xf32, #tpu.memory_space<vmem>>[vector<16xi32>, vector<16xi32>], vector<16xf32>,
          %add3A_607 = arith.constant 48 : i32
          %add3A_608 = vector.broadcast %add3A_607 : i32 to vector<16xi32>
          %add3A_609 = arith.addi %iota3A, %add3A_608 : vector<16xi32>
          %gather3A_610 = tpu.vector_load_idx %arg11[%gather3A_582, %add3A_609] : memref<128x64xf32, #tpu.memory_space<vmem>>[vector<16xi32>, vector<16xi32>], vector<16xf32>,
          %gather3A_611 = tpu.vector_load_idx %arg11[%add3A_579, %add3A_609] : memref<128x64xf32, #tpu.memory_space<vmem>>[vector<16xi32>, vector<16xi32>], vector<16xf32>,
          %add3A_612 = arith.addf %gather3A_610, %gather3A_611 : vector<16xf32>
          tpu.vector_store_idx %arg11[%gather3A_582, %add3A_609], %add3A_612 : memref<128x64xf32, #tpu.memory_space<vmem>>[vector<16xi32>, vector<16xi32>], vector<16xf32>,
          %broadcast_in_dim3A_613 = arith.constant 0.000000e+00 : f32
          %broadcast_in_dim3A_614 = vector.broadcast %broadcast_in_dim3A_613 : f32 to vector<16xf32>
          tpu.vector_store_idx %arg11[%add3A_579, %add3A_609], %broadcast_in_dim3A_614 : memref<128x64xf32, #tpu.memory_space<vmem>>[vector<16xi32>, vector<16xi32>], vector<16xf32>,
          %ne3A_615 = arith.cmpi ne, %iota3A, %all_reduce_ffs3A : vector<16xi32>
          %and3A = arith.andi %while3A_576, %ne3A_615 : vector<16xi1>
          scf.yield %and3A : vector<16xi1>
        }
      } else {
      }
      %gather3A_277 = tpu.vector_load_idx %arg14[%get3A_84] : memref<16384xi32, #tpu.memory_space<vmem>>[vector<16xi32>], vector<16xi32>,
      %add3A_278 = arith.constant 112 : i32
      %add3A_279 = vector.broadcast %add3A_278 : i32 to vector<16xi32>
      %add3A_280 = arith.addi %iota3A, %add3A_279 : vector<16xi32>
      %ne3A_281 = arith.cmpi ne, %gather3A_277, %add3A_280 : vector<16xi32>
      %add3A_282 = arith.constant 16496 : i32
      %add3A_283 = vector.broadcast %add3A_282 : i32 to vector<16xi32>
      %add3A_284 = arith.addi %add3A_283, %iota3A : vector<16xi32>
      %select_n3A_285 = arith.select %ne3A_281, %add3A_284, %get3A_84 : vector<16xi1>, vector<16xi32>
      %swap3A_286 = arith.constant 112 : index
      %swap3A_287 = tpu.vector_load %arg13[%swap3A_286] {strides = array<i32>} : memref<128xi32, #tpu.memory_space<vmem>>, vector<16xi32>,
      tpu.vector_store %arg13[%swap3A_286], %select_n3A_285 {strides = array<i32>} : memref<128xi32, #tpu.memory_space<vmem>>, vector<16xi32>,
      %reduce_or3A_288 = arith.constant 1.000000e+00 : f32
      %reduce_or3A_289 = arith.constant 0.000000e+00 : f32
      %reduce_or3A_290 = vector.broadcast %reduce_or3A_288 : f32 to vector<16xf32>
      %reduce_or3A_291 = vector.broadcast %reduce_or3A_289 : f32 to vector<16xf32>
      %reduce_or3A_292 = arith.select %ne3A_281, %reduce_or3A_290, %reduce_or3A_291 : vector<16xi1>, vector<16xf32>
      %reduce_or3A_293 = arith.constant true
      %reduce_or3A_294 = vector.broadcast %reduce_or3A_293 : i1 to vector<16xi1>
      %reduce_or3A_295 = tpu.scan <max>, %reduce_or3A_292 masked %reduce_or3A_294 : vector<16xf32>, vector<16xi1> -> vector<16xf32>
      %reduce_or3A_296 = vector.extract %reduce_or3A_295[15] : f32 from vector<16xf32>
      %reduce_or3A_297 = arith.constant 0.000000e+00 : f32
      %reduce_or3A_298 = arith.cmpf ogt, %reduce_or3A_296, %reduce_or3A_297 : f32
      %convert_element_type3A_299 = arith.extui %reduce_or3A_298 : i1 to i32
      %cond3A_300 = arith.constant 0 : i32
      %cond3A_301 = arith.cmpi ne, %convert_element_type3A_299, %cond3A_300 : i32
      scf.if %cond3A_301 {
        %while3A = scf.while (%while3A_576 = %ne3A_281) : (vector<16xi1>) -> vector<16xi1> {
          %reduce_or3A_577 = arith.constant 1.000000e+00 : f32
          %reduce_or3A_578 = arith.constant 0.000000e+00 : f32
          %reduce_or3A_579 = vector.broadcast %reduce_or3A_577 : f32 to vector<16xf32>
          %reduce_or3A_580 = vector.broadcast %reduce_or3A_578 : f32 to vector<16xf32>
          %reduce_or3A_581 = arith.select %while3A_576, %reduce_or3A_579, %reduce_or3A_580 : vector<16xi1>, vector<16xf32>
          %reduce_or3A_582 = arith.constant true
          %reduce_or3A_583 = vector.broadcast %reduce_or3A_582 : i1 to vector<16xi1>
          %reduce_or3A_584 = tpu.scan <max>, %reduce_or3A_581 masked %reduce_or3A_583 : vector<16xf32>, vector<16xi1> -> vector<16xf32>
          %reduce_or3A_585 = vector.extract %reduce_or3A_584[15] : f32 from vector<16xf32>
          %reduce_or3A_586 = arith.constant 0.000000e+00 : f32
          %reduce_or3A_587 = arith.cmpf ogt, %reduce_or3A_585, %reduce_or3A_586 : f32
          scf.condition(%reduce_or3A_587) %while3A_576 : vector<16xi1>
        } do {
        ^bb0(%while3A_576: vector<16xi1>):
          %all_reduce_ffs3A = tpu.all_reduce %while3A_576 {dim = 0 : i64, kind = #tpu.reduction_kind<find_first_set>} : vector<16xi1> -> vector<16xi32>
          %broadcast_in_dim3A_577 = arith.constant 112 : i32
          %broadcast_in_dim3A_578 = vector.broadcast %broadcast_in_dim3A_577 : i32 to vector<16xi32>
          %add3A_579 = arith.addi %broadcast_in_dim3A_578, %all_reduce_ffs3A : vector<16xi32>
          %broadcast_in_dim3A_580 = vector.shape_cast %all_reduce_ffs3A : vector<16xi32> to vector<16x1xi32>
          %gather3A_581 = vector.shape_cast %broadcast_in_dim3A_580 : vector<16x1xi32> to vector<16xi32>
          %gather3A_582 = tpu.dynamic_gather %gather3A_277[%gather3A_581] in [0] : vector<16xi32>, vector<16xi32> -> vector<16xi32>
          %add3A_583 = arith.constant 0 : i32
          %add3A_584 = vector.broadcast %add3A_583 : i32 to vector<16xi32>
          %add3A_585 = arith.addi %iota3A, %add3A_584 : vector<16xi32>
          %gather3A_586 = tpu.vector_load_idx %arg11[%gather3A_582, %add3A_585] : memref<128x64xf32, #tpu.memory_space<vmem>>[vector<16xi32>, vector<16xi32>], vector<16xf32>,
          %gather3A_587 = tpu.vector_load_idx %arg11[%add3A_579, %add3A_585] : memref<128x64xf32, #tpu.memory_space<vmem>>[vector<16xi32>, vector<16xi32>], vector<16xf32>,
          %add3A_588 = arith.addf %gather3A_586, %gather3A_587 : vector<16xf32>
          tpu.vector_store_idx %arg11[%gather3A_582, %add3A_585], %add3A_588 : memref<128x64xf32, #tpu.memory_space<vmem>>[vector<16xi32>, vector<16xi32>], vector<16xf32>,
          %broadcast_in_dim3A_589 = arith.constant 0.000000e+00 : f32
          %broadcast_in_dim3A_590 = vector.broadcast %broadcast_in_dim3A_589 : f32 to vector<16xf32>
          tpu.vector_store_idx %arg11[%add3A_579, %add3A_585], %broadcast_in_dim3A_590 : memref<128x64xf32, #tpu.memory_space<vmem>>[vector<16xi32>, vector<16xi32>], vector<16xf32>,
          %add3A_591 = arith.constant 16 : i32
          %add3A_592 = vector.broadcast %add3A_591 : i32 to vector<16xi32>
          %add3A_593 = arith.addi %iota3A, %add3A_592 : vector<16xi32>
          %gather3A_594 = tpu.vector_load_idx %arg11[%gather3A_582, %add3A_593] : memref<128x64xf32, #tpu.memory_space<vmem>>[vector<16xi32>, vector<16xi32>], vector<16xf32>,
          %gather3A_595 = tpu.vector_load_idx %arg11[%add3A_579, %add3A_593] : memref<128x64xf32, #tpu.memory_space<vmem>>[vector<16xi32>, vector<16xi32>], vector<16xf32>,
          %add3A_596 = arith.addf %gather3A_594, %gather3A_595 : vector<16xf32>
          tpu.vector_store_idx %arg11[%gather3A_582, %add3A_593], %add3A_596 : memref<128x64xf32, #tpu.memory_space<vmem>>[vector<16xi32>, vector<16xi32>], vector<16xf32>,
          %broadcast_in_dim3A_597 = arith.constant 0.000000e+00 : f32
          %broadcast_in_dim3A_598 = vector.broadcast %broadcast_in_dim3A_597 : f32 to vector<16xf32>
          tpu.vector_store_idx %arg11[%add3A_579, %add3A_593], %broadcast_in_dim3A_598 : memref<128x64xf32, #tpu.memory_space<vmem>>[vector<16xi32>, vector<16xi32>], vector<16xf32>,
          %add3A_599 = arith.constant 32 : i32
          %add3A_600 = vector.broadcast %add3A_599 : i32 to vector<16xi32>
          %add3A_601 = arith.addi %iota3A, %add3A_600 : vector<16xi32>
          %gather3A_602 = tpu.vector_load_idx %arg11[%gather3A_582, %add3A_601] : memref<128x64xf32, #tpu.memory_space<vmem>>[vector<16xi32>, vector<16xi32>], vector<16xf32>,
          %gather3A_603 = tpu.vector_load_idx %arg11[%add3A_579, %add3A_601] : memref<128x64xf32, #tpu.memory_space<vmem>>[vector<16xi32>, vector<16xi32>], vector<16xf32>,
          %add3A_604 = arith.addf %gather3A_602, %gather3A_603 : vector<16xf32>
          tpu.vector_store_idx %arg11[%gather3A_582, %add3A_601], %add3A_604 : memref<128x64xf32, #tpu.memory_space<vmem>>[vector<16xi32>, vector<16xi32>], vector<16xf32>,
          %broadcast_in_dim3A_605 = arith.constant 0.000000e+00 : f32
          %broadcast_in_dim3A_606 = vector.broadcast %broadcast_in_dim3A_605 : f32 to vector<16xf32>
          tpu.vector_store_idx %arg11[%add3A_579, %add3A_601], %broadcast_in_dim3A_606 : memref<128x64xf32, #tpu.memory_space<vmem>>[vector<16xi32>, vector<16xi32>], vector<16xf32>,
          %add3A_607 = arith.constant 48 : i32
          %add3A_608 = vector.broadcast %add3A_607 : i32 to vector<16xi32>
          %add3A_609 = arith.addi %iota3A, %add3A_608 : vector<16xi32>
          %gather3A_610 = tpu.vector_load_idx %arg11[%gather3A_582, %add3A_609] : memref<128x64xf32, #tpu.memory_space<vmem>>[vector<16xi32>, vector<16xi32>], vector<16xf32>,
          %gather3A_611 = tpu.vector_load_idx %arg11[%add3A_579, %add3A_609] : memref<128x64xf32, #tpu.memory_space<vmem>>[vector<16xi32>, vector<16xi32>], vector<16xf32>,
          %add3A_612 = arith.addf %gather3A_610, %gather3A_611 : vector<16xf32>
          tpu.vector_store_idx %arg11[%gather3A_582, %add3A_609], %add3A_612 : memref<128x64xf32, #tpu.memory_space<vmem>>[vector<16xi32>, vector<16xi32>], vector<16xf32>,
          %broadcast_in_dim3A_613 = arith.constant 0.000000e+00 : f32
          %broadcast_in_dim3A_614 = vector.broadcast %broadcast_in_dim3A_613 : f32 to vector<16xf32>
          tpu.vector_store_idx %arg11[%add3A_579, %add3A_609], %broadcast_in_dim3A_614 : memref<128x64xf32, #tpu.memory_space<vmem>>[vector<16xi32>, vector<16xi32>], vector<16xf32>,
          %ne3A_615 = arith.cmpi ne, %iota3A, %all_reduce_ffs3A : vector<16xi32>
          %and3A = arith.andi %while3A_576, %ne3A_615 : vector<16xi1>
          scf.yield %and3A : vector<16xi1>
        }
      } else {
      }
      "tpu.region"() ({
        %run_scoped3A = tpu.sem_alloc : memref<!tpu.dma_semaphore, #tpu.memory_space<semaphore_mem>>
        %dma_start3A_576 = arith.constant 0 : i32
        %dma_start3A_577 = arith.constant 0 : i32
        %dma_start3A_578 = tpu.memref_slice %arg7[%dma_start3A_576, %dma_start3A_577] : memref<16512x64xf32, #tpu.memory_space<vmem_shared>> -> memref<16512x64xf32, #tpu.memory_space<vmem_shared>>
        tpu.enqueue_indirect_dma source(%arg11 : memref<128x64xf32, #tpu.memory_space<vmem>>) target(%dma_start3A_578 : memref<16512x64xf32, #tpu.memory_space<vmem_shared>>) offsets(%arg13 : memref<128xi32, #tpu.memory_space<vmem>>) semaphore(%run_scoped3A : memref<!tpu.dma_semaphore, #tpu.memory_space<semaphore_mem>>) {add = true}
        %dma_wait3A_579 = arith.constant 0 : i32
        %dma_wait3A_580 = arith.constant 0 : i32
        %dma_wait3A_581 = tpu.memref_slice %arg7[%dma_wait3A_579, %dma_wait3A_580] : memref<16512x64xf32, #tpu.memory_space<vmem_shared>> -> memref<16512x64xf32, #tpu.memory_space<vmem_shared>>
        tpu.wait_indirect_dma semaphore(%run_scoped3A : memref<!tpu.dma_semaphore, #tpu.memory_space<semaphore_mem>>) src(%arg11 : memref<128x64xf32, #tpu.memory_space<vmem>>) dst(%dma_wait3A_581 : memref<16512x64xf32, #tpu.memory_space<vmem_shared>>)
        tpu.yield
      }) : () -> ()
      %add3A_302 = arith.constant 2 : i32
      %add3A_303 = arith.addi %add3A_51, %add3A_302 : i32
      %lt3A = arith.constant 66 : i32
      %lt3A_304 = arith.cmpi slt, %add3A_303, %lt3A : i32
      %convert_element_type3A_305 = arith.extui %lt3A_304 : i1 to i32
      %cond3A_306 = arith.constant 0 : i32
      %cond3A_307 = arith.cmpi ne, %convert_element_type3A_305, %cond3A_306 : i32
      scf.if %cond3A_307 {
        %add3A_576 = arith.constant 2 : i32
        %add3A_577 = arith.addi %add3A_51, %add3A_576 : i32
        %dma_start3A_578 = arith.constant 0 : i32
        %dma_start3A_579 = tpu.memref_slice %arg8[%add3A_577, %dma_start3A_578] : memref<66x128xi32, #tpu.memory_space<vmem>> -> memref<1x128xi32, #tpu.memory_space<vmem>>
        %dma_start3A_580 = tpu.memref_squeeze %dma_start3A_579 : memref<1x128xi32, #tpu.memory_space<vmem>> -> memref<128xi32, #tpu.memory_space<vmem>>
        %dma_start3A_581 = arith.constant 0 : i32
        %dma_start3A_582 = arith.constant 0 : i32
        %dma_start3A_583 = tpu.memref_slice %arg2[%dma_start3A_581, %dma_start3A_582] : memref<16384x64xf32, #tpu.memory_space<hbm>> -> memref<16384x64xf32, #tpu.memory_space<hbm>>
        tpu.enqueue_indirect_dma source(%dma_start3A_583 : memref<16384x64xf32, #tpu.memory_space<hbm>>) target(%arg11 : memref<128x64xf32, #tpu.memory_space<vmem>>) offsets(%dma_start3A_580 : memref<128xi32, #tpu.memory_space<vmem>>) semaphore(%arg15 : memref<!tpu.dma_semaphore, #tpu.memory_space<semaphore_mem>>)
      } else {
      }
      %add3A_308 = arith.constant 1 : i32
      %add3A_309 = arith.addi %add3A_51, %add3A_308 : i32
      %dma_wait3A_310 = arith.constant 0 : i32
      %dma_wait3A_311 = tpu.memref_slice %arg8[%add3A_309, %dma_wait3A_310] : memref<66x128xi32, #tpu.memory_space<vmem>> -> memref<1x128xi32, #tpu.memory_space<vmem>>
      %dma_wait3A_312 = tpu.memref_squeeze %dma_wait3A_311 : memref<1x128xi32, #tpu.memory_space<vmem>> -> memref<128xi32, #tpu.memory_space<vmem>>
      %dma_wait3A_313 = arith.constant 0 : i32
      %dma_wait3A_314 = arith.constant 0 : i32
      %dma_wait3A_315 = tpu.memref_slice %arg2[%dma_wait3A_313, %dma_wait3A_314] : memref<16384x64xf32, #tpu.memory_space<hbm>> -> memref<16384x64xf32, #tpu.memory_space<hbm>>
      tpu.wait_indirect_dma semaphore(%arg16 : memref<!tpu.dma_semaphore, #tpu.memory_space<semaphore_mem>>) src(%dma_wait3A_315 : memref<16384x64xf32, #tpu.memory_space<hbm>>) dst(%arg12 : memref<128x64xf32, #tpu.memory_space<vmem>>)
      %scan3A_316 = arith.constant 0 : i32
      %scan3A_317 = arith.constant 128 : i32
      %scan3A_318 = arith.addi %scan3A_316, %scan3A_317 : i32
      %scan3A_319 = arith.constant 1 : i32
      scf.for %scan3A_576 = %scan3A_316 to %scan3A_318 step %scan3A_319  : i32 {
        %mul3A_577 = arith.constant 1 : i32
        %mul3A_578 = arith.muli %scan3A_576, %mul3A_577 : i32
        %add3A_579 = arith.constant 0 : i32
        %add3A_580 = arith.addi %add3A_579, %mul3A_578 : i32
        %broadcast_in_dim3A_581 = arith.constant 16 : i32
        %broadcast_in_dim3A_582 = vector.broadcast %broadcast_in_dim3A_581 : i32 to vector<16xi32>
        %mul3A_583 = arith.constant 128 : i32
        %mul3A_584 = arith.muli %add3A_309, %mul3A_583 : i32
        %add3A_585 = arith.addi %mul3A_584, %add3A_580 : i32
        %add3A_586 = vector.broadcast %add3A_585 : i32 to vector<16xi32>
        %add3A_587 = arith.addi %broadcast_in_dim3A_582, %add3A_586 : vector<16xi32>
        %gather3A_588 = tpu.vector_load_idx %arg10[%add3A_587] : memref<8464xf32, #tpu.memory_space<vmem>>[vector<16xi32>], vector<16xf32>,
        %get3A_589 = arith.index_cast %add3A_580 : i32 to index
        %get3A_590 = arith.constant 0 : index
        %get3A_591 = tpu.vector_load %arg12[%get3A_589, %get3A_590] {strides = array<i32>} : memref<128x64xf32, #tpu.memory_space<vmem>>, vector<16xf32>,
        %mul3A_592 = arith.mulf %get3A_591, %gather3A_588 : vector<16xf32>
        %swap3A_593 = arith.index_cast %add3A_580 : i32 to index
        %swap3A_594 = arith.constant 0 : index
        %swap3A_595 = tpu.vector_load %arg12[%swap3A_593, %swap3A_594] {strides = array<i32>} : memref<128x64xf32, #tpu.memory_space<vmem>>, vector<16xf32>,
        tpu.vector_store %arg12[%swap3A_593, %swap3A_594], %mul3A_592 {strides = array<i32>} : memref<128x64xf32, #tpu.memory_space<vmem>>, vector<16xf32>,
        %get3A_596 = arith.index_cast %add3A_580 : i32 to index
        %get3A_597 = arith.constant 16 : index
        %get3A_598 = tpu.vector_load %arg12[%get3A_596, %get3A_597] {strides = array<i32>} : memref<128x64xf32, #tpu.memory_space<vmem>>, vector<16xf32>,
        %mul3A_599 = arith.mulf %get3A_598, %gather3A_588 : vector<16xf32>
        %swap3A_600 = arith.index_cast %add3A_580 : i32 to index
        %swap3A_601 = arith.constant 16 : index
        %swap3A_602 = tpu.vector_load %arg12[%swap3A_600, %swap3A_601] {strides = array<i32>} : memref<128x64xf32, #tpu.memory_space<vmem>>, vector<16xf32>,
        tpu.vector_store %arg12[%swap3A_600, %swap3A_601], %mul3A_599 {strides = array<i32>} : memref<128x64xf32, #tpu.memory_space<vmem>>, vector<16xf32>,
        %get3A_603 = arith.index_cast %add3A_580 : i32 to index
        %get3A_604 = arith.constant 32 : index
        %get3A_605 = tpu.vector_load %arg12[%get3A_603, %get3A_604] {strides = array<i32>} : memref<128x64xf32, #tpu.memory_space<vmem>>, vector<16xf32>,
        %mul3A_606 = arith.mulf %get3A_605, %gather3A_588 : vector<16xf32>
        %swap3A_607 = arith.index_cast %add3A_580 : i32 to index
        %swap3A_608 = arith.constant 32 : index
        %swap3A_609 = tpu.vector_load %arg12[%swap3A_607, %swap3A_608] {strides = array<i32>} : memref<128x64xf32, #tpu.memory_space<vmem>>, vector<16xf32>,
        tpu.vector_store %arg12[%swap3A_607, %swap3A_608], %mul3A_606 {strides = array<i32>} : memref<128x64xf32, #tpu.memory_space<vmem>>, vector<16xf32>,
        %get3A_610 = arith.index_cast %add3A_580 : i32 to index
        %get3A_611 = arith.constant 48 : index
        %get3A_612 = tpu.vector_load %arg12[%get3A_610, %get3A_611] {strides = array<i32>} : memref<128x64xf32, #tpu.memory_space<vmem>>, vector<16xf32>,
        %mul3A_613 = arith.mulf %get3A_612, %gather3A_588 : vector<16xf32>
        %swap3A_614 = arith.index_cast %add3A_580 : i32 to index
        %swap3A_615 = arith.constant 48 : index
        %swap3A_616 = tpu.vector_load %arg12[%swap3A_614, %swap3A_615] {strides = array<i32>} : memref<128x64xf32, #tpu.memory_space<vmem>>, vector<16xf32>,
        tpu.vector_store %arg12[%swap3A_614, %swap3A_615], %mul3A_613 {strides = array<i32>} : memref<128x64xf32, #tpu.memory_space<vmem>>, vector<16xf32>,
      }
      %scan3A_320 = arith.constant 128 : i32
      %get3A_321 = arith.index_cast %add3A_309 : i32 to index
      %get3A_322 = arith.constant 0 : index
      %get3A_323 = tpu.vector_load %arg9[%get3A_321, %get3A_322] {strides = array<i32>} : memref<66x128xi32, #tpu.memory_space<vmem>>, vector<16xi32>,
      %get3A_324 = arith.index_cast %add3A_309 : i32 to index
      %get3A_325 = arith.constant 16 : index
      %get3A_326 = tpu.vector_load %arg9[%get3A_324, %get3A_325] {strides = array<i32>} : memref<66x128xi32, #tpu.memory_space<vmem>>, vector<16xi32>,
      %get3A_327 = arith.index_cast %add3A_309 : i32 to index
      %get3A_328 = arith.constant 32 : index
      %get3A_329 = tpu.vector_load %arg9[%get3A_327, %get3A_328] {strides = array<i32>} : memref<66x128xi32, #tpu.memory_space<vmem>>, vector<16xi32>,
      %get3A_330 = arith.index_cast %add3A_309 : i32 to index
      %get3A_331 = arith.constant 48 : index
      %get3A_332 = tpu.vector_load %arg9[%get3A_330, %get3A_331] {strides = array<i32>} : memref<66x128xi32, #tpu.memory_space<vmem>>, vector<16xi32>,
      %get3A_333 = arith.index_cast %add3A_309 : i32 to index
      %get3A_334 = arith.constant 64 : index
      %get3A_335 = tpu.vector_load %arg9[%get3A_333, %get3A_334] {strides = array<i32>} : memref<66x128xi32, #tpu.memory_space<vmem>>, vector<16xi32>,
      %get3A_336 = arith.index_cast %add3A_309 : i32 to index
      %get3A_337 = arith.constant 80 : index
      %get3A_338 = tpu.vector_load %arg9[%get3A_336, %get3A_337] {strides = array<i32>} : memref<66x128xi32, #tpu.memory_space<vmem>>, vector<16xi32>,
      %get3A_339 = arith.index_cast %add3A_309 : i32 to index
      %get3A_340 = arith.constant 96 : index
      %get3A_341 = tpu.vector_load %arg9[%get3A_339, %get3A_340] {strides = array<i32>} : memref<66x128xi32, #tpu.memory_space<vmem>>, vector<16xi32>,
      %get3A_342 = arith.index_cast %add3A_309 : i32 to index
      %get3A_343 = arith.constant 112 : index
      %get3A_344 = tpu.vector_load %arg9[%get3A_342, %get3A_343] {strides = array<i32>} : memref<66x128xi32, #tpu.memory_space<vmem>>, vector<16xi32>,
      %add3A_345 = arith.constant 0 : i32
      %add3A_346 = vector.broadcast %add3A_345 : i32 to vector<16xi32>
      %add3A_347 = arith.addi %iota3A, %add3A_346 : vector<16xi32>
      tpu.vector_store_idx %arg14[%get3A_323], %add3A_347 : memref<16384xi32, #tpu.memory_space<vmem>>[vector<16xi32>], vector<16xi32>,
      %add3A_348 = arith.constant 16 : i32
      %add3A_349 = vector.broadcast %add3A_348 : i32 to vector<16xi32>
      %add3A_350 = arith.addi %iota3A, %add3A_349 : vector<16xi32>
      tpu.vector_store_idx %arg14[%get3A_326], %add3A_350 : memref<16384xi32, #tpu.memory_space<vmem>>[vector<16xi32>], vector<16xi32>,
      %add3A_351 = arith.constant 32 : i32
      %add3A_352 = vector.broadcast %add3A_351 : i32 to vector<16xi32>
      %add3A_353 = arith.addi %iota3A, %add3A_352 : vector<16xi32>
      tpu.vector_store_idx %arg14[%get3A_329], %add3A_353 : memref<16384xi32, #tpu.memory_space<vmem>>[vector<16xi32>], vector<16xi32>,
      %add3A_354 = arith.constant 48 : i32
      %add3A_355 = vector.broadcast %add3A_354 : i32 to vector<16xi32>
      %add3A_356 = arith.addi %iota3A, %add3A_355 : vector<16xi32>
      tpu.vector_store_idx %arg14[%get3A_332], %add3A_356 : memref<16384xi32, #tpu.memory_space<vmem>>[vector<16xi32>], vector<16xi32>,
      %add3A_357 = arith.constant 64 : i32
      %add3A_358 = vector.broadcast %add3A_357 : i32 to vector<16xi32>
      %add3A_359 = arith.addi %iota3A, %add3A_358 : vector<16xi32>
      tpu.vector_store_idx %arg14[%get3A_335], %add3A_359 : memref<16384xi32, #tpu.memory_space<vmem>>[vector<16xi32>], vector<16xi32>,
      %add3A_360 = arith.constant 80 : i32
      %add3A_361 = vector.broadcast %add3A_360 : i32 to vector<16xi32>
      %add3A_362 = arith.addi %iota3A, %add3A_361 : vector<16xi32>
      tpu.vector_store_idx %arg14[%get3A_338], %add3A_362 : memref<16384xi32, #tpu.memory_space<vmem>>[vector<16xi32>], vector<16xi32>,
      %add3A_363 = arith.constant 96 : i32
      %add3A_364 = vector.broadcast %add3A_363 : i32 to vector<16xi32>
      %add3A_365 = arith.addi %iota3A, %add3A_364 : vector<16xi32>
      tpu.vector_store_idx %arg14[%get3A_341], %add3A_365 : memref<16384xi32, #tpu.memory_space<vmem>>[vector<16xi32>], vector<16xi32>,
      %add3A_366 = arith.constant 112 : i32
      %add3A_367 = vector.broadcast %add3A_366 : i32 to vector<16xi32>
      %add3A_368 = arith.addi %iota3A, %add3A_367 : vector<16xi32>
      tpu.vector_store_idx %arg14[%get3A_344], %add3A_368 : memref<16384xi32, #tpu.memory_space<vmem>>[vector<16xi32>], vector<16xi32>,
      %gather3A_369 = tpu.vector_load_idx %arg14[%get3A_323] : memref<16384xi32, #tpu.memory_space<vmem>>[vector<16xi32>], vector<16xi32>,
      %add3A_370 = arith.constant 0 : i32
      %add3A_371 = vector.broadcast %add3A_370 : i32 to vector<16xi32>
      %add3A_372 = arith.addi %iota3A, %add3A_371 : vector<16xi32>
      %ne3A_373 = arith.cmpi ne, %gather3A_369, %add3A_372 : vector<16xi32>
      %add3A_374 = arith.constant 16384 : i32
      %add3A_375 = vector.broadcast %add3A_374 : i32 to vector<16xi32>
      %add3A_376 = arith.addi %add3A_375, %iota3A : vector<16xi32>
      %select_n3A_377 = arith.select %ne3A_373, %add3A_376, %get3A_323 : vector<16xi1>, vector<16xi32>
      %swap3A_378 = arith.constant 0 : index
      %swap3A_379 = tpu.vector_load %arg13[%swap3A_378] {strides = array<i32>} : memref<128xi32, #tpu.memory_space<vmem>>, vector<16xi32>,
      tpu.vector_store %arg13[%swap3A_378], %select_n3A_377 {strides = array<i32>} : memref<128xi32, #tpu.memory_space<vmem>>, vector<16xi32>,
      %reduce_or3A_380 = arith.constant 1.000000e+00 : f32
      %reduce_or3A_381 = arith.constant 0.000000e+00 : f32
      %reduce_or3A_382 = vector.broadcast %reduce_or3A_380 : f32 to vector<16xf32>
      %reduce_or3A_383 = vector.broadcast %reduce_or3A_381 : f32 to vector<16xf32>
      %reduce_or3A_384 = arith.select %ne3A_373, %reduce_or3A_382, %reduce_or3A_383 : vector<16xi1>, vector<16xf32>
      %reduce_or3A_385 = arith.constant true
      %reduce_or3A_386 = vector.broadcast %reduce_or3A_385 : i1 to vector<16xi1>
      %reduce_or3A_387 = tpu.scan <max>, %reduce_or3A_384 masked %reduce_or3A_386 : vector<16xf32>, vector<16xi1> -> vector<16xf32>
      %reduce_or3A_388 = vector.extract %reduce_or3A_387[15] : f32 from vector<16xf32>
      %reduce_or3A_389 = arith.constant 0.000000e+00 : f32
      %reduce_or3A_390 = arith.cmpf ogt, %reduce_or3A_388, %reduce_or3A_389 : f32
      %convert_element_type3A_391 = arith.extui %reduce_or3A_390 : i1 to i32
      %cond3A_392 = arith.constant 0 : i32
      %cond3A_393 = arith.cmpi ne, %convert_element_type3A_391, %cond3A_392 : i32
      scf.if %cond3A_393 {
        %while3A = scf.while (%while3A_576 = %ne3A_373) : (vector<16xi1>) -> vector<16xi1> {
          %reduce_or3A_577 = arith.constant 1.000000e+00 : f32
          %reduce_or3A_578 = arith.constant 0.000000e+00 : f32
          %reduce_or3A_579 = vector.broadcast %reduce_or3A_577 : f32 to vector<16xf32>
          %reduce_or3A_580 = vector.broadcast %reduce_or3A_578 : f32 to vector<16xf32>
          %reduce_or3A_581 = arith.select %while3A_576, %reduce_or3A_579, %reduce_or3A_580 : vector<16xi1>, vector<16xf32>
          %reduce_or3A_582 = arith.constant true
          %reduce_or3A_583 = vector.broadcast %reduce_or3A_582 : i1 to vector<16xi1>
          %reduce_or3A_584 = tpu.scan <max>, %reduce_or3A_581 masked %reduce_or3A_583 : vector<16xf32>, vector<16xi1> -> vector<16xf32>
          %reduce_or3A_585 = vector.extract %reduce_or3A_584[15] : f32 from vector<16xf32>
          %reduce_or3A_586 = arith.constant 0.000000e+00 : f32
          %reduce_or3A_587 = arith.cmpf ogt, %reduce_or3A_585, %reduce_or3A_586 : f32
          scf.condition(%reduce_or3A_587) %while3A_576 : vector<16xi1>
        } do {
        ^bb0(%while3A_576: vector<16xi1>):
          %all_reduce_ffs3A = tpu.all_reduce %while3A_576 {dim = 0 : i64, kind = #tpu.reduction_kind<find_first_set>} : vector<16xi1> -> vector<16xi32>
          %broadcast_in_dim3A_577 = arith.constant 0 : i32
          %broadcast_in_dim3A_578 = vector.broadcast %broadcast_in_dim3A_577 : i32 to vector<16xi32>
          %add3A_579 = arith.addi %broadcast_in_dim3A_578, %all_reduce_ffs3A : vector<16xi32>
          %broadcast_in_dim3A_580 = vector.shape_cast %all_reduce_ffs3A : vector<16xi32> to vector<16x1xi32>
          %gather3A_581 = vector.shape_cast %broadcast_in_dim3A_580 : vector<16x1xi32> to vector<16xi32>
          %gather3A_582 = tpu.dynamic_gather %gather3A_369[%gather3A_581] in [0] : vector<16xi32>, vector<16xi32> -> vector<16xi32>
          %add3A_583 = arith.constant 0 : i32
          %add3A_584 = vector.broadcast %add3A_583 : i32 to vector<16xi32>
          %add3A_585 = arith.addi %iota3A, %add3A_584 : vector<16xi32>
          %gather3A_586 = tpu.vector_load_idx %arg12[%gather3A_582, %add3A_585] : memref<128x64xf32, #tpu.memory_space<vmem>>[vector<16xi32>, vector<16xi32>], vector<16xf32>,
          %gather3A_587 = tpu.vector_load_idx %arg12[%add3A_579, %add3A_585] : memref<128x64xf32, #tpu.memory_space<vmem>>[vector<16xi32>, vector<16xi32>], vector<16xf32>,
          %add3A_588 = arith.addf %gather3A_586, %gather3A_587 : vector<16xf32>
          tpu.vector_store_idx %arg12[%gather3A_582, %add3A_585], %add3A_588 : memref<128x64xf32, #tpu.memory_space<vmem>>[vector<16xi32>, vector<16xi32>], vector<16xf32>,
          %broadcast_in_dim3A_589 = arith.constant 0.000000e+00 : f32
          %broadcast_in_dim3A_590 = vector.broadcast %broadcast_in_dim3A_589 : f32 to vector<16xf32>
          tpu.vector_store_idx %arg12[%add3A_579, %add3A_585], %broadcast_in_dim3A_590 : memref<128x64xf32, #tpu.memory_space<vmem>>[vector<16xi32>, vector<16xi32>], vector<16xf32>,
          %add3A_591 = arith.constant 16 : i32
          %add3A_592 = vector.broadcast %add3A_591 : i32 to vector<16xi32>
          %add3A_593 = arith.addi %iota3A, %add3A_592 : vector<16xi32>
          %gather3A_594 = tpu.vector_load_idx %arg12[%gather3A_582, %add3A_593] : memref<128x64xf32, #tpu.memory_space<vmem>>[vector<16xi32>, vector<16xi32>], vector<16xf32>,
          %gather3A_595 = tpu.vector_load_idx %arg12[%add3A_579, %add3A_593] : memref<128x64xf32, #tpu.memory_space<vmem>>[vector<16xi32>, vector<16xi32>], vector<16xf32>,
          %add3A_596 = arith.addf %gather3A_594, %gather3A_595 : vector<16xf32>
          tpu.vector_store_idx %arg12[%gather3A_582, %add3A_593], %add3A_596 : memref<128x64xf32, #tpu.memory_space<vmem>>[vector<16xi32>, vector<16xi32>], vector<16xf32>,
          %broadcast_in_dim3A_597 = arith.constant 0.000000e+00 : f32
          %broadcast_in_dim3A_598 = vector.broadcast %broadcast_in_dim3A_597 : f32 to vector<16xf32>
          tpu.vector_store_idx %arg12[%add3A_579, %add3A_593], %broadcast_in_dim3A_598 : memref<128x64xf32, #tpu.memory_space<vmem>>[vector<16xi32>, vector<16xi32>], vector<16xf32>,
          %add3A_599 = arith.constant 32 : i32
          %add3A_600 = vector.broadcast %add3A_599 : i32 to vector<16xi32>
          %add3A_601 = arith.addi %iota3A, %add3A_600 : vector<16xi32>
          %gather3A_602 = tpu.vector_load_idx %arg12[%gather3A_582, %add3A_601] : memref<128x64xf32, #tpu.memory_space<vmem>>[vector<16xi32>, vector<16xi32>], vector<16xf32>,
          %gather3A_603 = tpu.vector_load_idx %arg12[%add3A_579, %add3A_601] : memref<128x64xf32, #tpu.memory_space<vmem>>[vector<16xi32>, vector<16xi32>], vector<16xf32>,
          %add3A_604 = arith.addf %gather3A_602, %gather3A_603 : vector<16xf32>
          tpu.vector_store_idx %arg12[%gather3A_582, %add3A_601], %add3A_604 : memref<128x64xf32, #tpu.memory_space<vmem>>[vector<16xi32>, vector<16xi32>], vector<16xf32>,
          %broadcast_in_dim3A_605 = arith.constant 0.000000e+00 : f32
          %broadcast_in_dim3A_606 = vector.broadcast %broadcast_in_dim3A_605 : f32 to vector<16xf32>
          tpu.vector_store_idx %arg12[%add3A_579, %add3A_601], %broadcast_in_dim3A_606 : memref<128x64xf32, #tpu.memory_space<vmem>>[vector<16xi32>, vector<16xi32>], vector<16xf32>,
          %add3A_607 = arith.constant 48 : i32
          %add3A_608 = vector.broadcast %add3A_607 : i32 to vector<16xi32>
          %add3A_609 = arith.addi %iota3A, %add3A_608 : vector<16xi32>
          %gather3A_610 = tpu.vector_load_idx %arg12[%gather3A_582, %add3A_609] : memref<128x64xf32, #tpu.memory_space<vmem>>[vector<16xi32>, vector<16xi32>], vector<16xf32>,
          %gather3A_611 = tpu.vector_load_idx %arg12[%add3A_579, %add3A_609] : memref<128x64xf32, #tpu.memory_space<vmem>>[vector<16xi32>, vector<16xi32>], vector<16xf32>,
          %add3A_612 = arith.addf %gather3A_610, %gather3A_611 : vector<16xf32>
          tpu.vector_store_idx %arg12[%gather3A_582, %add3A_609], %add3A_612 : memref<128x64xf32, #tpu.memory_space<vmem>>[vector<16xi32>, vector<16xi32>], vector<16xf32>,
          %broadcast_in_dim3A_613 = arith.constant 0.000000e+00 : f32
          %broadcast_in_dim3A_614 = vector.broadcast %broadcast_in_dim3A_613 : f32 to vector<16xf32>
          tpu.vector_store_idx %arg12[%add3A_579, %add3A_609], %broadcast_in_dim3A_614 : memref<128x64xf32, #tpu.memory_space<vmem>>[vector<16xi32>, vector<16xi32>], vector<16xf32>,
          %ne3A_615 = arith.cmpi ne, %iota3A, %all_reduce_ffs3A : vector<16xi32>
          %and3A = arith.andi %while3A_576, %ne3A_615 : vector<16xi1>
          scf.yield %and3A : vector<16xi1>
        }
      } else {
      }
      %gather3A_394 = tpu.vector_load_idx %arg14[%get3A_326] : memref<16384xi32, #tpu.memory_space<vmem>>[vector<16xi32>], vector<16xi32>,
      %add3A_395 = arith.constant 16 : i32
      %add3A_396 = vector.broadcast %add3A_395 : i32 to vector<16xi32>
      %add3A_397 = arith.addi %iota3A, %add3A_396 : vector<16xi32>
      %ne3A_398 = arith.cmpi ne, %gather3A_394, %add3A_397 : vector<16xi32>
      %add3A_399 = arith.constant 16400 : i32
      %add3A_400 = vector.broadcast %add3A_399 : i32 to vector<16xi32>
      %add3A_401 = arith.addi %add3A_400, %iota3A : vector<16xi32>
      %select_n3A_402 = arith.select %ne3A_398, %add3A_401, %get3A_326 : vector<16xi1>, vector<16xi32>
      %swap3A_403 = arith.constant 16 : index
      %swap3A_404 = tpu.vector_load %arg13[%swap3A_403] {strides = array<i32>} : memref<128xi32, #tpu.memory_space<vmem>>, vector<16xi32>,
      tpu.vector_store %arg13[%swap3A_403], %select_n3A_402 {strides = array<i32>} : memref<128xi32, #tpu.memory_space<vmem>>, vector<16xi32>,
      %reduce_or3A_405 = arith.constant 1.000000e+00 : f32
      %reduce_or3A_406 = arith.constant 0.000000e+00 : f32
      %reduce_or3A_407 = vector.broadcast %reduce_or3A_405 : f32 to vector<16xf32>
      %reduce_or3A_408 = vector.broadcast %reduce_or3A_406 : f32 to vector<16xf32>
      %reduce_or3A_409 = arith.select %ne3A_398, %reduce_or3A_407, %reduce_or3A_408 : vector<16xi1>, vector<16xf32>
      %reduce_or3A_410 = arith.constant true
      %reduce_or3A_411 = vector.broadcast %reduce_or3A_410 : i1 to vector<16xi1>
      %reduce_or3A_412 = tpu.scan <max>, %reduce_or3A_409 masked %reduce_or3A_411 : vector<16xf32>, vector<16xi1> -> vector<16xf32>
      %reduce_or3A_413 = vector.extract %reduce_or3A_412[15] : f32 from vector<16xf32>
      %reduce_or3A_414 = arith.constant 0.000000e+00 : f32
      %reduce_or3A_415 = arith.cmpf ogt, %reduce_or3A_413, %reduce_or3A_414 : f32
      %convert_element_type3A_416 = arith.extui %reduce_or3A_415 : i1 to i32
      %cond3A_417 = arith.constant 0 : i32
      %cond3A_418 = arith.cmpi ne, %convert_element_type3A_416, %cond3A_417 : i32
      scf.if %cond3A_418 {
        %while3A = scf.while (%while3A_576 = %ne3A_398) : (vector<16xi1>) -> vector<16xi1> {
          %reduce_or3A_577 = arith.constant 1.000000e+00 : f32
          %reduce_or3A_578 = arith.constant 0.000000e+00 : f32
          %reduce_or3A_579 = vector.broadcast %reduce_or3A_577 : f32 to vector<16xf32>
          %reduce_or3A_580 = vector.broadcast %reduce_or3A_578 : f32 to vector<16xf32>
          %reduce_or3A_581 = arith.select %while3A_576, %reduce_or3A_579, %reduce_or3A_580 : vector<16xi1>, vector<16xf32>
          %reduce_or3A_582 = arith.constant true
          %reduce_or3A_583 = vector.broadcast %reduce_or3A_582 : i1 to vector<16xi1>
          %reduce_or3A_584 = tpu.scan <max>, %reduce_or3A_581 masked %reduce_or3A_583 : vector<16xf32>, vector<16xi1> -> vector<16xf32>
          %reduce_or3A_585 = vector.extract %reduce_or3A_584[15] : f32 from vector<16xf32>
          %reduce_or3A_586 = arith.constant 0.000000e+00 : f32
          %reduce_or3A_587 = arith.cmpf ogt, %reduce_or3A_585, %reduce_or3A_586 : f32
          scf.condition(%reduce_or3A_587) %while3A_576 : vector<16xi1>
        } do {
        ^bb0(%while3A_576: vector<16xi1>):
          %all_reduce_ffs3A = tpu.all_reduce %while3A_576 {dim = 0 : i64, kind = #tpu.reduction_kind<find_first_set>} : vector<16xi1> -> vector<16xi32>
          %broadcast_in_dim3A_577 = arith.constant 16 : i32
          %broadcast_in_dim3A_578 = vector.broadcast %broadcast_in_dim3A_577 : i32 to vector<16xi32>
          %add3A_579 = arith.addi %broadcast_in_dim3A_578, %all_reduce_ffs3A : vector<16xi32>
          %broadcast_in_dim3A_580 = vector.shape_cast %all_reduce_ffs3A : vector<16xi32> to vector<16x1xi32>
          %gather3A_581 = vector.shape_cast %broadcast_in_dim3A_580 : vector<16x1xi32> to vector<16xi32>
          %gather3A_582 = tpu.dynamic_gather %gather3A_394[%gather3A_581] in [0] : vector<16xi32>, vector<16xi32> -> vector<16xi32>
          %add3A_583 = arith.constant 0 : i32
          %add3A_584 = vector.broadcast %add3A_583 : i32 to vector<16xi32>
          %add3A_585 = arith.addi %iota3A, %add3A_584 : vector<16xi32>
          %gather3A_586 = tpu.vector_load_idx %arg12[%gather3A_582, %add3A_585] : memref<128x64xf32, #tpu.memory_space<vmem>>[vector<16xi32>, vector<16xi32>], vector<16xf32>,
          %gather3A_587 = tpu.vector_load_idx %arg12[%add3A_579, %add3A_585] : memref<128x64xf32, #tpu.memory_space<vmem>>[vector<16xi32>, vector<16xi32>], vector<16xf32>,
          %add3A_588 = arith.addf %gather3A_586, %gather3A_587 : vector<16xf32>
          tpu.vector_store_idx %arg12[%gather3A_582, %add3A_585], %add3A_588 : memref<128x64xf32, #tpu.memory_space<vmem>>[vector<16xi32>, vector<16xi32>], vector<16xf32>,
          %broadcast_in_dim3A_589 = arith.constant 0.000000e+00 : f32
          %broadcast_in_dim3A_590 = vector.broadcast %broadcast_in_dim3A_589 : f32 to vector<16xf32>
          tpu.vector_store_idx %arg12[%add3A_579, %add3A_585], %broadcast_in_dim3A_590 : memref<128x64xf32, #tpu.memory_space<vmem>>[vector<16xi32>, vector<16xi32>], vector<16xf32>,
          %add3A_591 = arith.constant 16 : i32
          %add3A_592 = vector.broadcast %add3A_591 : i32 to vector<16xi32>
          %add3A_593 = arith.addi %iota3A, %add3A_592 : vector<16xi32>
          %gather3A_594 = tpu.vector_load_idx %arg12[%gather3A_582, %add3A_593] : memref<128x64xf32, #tpu.memory_space<vmem>>[vector<16xi32>, vector<16xi32>], vector<16xf32>,
          %gather3A_595 = tpu.vector_load_idx %arg12[%add3A_579, %add3A_593] : memref<128x64xf32, #tpu.memory_space<vmem>>[vector<16xi32>, vector<16xi32>], vector<16xf32>,
          %add3A_596 = arith.addf %gather3A_594, %gather3A_595 : vector<16xf32>
          tpu.vector_store_idx %arg12[%gather3A_582, %add3A_593], %add3A_596 : memref<128x64xf32, #tpu.memory_space<vmem>>[vector<16xi32>, vector<16xi32>], vector<16xf32>,
          %broadcast_in_dim3A_597 = arith.constant 0.000000e+00 : f32
          %broadcast_in_dim3A_598 = vector.broadcast %broadcast_in_dim3A_597 : f32 to vector<16xf32>
          tpu.vector_store_idx %arg12[%add3A_579, %add3A_593], %broadcast_in_dim3A_598 : memref<128x64xf32, #tpu.memory_space<vmem>>[vector<16xi32>, vector<16xi32>], vector<16xf32>,
          %add3A_599 = arith.constant 32 : i32
          %add3A_600 = vector.broadcast %add3A_599 : i32 to vector<16xi32>
          %add3A_601 = arith.addi %iota3A, %add3A_600 : vector<16xi32>
          %gather3A_602 = tpu.vector_load_idx %arg12[%gather3A_582, %add3A_601] : memref<128x64xf32, #tpu.memory_space<vmem>>[vector<16xi32>, vector<16xi32>], vector<16xf32>,
          %gather3A_603 = tpu.vector_load_idx %arg12[%add3A_579, %add3A_601] : memref<128x64xf32, #tpu.memory_space<vmem>>[vector<16xi32>, vector<16xi32>], vector<16xf32>,
          %add3A_604 = arith.addf %gather3A_602, %gather3A_603 : vector<16xf32>
          tpu.vector_store_idx %arg12[%gather3A_582, %add3A_601], %add3A_604 : memref<128x64xf32, #tpu.memory_space<vmem>>[vector<16xi32>, vector<16xi32>], vector<16xf32>,
          %broadcast_in_dim3A_605 = arith.constant 0.000000e+00 : f32
          %broadcast_in_dim3A_606 = vector.broadcast %broadcast_in_dim3A_605 : f32 to vector<16xf32>
          tpu.vector_store_idx %arg12[%add3A_579, %add3A_601], %broadcast_in_dim3A_606 : memref<128x64xf32, #tpu.memory_space<vmem>>[vector<16xi32>, vector<16xi32>], vector<16xf32>,
          %add3A_607 = arith.constant 48 : i32
          %add3A_608 = vector.broadcast %add3A_607 : i32 to vector<16xi32>
          %add3A_609 = arith.addi %iota3A, %add3A_608 : vector<16xi32>
          %gather3A_610 = tpu.vector_load_idx %arg12[%gather3A_582, %add3A_609] : memref<128x64xf32, #tpu.memory_space<vmem>>[vector<16xi32>, vector<16xi32>], vector<16xf32>,
          %gather3A_611 = tpu.vector_load_idx %arg12[%add3A_579, %add3A_609] : memref<128x64xf32, #tpu.memory_space<vmem>>[vector<16xi32>, vector<16xi32>], vector<16xf32>,
          %add3A_612 = arith.addf %gather3A_610, %gather3A_611 : vector<16xf32>
          tpu.vector_store_idx %arg12[%gather3A_582, %add3A_609], %add3A_612 : memref<128x64xf32, #tpu.memory_space<vmem>>[vector<16xi32>, vector<16xi32>], vector<16xf32>,
          %broadcast_in_dim3A_613 = arith.constant 0.000000e+00 : f32
          %broadcast_in_dim3A_614 = vector.broadcast %broadcast_in_dim3A_613 : f32 to vector<16xf32>
          tpu.vector_store_idx %arg12[%add3A_579, %add3A_609], %broadcast_in_dim3A_614 : memref<128x64xf32, #tpu.memory_space<vmem>>[vector<16xi32>, vector<16xi32>], vector<16xf32>,
          %ne3A_615 = arith.cmpi ne, %iota3A, %all_reduce_ffs3A : vector<16xi32>
          %and3A = arith.andi %while3A_576, %ne3A_615 : vector<16xi1>
          scf.yield %and3A : vector<16xi1>
        }
      } else {
      }
      %gather3A_419 = tpu.vector_load_idx %arg14[%get3A_329] : memref<16384xi32, #tpu.memory_space<vmem>>[vector<16xi32>], vector<16xi32>,
      %add3A_420 = arith.constant 32 : i32
      %add3A_421 = vector.broadcast %add3A_420 : i32 to vector<16xi32>
      %add3A_422 = arith.addi %iota3A, %add3A_421 : vector<16xi32>
      %ne3A_423 = arith.cmpi ne, %gather3A_419, %add3A_422 : vector<16xi32>
      %add3A_424 = arith.constant 16416 : i32
      %add3A_425 = vector.broadcast %add3A_424 : i32 to vector<16xi32>
      %add3A_426 = arith.addi %add3A_425, %iota3A : vector<16xi32>
      %select_n3A_427 = arith.select %ne3A_423, %add3A_426, %get3A_329 : vector<16xi1>, vector<16xi32>
      %swap3A_428 = arith.constant 32 : index
      %swap3A_429 = tpu.vector_load %arg13[%swap3A_428] {strides = array<i32>} : memref<128xi32, #tpu.memory_space<vmem>>, vector<16xi32>,
      tpu.vector_store %arg13[%swap3A_428], %select_n3A_427 {strides = array<i32>} : memref<128xi32, #tpu.memory_space<vmem>>, vector<16xi32>,
      %reduce_or3A_430 = arith.constant 1.000000e+00 : f32
      %reduce_or3A_431 = arith.constant 0.000000e+00 : f32
      %reduce_or3A_432 = vector.broadcast %reduce_or3A_430 : f32 to vector<16xf32>
      %reduce_or3A_433 = vector.broadcast %reduce_or3A_431 : f32 to vector<16xf32>
      %reduce_or3A_434 = arith.select %ne3A_423, %reduce_or3A_432, %reduce_or3A_433 : vector<16xi1>, vector<16xf32>
      %reduce_or3A_435 = arith.constant true
      %reduce_or3A_436 = vector.broadcast %reduce_or3A_435 : i1 to vector<16xi1>
      %reduce_or3A_437 = tpu.scan <max>, %reduce_or3A_434 masked %reduce_or3A_436 : vector<16xf32>, vector<16xi1> -> vector<16xf32>
      %reduce_or3A_438 = vector.extract %reduce_or3A_437[15] : f32 from vector<16xf32>
      %reduce_or3A_439 = arith.constant 0.000000e+00 : f32
      %reduce_or3A_440 = arith.cmpf ogt, %reduce_or3A_438, %reduce_or3A_439 : f32
      %convert_element_type3A_441 = arith.extui %reduce_or3A_440 : i1 to i32
      %cond3A_442 = arith.constant 0 : i32
      %cond3A_443 = arith.cmpi ne, %convert_element_type3A_441, %cond3A_442 : i32
      scf.if %cond3A_443 {
        %while3A = scf.while (%while3A_576 = %ne3A_423) : (vector<16xi1>) -> vector<16xi1> {
          %reduce_or3A_577 = arith.constant 1.000000e+00 : f32
          %reduce_or3A_578 = arith.constant 0.000000e+00 : f32
          %reduce_or3A_579 = vector.broadcast %reduce_or3A_577 : f32 to vector<16xf32>
          %reduce_or3A_580 = vector.broadcast %reduce_or3A_578 : f32 to vector<16xf32>
          %reduce_or3A_581 = arith.select %while3A_576, %reduce_or3A_579, %reduce_or3A_580 : vector<16xi1>, vector<16xf32>
          %reduce_or3A_582 = arith.constant true
          %reduce_or3A_583 = vector.broadcast %reduce_or3A_582 : i1 to vector<16xi1>
          %reduce_or3A_584 = tpu.scan <max>, %reduce_or3A_581 masked %reduce_or3A_583 : vector<16xf32>, vector<16xi1> -> vector<16xf32>
          %reduce_or3A_585 = vector.extract %reduce_or3A_584[15] : f32 from vector<16xf32>
          %reduce_or3A_586 = arith.constant 0.000000e+00 : f32
          %reduce_or3A_587 = arith.cmpf ogt, %reduce_or3A_585, %reduce_or3A_586 : f32
          scf.condition(%reduce_or3A_587) %while3A_576 : vector<16xi1>
        } do {
        ^bb0(%while3A_576: vector<16xi1>):
          %all_reduce_ffs3A = tpu.all_reduce %while3A_576 {dim = 0 : i64, kind = #tpu.reduction_kind<find_first_set>} : vector<16xi1> -> vector<16xi32>
          %broadcast_in_dim3A_577 = arith.constant 32 : i32
          %broadcast_in_dim3A_578 = vector.broadcast %broadcast_in_dim3A_577 : i32 to vector<16xi32>
          %add3A_579 = arith.addi %broadcast_in_dim3A_578, %all_reduce_ffs3A : vector<16xi32>
          %broadcast_in_dim3A_580 = vector.shape_cast %all_reduce_ffs3A : vector<16xi32> to vector<16x1xi32>
          %gather3A_581 = vector.shape_cast %broadcast_in_dim3A_580 : vector<16x1xi32> to vector<16xi32>
          %gather3A_582 = tpu.dynamic_gather %gather3A_419[%gather3A_581] in [0] : vector<16xi32>, vector<16xi32> -> vector<16xi32>
          %add3A_583 = arith.constant 0 : i32
          %add3A_584 = vector.broadcast %add3A_583 : i32 to vector<16xi32>
          %add3A_585 = arith.addi %iota3A, %add3A_584 : vector<16xi32>
          %gather3A_586 = tpu.vector_load_idx %arg12[%gather3A_582, %add3A_585] : memref<128x64xf32, #tpu.memory_space<vmem>>[vector<16xi32>, vector<16xi32>], vector<16xf32>,
          %gather3A_587 = tpu.vector_load_idx %arg12[%add3A_579, %add3A_585] : memref<128x64xf32, #tpu.memory_space<vmem>>[vector<16xi32>, vector<16xi32>], vector<16xf32>,
          %add3A_588 = arith.addf %gather3A_586, %gather3A_587 : vector<16xf32>
          tpu.vector_store_idx %arg12[%gather3A_582, %add3A_585], %add3A_588 : memref<128x64xf32, #tpu.memory_space<vmem>>[vector<16xi32>, vector<16xi32>], vector<16xf32>,
          %broadcast_in_dim3A_589 = arith.constant 0.000000e+00 : f32
          %broadcast_in_dim3A_590 = vector.broadcast %broadcast_in_dim3A_589 : f32 to vector<16xf32>
          tpu.vector_store_idx %arg12[%add3A_579, %add3A_585], %broadcast_in_dim3A_590 : memref<128x64xf32, #tpu.memory_space<vmem>>[vector<16xi32>, vector<16xi32>], vector<16xf32>,
          %add3A_591 = arith.constant 16 : i32
          %add3A_592 = vector.broadcast %add3A_591 : i32 to vector<16xi32>
          %add3A_593 = arith.addi %iota3A, %add3A_592 : vector<16xi32>
          %gather3A_594 = tpu.vector_load_idx %arg12[%gather3A_582, %add3A_593] : memref<128x64xf32, #tpu.memory_space<vmem>>[vector<16xi32>, vector<16xi32>], vector<16xf32>,
          %gather3A_595 = tpu.vector_load_idx %arg12[%add3A_579, %add3A_593] : memref<128x64xf32, #tpu.memory_space<vmem>>[vector<16xi32>, vector<16xi32>], vector<16xf32>,
          %add3A_596 = arith.addf %gather3A_594, %gather3A_595 : vector<16xf32>
          tpu.vector_store_idx %arg12[%gather3A_582, %add3A_593], %add3A_596 : memref<128x64xf32, #tpu.memory_space<vmem>>[vector<16xi32>, vector<16xi32>], vector<16xf32>,
          %broadcast_in_dim3A_597 = arith.constant 0.000000e+00 : f32
          %broadcast_in_dim3A_598 = vector.broadcast %broadcast_in_dim3A_597 : f32 to vector<16xf32>
          tpu.vector_store_idx %arg12[%add3A_579, %add3A_593], %broadcast_in_dim3A_598 : memref<128x64xf32, #tpu.memory_space<vmem>>[vector<16xi32>, vector<16xi32>], vector<16xf32>,
          %add3A_599 = arith.constant 32 : i32
          %add3A_600 = vector.broadcast %add3A_599 : i32 to vector<16xi32>
          %add3A_601 = arith.addi %iota3A, %add3A_600 : vector<16xi32>
          %gather3A_602 = tpu.vector_load_idx %arg12[%gather3A_582, %add3A_601] : memref<128x64xf32, #tpu.memory_space<vmem>>[vector<16xi32>, vector<16xi32>], vector<16xf32>,
          %gather3A_603 = tpu.vector_load_idx %arg12[%add3A_579, %add3A_601] : memref<128x64xf32, #tpu.memory_space<vmem>>[vector<16xi32>, vector<16xi32>], vector<16xf32>,
          %add3A_604 = arith.addf %gather3A_602, %gather3A_603 : vector<16xf32>
          tpu.vector_store_idx %arg12[%gather3A_582, %add3A_601], %add3A_604 : memref<128x64xf32, #tpu.memory_space<vmem>>[vector<16xi32>, vector<16xi32>], vector<16xf32>,
          %broadcast_in_dim3A_605 = arith.constant 0.000000e+00 : f32
          %broadcast_in_dim3A_606 = vector.broadcast %broadcast_in_dim3A_605 : f32 to vector<16xf32>
          tpu.vector_store_idx %arg12[%add3A_579, %add3A_601], %broadcast_in_dim3A_606 : memref<128x64xf32, #tpu.memory_space<vmem>>[vector<16xi32>, vector<16xi32>], vector<16xf32>,
          %add3A_607 = arith.constant 48 : i32
          %add3A_608 = vector.broadcast %add3A_607 : i32 to vector<16xi32>
          %add3A_609 = arith.addi %iota3A, %add3A_608 : vector<16xi32>
          %gather3A_610 = tpu.vector_load_idx %arg12[%gather3A_582, %add3A_609] : memref<128x64xf32, #tpu.memory_space<vmem>>[vector<16xi32>, vector<16xi32>], vector<16xf32>,
          %gather3A_611 = tpu.vector_load_idx %arg12[%add3A_579, %add3A_609] : memref<128x64xf32, #tpu.memory_space<vmem>>[vector<16xi32>, vector<16xi32>], vector<16xf32>,
          %add3A_612 = arith.addf %gather3A_610, %gather3A_611 : vector<16xf32>
          tpu.vector_store_idx %arg12[%gather3A_582, %add3A_609], %add3A_612 : memref<128x64xf32, #tpu.memory_space<vmem>>[vector<16xi32>, vector<16xi32>], vector<16xf32>,
          %broadcast_in_dim3A_613 = arith.constant 0.000000e+00 : f32
          %broadcast_in_dim3A_614 = vector.broadcast %broadcast_in_dim3A_613 : f32 to vector<16xf32>
          tpu.vector_store_idx %arg12[%add3A_579, %add3A_609], %broadcast_in_dim3A_614 : memref<128x64xf32, #tpu.memory_space<vmem>>[vector<16xi32>, vector<16xi32>], vector<16xf32>,
          %ne3A_615 = arith.cmpi ne, %iota3A, %all_reduce_ffs3A : vector<16xi32>
          %and3A = arith.andi %while3A_576, %ne3A_615 : vector<16xi1>
          scf.yield %and3A : vector<16xi1>
        }
      } else {
      }
      %gather3A_444 = tpu.vector_load_idx %arg14[%get3A_332] : memref<16384xi32, #tpu.memory_space<vmem>>[vector<16xi32>], vector<16xi32>,
      %add3A_445 = arith.constant 48 : i32
      %add3A_446 = vector.broadcast %add3A_445 : i32 to vector<16xi32>
      %add3A_447 = arith.addi %iota3A, %add3A_446 : vector<16xi32>
      %ne3A_448 = arith.cmpi ne, %gather3A_444, %add3A_447 : vector<16xi32>
      %add3A_449 = arith.constant 16432 : i32
      %add3A_450 = vector.broadcast %add3A_449 : i32 to vector<16xi32>
      %add3A_451 = arith.addi %add3A_450, %iota3A : vector<16xi32>
      %select_n3A_452 = arith.select %ne3A_448, %add3A_451, %get3A_332 : vector<16xi1>, vector<16xi32>
      %swap3A_453 = arith.constant 48 : index
      %swap3A_454 = tpu.vector_load %arg13[%swap3A_453] {strides = array<i32>} : memref<128xi32, #tpu.memory_space<vmem>>, vector<16xi32>,
      tpu.vector_store %arg13[%swap3A_453], %select_n3A_452 {strides = array<i32>} : memref<128xi32, #tpu.memory_space<vmem>>, vector<16xi32>,
      %reduce_or3A_455 = arith.constant 1.000000e+00 : f32
      %reduce_or3A_456 = arith.constant 0.000000e+00 : f32
      %reduce_or3A_457 = vector.broadcast %reduce_or3A_455 : f32 to vector<16xf32>
      %reduce_or3A_458 = vector.broadcast %reduce_or3A_456 : f32 to vector<16xf32>
      %reduce_or3A_459 = arith.select %ne3A_448, %reduce_or3A_457, %reduce_or3A_458 : vector<16xi1>, vector<16xf32>
      %reduce_or3A_460 = arith.constant true
      %reduce_or3A_461 = vector.broadcast %reduce_or3A_460 : i1 to vector<16xi1>
      %reduce_or3A_462 = tpu.scan <max>, %reduce_or3A_459 masked %reduce_or3A_461 : vector<16xf32>, vector<16xi1> -> vector<16xf32>
      %reduce_or3A_463 = vector.extract %reduce_or3A_462[15] : f32 from vector<16xf32>
      %reduce_or3A_464 = arith.constant 0.000000e+00 : f32
      %reduce_or3A_465 = arith.cmpf ogt, %reduce_or3A_463, %reduce_or3A_464 : f32
      %convert_element_type3A_466 = arith.extui %reduce_or3A_465 : i1 to i32
      %cond3A_467 = arith.constant 0 : i32
      %cond3A_468 = arith.cmpi ne, %convert_element_type3A_466, %cond3A_467 : i32
      scf.if %cond3A_468 {
        %while3A = scf.while (%while3A_576 = %ne3A_448) : (vector<16xi1>) -> vector<16xi1> {
          %reduce_or3A_577 = arith.constant 1.000000e+00 : f32
          %reduce_or3A_578 = arith.constant 0.000000e+00 : f32
          %reduce_or3A_579 = vector.broadcast %reduce_or3A_577 : f32 to vector<16xf32>
          %reduce_or3A_580 = vector.broadcast %reduce_or3A_578 : f32 to vector<16xf32>
          %reduce_or3A_581 = arith.select %while3A_576, %reduce_or3A_579, %reduce_or3A_580 : vector<16xi1>, vector<16xf32>
          %reduce_or3A_582 = arith.constant true
          %reduce_or3A_583 = vector.broadcast %reduce_or3A_582 : i1 to vector<16xi1>
          %reduce_or3A_584 = tpu.scan <max>, %reduce_or3A_581 masked %reduce_or3A_583 : vector<16xf32>, vector<16xi1> -> vector<16xf32>
          %reduce_or3A_585 = vector.extract %reduce_or3A_584[15] : f32 from vector<16xf32>
          %reduce_or3A_586 = arith.constant 0.000000e+00 : f32
          %reduce_or3A_587 = arith.cmpf ogt, %reduce_or3A_585, %reduce_or3A_586 : f32
          scf.condition(%reduce_or3A_587) %while3A_576 : vector<16xi1>
        } do {
        ^bb0(%while3A_576: vector<16xi1>):
          %all_reduce_ffs3A = tpu.all_reduce %while3A_576 {dim = 0 : i64, kind = #tpu.reduction_kind<find_first_set>} : vector<16xi1> -> vector<16xi32>
          %broadcast_in_dim3A_577 = arith.constant 48 : i32
          %broadcast_in_dim3A_578 = vector.broadcast %broadcast_in_dim3A_577 : i32 to vector<16xi32>
          %add3A_579 = arith.addi %broadcast_in_dim3A_578, %all_reduce_ffs3A : vector<16xi32>
          %broadcast_in_dim3A_580 = vector.shape_cast %all_reduce_ffs3A : vector<16xi32> to vector<16x1xi32>
          %gather3A_581 = vector.shape_cast %broadcast_in_dim3A_580 : vector<16x1xi32> to vector<16xi32>
          %gather3A_582 = tpu.dynamic_gather %gather3A_444[%gather3A_581] in [0] : vector<16xi32>, vector<16xi32> -> vector<16xi32>
          %add3A_583 = arith.constant 0 : i32
          %add3A_584 = vector.broadcast %add3A_583 : i32 to vector<16xi32>
          %add3A_585 = arith.addi %iota3A, %add3A_584 : vector<16xi32>
          %gather3A_586 = tpu.vector_load_idx %arg12[%gather3A_582, %add3A_585] : memref<128x64xf32, #tpu.memory_space<vmem>>[vector<16xi32>, vector<16xi32>], vector<16xf32>,
          %gather3A_587 = tpu.vector_load_idx %arg12[%add3A_579, %add3A_585] : memref<128x64xf32, #tpu.memory_space<vmem>>[vector<16xi32>, vector<16xi32>], vector<16xf32>,
          %add3A_588 = arith.addf %gather3A_586, %gather3A_587 : vector<16xf32>
          tpu.vector_store_idx %arg12[%gather3A_582, %add3A_585], %add3A_588 : memref<128x64xf32, #tpu.memory_space<vmem>>[vector<16xi32>, vector<16xi32>], vector<16xf32>,
          %broadcast_in_dim3A_589 = arith.constant 0.000000e+00 : f32
          %broadcast_in_dim3A_590 = vector.broadcast %broadcast_in_dim3A_589 : f32 to vector<16xf32>
          tpu.vector_store_idx %arg12[%add3A_579, %add3A_585], %broadcast_in_dim3A_590 : memref<128x64xf32, #tpu.memory_space<vmem>>[vector<16xi32>, vector<16xi32>], vector<16xf32>,
          %add3A_591 = arith.constant 16 : i32
          %add3A_592 = vector.broadcast %add3A_591 : i32 to vector<16xi32>
          %add3A_593 = arith.addi %iota3A, %add3A_592 : vector<16xi32>
          %gather3A_594 = tpu.vector_load_idx %arg12[%gather3A_582, %add3A_593] : memref<128x64xf32, #tpu.memory_space<vmem>>[vector<16xi32>, vector<16xi32>], vector<16xf32>,
          %gather3A_595 = tpu.vector_load_idx %arg12[%add3A_579, %add3A_593] : memref<128x64xf32, #tpu.memory_space<vmem>>[vector<16xi32>, vector<16xi32>], vector<16xf32>,
          %add3A_596 = arith.addf %gather3A_594, %gather3A_595 : vector<16xf32>
          tpu.vector_store_idx %arg12[%gather3A_582, %add3A_593], %add3A_596 : memref<128x64xf32, #tpu.memory_space<vmem>>[vector<16xi32>, vector<16xi32>], vector<16xf32>,
          %broadcast_in_dim3A_597 = arith.constant 0.000000e+00 : f32
          %broadcast_in_dim3A_598 = vector.broadcast %broadcast_in_dim3A_597 : f32 to vector<16xf32>
          tpu.vector_store_idx %arg12[%add3A_579, %add3A_593], %broadcast_in_dim3A_598 : memref<128x64xf32, #tpu.memory_space<vmem>>[vector<16xi32>, vector<16xi32>], vector<16xf32>,
          %add3A_599 = arith.constant 32 : i32
          %add3A_600 = vector.broadcast %add3A_599 : i32 to vector<16xi32>
          %add3A_601 = arith.addi %iota3A, %add3A_600 : vector<16xi32>
          %gather3A_602 = tpu.vector_load_idx %arg12[%gather3A_582, %add3A_601] : memref<128x64xf32, #tpu.memory_space<vmem>>[vector<16xi32>, vector<16xi32>], vector<16xf32>,
          %gather3A_603 = tpu.vector_load_idx %arg12[%add3A_579, %add3A_601] : memref<128x64xf32, #tpu.memory_space<vmem>>[vector<16xi32>, vector<16xi32>], vector<16xf32>,
          %add3A_604 = arith.addf %gather3A_602, %gather3A_603 : vector<16xf32>
          tpu.vector_store_idx %arg12[%gather3A_582, %add3A_601], %add3A_604 : memref<128x64xf32, #tpu.memory_space<vmem>>[vector<16xi32>, vector<16xi32>], vector<16xf32>,
          %broadcast_in_dim3A_605 = arith.constant 0.000000e+00 : f32
          %broadcast_in_dim3A_606 = vector.broadcast %broadcast_in_dim3A_605 : f32 to vector<16xf32>
          tpu.vector_store_idx %arg12[%add3A_579, %add3A_601], %broadcast_in_dim3A_606 : memref<128x64xf32, #tpu.memory_space<vmem>>[vector<16xi32>, vector<16xi32>], vector<16xf32>,
          %add3A_607 = arith.constant 48 : i32
          %add3A_608 = vector.broadcast %add3A_607 : i32 to vector<16xi32>
          %add3A_609 = arith.addi %iota3A, %add3A_608 : vector<16xi32>
          %gather3A_610 = tpu.vector_load_idx %arg12[%gather3A_582, %add3A_609] : memref<128x64xf32, #tpu.memory_space<vmem>>[vector<16xi32>, vector<16xi32>], vector<16xf32>,
          %gather3A_611 = tpu.vector_load_idx %arg12[%add3A_579, %add3A_609] : memref<128x64xf32, #tpu.memory_space<vmem>>[vector<16xi32>, vector<16xi32>], vector<16xf32>,
          %add3A_612 = arith.addf %gather3A_610, %gather3A_611 : vector<16xf32>
          tpu.vector_store_idx %arg12[%gather3A_582, %add3A_609], %add3A_612 : memref<128x64xf32, #tpu.memory_space<vmem>>[vector<16xi32>, vector<16xi32>], vector<16xf32>,
          %broadcast_in_dim3A_613 = arith.constant 0.000000e+00 : f32
          %broadcast_in_dim3A_614 = vector.broadcast %broadcast_in_dim3A_613 : f32 to vector<16xf32>
          tpu.vector_store_idx %arg12[%add3A_579, %add3A_609], %broadcast_in_dim3A_614 : memref<128x64xf32, #tpu.memory_space<vmem>>[vector<16xi32>, vector<16xi32>], vector<16xf32>,
          %ne3A_615 = arith.cmpi ne, %iota3A, %all_reduce_ffs3A : vector<16xi32>
          %and3A = arith.andi %while3A_576, %ne3A_615 : vector<16xi1>
          scf.yield %and3A : vector<16xi1>
        }
      } else {
      }
      %gather3A_469 = tpu.vector_load_idx %arg14[%get3A_335] : memref<16384xi32, #tpu.memory_space<vmem>>[vector<16xi32>], vector<16xi32>,
      %add3A_470 = arith.constant 64 : i32
      %add3A_471 = vector.broadcast %add3A_470 : i32 to vector<16xi32>
      %add3A_472 = arith.addi %iota3A, %add3A_471 : vector<16xi32>
      %ne3A_473 = arith.cmpi ne, %gather3A_469, %add3A_472 : vector<16xi32>
      %add3A_474 = arith.constant 16448 : i32
      %add3A_475 = vector.broadcast %add3A_474 : i32 to vector<16xi32>
      %add3A_476 = arith.addi %add3A_475, %iota3A : vector<16xi32>
      %select_n3A_477 = arith.select %ne3A_473, %add3A_476, %get3A_335 : vector<16xi1>, vector<16xi32>
      %swap3A_478 = arith.constant 64 : index
      %swap3A_479 = tpu.vector_load %arg13[%swap3A_478] {strides = array<i32>} : memref<128xi32, #tpu.memory_space<vmem>>, vector<16xi32>,
      tpu.vector_store %arg13[%swap3A_478], %select_n3A_477 {strides = array<i32>} : memref<128xi32, #tpu.memory_space<vmem>>, vector<16xi32>,
      %reduce_or3A_480 = arith.constant 1.000000e+00 : f32
      %reduce_or3A_481 = arith.constant 0.000000e+00 : f32
      %reduce_or3A_482 = vector.broadcast %reduce_or3A_480 : f32 to vector<16xf32>
      %reduce_or3A_483 = vector.broadcast %reduce_or3A_481 : f32 to vector<16xf32>
      %reduce_or3A_484 = arith.select %ne3A_473, %reduce_or3A_482, %reduce_or3A_483 : vector<16xi1>, vector<16xf32>
      %reduce_or3A_485 = arith.constant true
      %reduce_or3A_486 = vector.broadcast %reduce_or3A_485 : i1 to vector<16xi1>
      %reduce_or3A_487 = tpu.scan <max>, %reduce_or3A_484 masked %reduce_or3A_486 : vector<16xf32>, vector<16xi1> -> vector<16xf32>
      %reduce_or3A_488 = vector.extract %reduce_or3A_487[15] : f32 from vector<16xf32>
      %reduce_or3A_489 = arith.constant 0.000000e+00 : f32
      %reduce_or3A_490 = arith.cmpf ogt, %reduce_or3A_488, %reduce_or3A_489 : f32
      %convert_element_type3A_491 = arith.extui %reduce_or3A_490 : i1 to i32
      %cond3A_492 = arith.constant 0 : i32
      %cond3A_493 = arith.cmpi ne, %convert_element_type3A_491, %cond3A_492 : i32
      scf.if %cond3A_493 {
        %while3A = scf.while (%while3A_576 = %ne3A_473) : (vector<16xi1>) -> vector<16xi1> {
          %reduce_or3A_577 = arith.constant 1.000000e+00 : f32
          %reduce_or3A_578 = arith.constant 0.000000e+00 : f32
          %reduce_or3A_579 = vector.broadcast %reduce_or3A_577 : f32 to vector<16xf32>
          %reduce_or3A_580 = vector.broadcast %reduce_or3A_578 : f32 to vector<16xf32>
          %reduce_or3A_581 = arith.select %while3A_576, %reduce_or3A_579, %reduce_or3A_580 : vector<16xi1>, vector<16xf32>
          %reduce_or3A_582 = arith.constant true
          %reduce_or3A_583 = vector.broadcast %reduce_or3A_582 : i1 to vector<16xi1>
          %reduce_or3A_584 = tpu.scan <max>, %reduce_or3A_581 masked %reduce_or3A_583 : vector<16xf32>, vector<16xi1> -> vector<16xf32>
          %reduce_or3A_585 = vector.extract %reduce_or3A_584[15] : f32 from vector<16xf32>
          %reduce_or3A_586 = arith.constant 0.000000e+00 : f32
          %reduce_or3A_587 = arith.cmpf ogt, %reduce_or3A_585, %reduce_or3A_586 : f32
          scf.condition(%reduce_or3A_587) %while3A_576 : vector<16xi1>
        } do {
        ^bb0(%while3A_576: vector<16xi1>):
          %all_reduce_ffs3A = tpu.all_reduce %while3A_576 {dim = 0 : i64, kind = #tpu.reduction_kind<find_first_set>} : vector<16xi1> -> vector<16xi32>
          %broadcast_in_dim3A_577 = arith.constant 64 : i32
          %broadcast_in_dim3A_578 = vector.broadcast %broadcast_in_dim3A_577 : i32 to vector<16xi32>
          %add3A_579 = arith.addi %broadcast_in_dim3A_578, %all_reduce_ffs3A : vector<16xi32>
          %broadcast_in_dim3A_580 = vector.shape_cast %all_reduce_ffs3A : vector<16xi32> to vector<16x1xi32>
          %gather3A_581 = vector.shape_cast %broadcast_in_dim3A_580 : vector<16x1xi32> to vector<16xi32>
          %gather3A_582 = tpu.dynamic_gather %gather3A_469[%gather3A_581] in [0] : vector<16xi32>, vector<16xi32> -> vector<16xi32>
          %add3A_583 = arith.constant 0 : i32
          %add3A_584 = vector.broadcast %add3A_583 : i32 to vector<16xi32>
          %add3A_585 = arith.addi %iota3A, %add3A_584 : vector<16xi32>
          %gather3A_586 = tpu.vector_load_idx %arg12[%gather3A_582, %add3A_585] : memref<128x64xf32, #tpu.memory_space<vmem>>[vector<16xi32>, vector<16xi32>], vector<16xf32>,
          %gather3A_587 = tpu.vector_load_idx %arg12[%add3A_579, %add3A_585] : memref<128x64xf32, #tpu.memory_space<vmem>>[vector<16xi32>, vector<16xi32>], vector<16xf32>,
          %add3A_588 = arith.addf %gather3A_586, %gather3A_587 : vector<16xf32>
          tpu.vector_store_idx %arg12[%gather3A_582, %add3A_585], %add3A_588 : memref<128x64xf32, #tpu.memory_space<vmem>>[vector<16xi32>, vector<16xi32>], vector<16xf32>,
          %broadcast_in_dim3A_589 = arith.constant 0.000000e+00 : f32
          %broadcast_in_dim3A_590 = vector.broadcast %broadcast_in_dim3A_589 : f32 to vector<16xf32>
          tpu.vector_store_idx %arg12[%add3A_579, %add3A_585], %broadcast_in_dim3A_590 : memref<128x64xf32, #tpu.memory_space<vmem>>[vector<16xi32>, vector<16xi32>], vector<16xf32>,
          %add3A_591 = arith.constant 16 : i32
          %add3A_592 = vector.broadcast %add3A_591 : i32 to vector<16xi32>
          %add3A_593 = arith.addi %iota3A, %add3A_592 : vector<16xi32>
          %gather3A_594 = tpu.vector_load_idx %arg12[%gather3A_582, %add3A_593] : memref<128x64xf32, #tpu.memory_space<vmem>>[vector<16xi32>, vector<16xi32>], vector<16xf32>,
          %gather3A_595 = tpu.vector_load_idx %arg12[%add3A_579, %add3A_593] : memref<128x64xf32, #tpu.memory_space<vmem>>[vector<16xi32>, vector<16xi32>], vector<16xf32>,
          %add3A_596 = arith.addf %gather3A_594, %gather3A_595 : vector<16xf32>
          tpu.vector_store_idx %arg12[%gather3A_582, %add3A_593], %add3A_596 : memref<128x64xf32, #tpu.memory_space<vmem>>[vector<16xi32>, vector<16xi32>], vector<16xf32>,
          %broadcast_in_dim3A_597 = arith.constant 0.000000e+00 : f32
          %broadcast_in_dim3A_598 = vector.broadcast %broadcast_in_dim3A_597 : f32 to vector<16xf32>
          tpu.vector_store_idx %arg12[%add3A_579, %add3A_593], %broadcast_in_dim3A_598 : memref<128x64xf32, #tpu.memory_space<vmem>>[vector<16xi32>, vector<16xi32>], vector<16xf32>,
          %add3A_599 = arith.constant 32 : i32
          %add3A_600 = vector.broadcast %add3A_599 : i32 to vector<16xi32>
          %add3A_601 = arith.addi %iota3A, %add3A_600 : vector<16xi32>
          %gather3A_602 = tpu.vector_load_idx %arg12[%gather3A_582, %add3A_601] : memref<128x64xf32, #tpu.memory_space<vmem>>[vector<16xi32>, vector<16xi32>], vector<16xf32>,
          %gather3A_603 = tpu.vector_load_idx %arg12[%add3A_579, %add3A_601] : memref<128x64xf32, #tpu.memory_space<vmem>>[vector<16xi32>, vector<16xi32>], vector<16xf32>,
          %add3A_604 = arith.addf %gather3A_602, %gather3A_603 : vector<16xf32>
          tpu.vector_store_idx %arg12[%gather3A_582, %add3A_601], %add3A_604 : memref<128x64xf32, #tpu.memory_space<vmem>>[vector<16xi32>, vector<16xi32>], vector<16xf32>,
          %broadcast_in_dim3A_605 = arith.constant 0.000000e+00 : f32
          %broadcast_in_dim3A_606 = vector.broadcast %broadcast_in_dim3A_605 : f32 to vector<16xf32>
          tpu.vector_store_idx %arg12[%add3A_579, %add3A_601], %broadcast_in_dim3A_606 : memref<128x64xf32, #tpu.memory_space<vmem>>[vector<16xi32>, vector<16xi32>], vector<16xf32>,
          %add3A_607 = arith.constant 48 : i32
          %add3A_608 = vector.broadcast %add3A_607 : i32 to vector<16xi32>
          %add3A_609 = arith.addi %iota3A, %add3A_608 : vector<16xi32>
          %gather3A_610 = tpu.vector_load_idx %arg12[%gather3A_582, %add3A_609] : memref<128x64xf32, #tpu.memory_space<vmem>>[vector<16xi32>, vector<16xi32>], vector<16xf32>,
          %gather3A_611 = tpu.vector_load_idx %arg12[%add3A_579, %add3A_609] : memref<128x64xf32, #tpu.memory_space<vmem>>[vector<16xi32>, vector<16xi32>], vector<16xf32>,
          %add3A_612 = arith.addf %gather3A_610, %gather3A_611 : vector<16xf32>
          tpu.vector_store_idx %arg12[%gather3A_582, %add3A_609], %add3A_612 : memref<128x64xf32, #tpu.memory_space<vmem>>[vector<16xi32>, vector<16xi32>], vector<16xf32>,
          %broadcast_in_dim3A_613 = arith.constant 0.000000e+00 : f32
          %broadcast_in_dim3A_614 = vector.broadcast %broadcast_in_dim3A_613 : f32 to vector<16xf32>
          tpu.vector_store_idx %arg12[%add3A_579, %add3A_609], %broadcast_in_dim3A_614 : memref<128x64xf32, #tpu.memory_space<vmem>>[vector<16xi32>, vector<16xi32>], vector<16xf32>,
          %ne3A_615 = arith.cmpi ne, %iota3A, %all_reduce_ffs3A : vector<16xi32>
          %and3A = arith.andi %while3A_576, %ne3A_615 : vector<16xi1>
          scf.yield %and3A : vector<16xi1>
        }
      } else {
      }
      %gather3A_494 = tpu.vector_load_idx %arg14[%get3A_338] : memref<16384xi32, #tpu.memory_space<vmem>>[vector<16xi32>], vector<16xi32>,
      %add3A_495 = arith.constant 80 : i32
      %add3A_496 = vector.broadcast %add3A_495 : i32 to vector<16xi32>
      %add3A_497 = arith.addi %iota3A, %add3A_496 : vector<16xi32>
      %ne3A_498 = arith.cmpi ne, %gather3A_494, %add3A_497 : vector<16xi32>
      %add3A_499 = arith.constant 16464 : i32
      %add3A_500 = vector.broadcast %add3A_499 : i32 to vector<16xi32>
      %add3A_501 = arith.addi %add3A_500, %iota3A : vector<16xi32>
      %select_n3A_502 = arith.select %ne3A_498, %add3A_501, %get3A_338 : vector<16xi1>, vector<16xi32>
      %swap3A_503 = arith.constant 80 : index
      %swap3A_504 = tpu.vector_load %arg13[%swap3A_503] {strides = array<i32>} : memref<128xi32, #tpu.memory_space<vmem>>, vector<16xi32>,
      tpu.vector_store %arg13[%swap3A_503], %select_n3A_502 {strides = array<i32>} : memref<128xi32, #tpu.memory_space<vmem>>, vector<16xi32>,
      %reduce_or3A_505 = arith.constant 1.000000e+00 : f32
      %reduce_or3A_506 = arith.constant 0.000000e+00 : f32
      %reduce_or3A_507 = vector.broadcast %reduce_or3A_505 : f32 to vector<16xf32>
      %reduce_or3A_508 = vector.broadcast %reduce_or3A_506 : f32 to vector<16xf32>
      %reduce_or3A_509 = arith.select %ne3A_498, %reduce_or3A_507, %reduce_or3A_508 : vector<16xi1>, vector<16xf32>
      %reduce_or3A_510 = arith.constant true
      %reduce_or3A_511 = vector.broadcast %reduce_or3A_510 : i1 to vector<16xi1>
      %reduce_or3A_512 = tpu.scan <max>, %reduce_or3A_509 masked %reduce_or3A_511 : vector<16xf32>, vector<16xi1> -> vector<16xf32>
      %reduce_or3A_513 = vector.extract %reduce_or3A_512[15] : f32 from vector<16xf32>
      %reduce_or3A_514 = arith.constant 0.000000e+00 : f32
      %reduce_or3A_515 = arith.cmpf ogt, %reduce_or3A_513, %reduce_or3A_514 : f32
      %convert_element_type3A_516 = arith.extui %reduce_or3A_515 : i1 to i32
      %cond3A_517 = arith.constant 0 : i32
      %cond3A_518 = arith.cmpi ne, %convert_element_type3A_516, %cond3A_517 : i32
      scf.if %cond3A_518 {
        %while3A = scf.while (%while3A_576 = %ne3A_498) : (vector<16xi1>) -> vector<16xi1> {
          %reduce_or3A_577 = arith.constant 1.000000e+00 : f32
          %reduce_or3A_578 = arith.constant 0.000000e+00 : f32
          %reduce_or3A_579 = vector.broadcast %reduce_or3A_577 : f32 to vector<16xf32>
          %reduce_or3A_580 = vector.broadcast %reduce_or3A_578 : f32 to vector<16xf32>
          %reduce_or3A_581 = arith.select %while3A_576, %reduce_or3A_579, %reduce_or3A_580 : vector<16xi1>, vector<16xf32>
          %reduce_or3A_582 = arith.constant true
          %reduce_or3A_583 = vector.broadcast %reduce_or3A_582 : i1 to vector<16xi1>
          %reduce_or3A_584 = tpu.scan <max>, %reduce_or3A_581 masked %reduce_or3A_583 : vector<16xf32>, vector<16xi1> -> vector<16xf32>
          %reduce_or3A_585 = vector.extract %reduce_or3A_584[15] : f32 from vector<16xf32>
          %reduce_or3A_586 = arith.constant 0.000000e+00 : f32
          %reduce_or3A_587 = arith.cmpf ogt, %reduce_or3A_585, %reduce_or3A_586 : f32
          scf.condition(%reduce_or3A_587) %while3A_576 : vector<16xi1>
        } do {
        ^bb0(%while3A_576: vector<16xi1>):
          %all_reduce_ffs3A = tpu.all_reduce %while3A_576 {dim = 0 : i64, kind = #tpu.reduction_kind<find_first_set>} : vector<16xi1> -> vector<16xi32>
          %broadcast_in_dim3A_577 = arith.constant 80 : i32
          %broadcast_in_dim3A_578 = vector.broadcast %broadcast_in_dim3A_577 : i32 to vector<16xi32>
          %add3A_579 = arith.addi %broadcast_in_dim3A_578, %all_reduce_ffs3A : vector<16xi32>
          %broadcast_in_dim3A_580 = vector.shape_cast %all_reduce_ffs3A : vector<16xi32> to vector<16x1xi32>
          %gather3A_581 = vector.shape_cast %broadcast_in_dim3A_580 : vector<16x1xi32> to vector<16xi32>
          %gather3A_582 = tpu.dynamic_gather %gather3A_494[%gather3A_581] in [0] : vector<16xi32>, vector<16xi32> -> vector<16xi32>
          %add3A_583 = arith.constant 0 : i32
          %add3A_584 = vector.broadcast %add3A_583 : i32 to vector<16xi32>
          %add3A_585 = arith.addi %iota3A, %add3A_584 : vector<16xi32>
          %gather3A_586 = tpu.vector_load_idx %arg12[%gather3A_582, %add3A_585] : memref<128x64xf32, #tpu.memory_space<vmem>>[vector<16xi32>, vector<16xi32>], vector<16xf32>,
          %gather3A_587 = tpu.vector_load_idx %arg12[%add3A_579, %add3A_585] : memref<128x64xf32, #tpu.memory_space<vmem>>[vector<16xi32>, vector<16xi32>], vector<16xf32>,
          %add3A_588 = arith.addf %gather3A_586, %gather3A_587 : vector<16xf32>
          tpu.vector_store_idx %arg12[%gather3A_582, %add3A_585], %add3A_588 : memref<128x64xf32, #tpu.memory_space<vmem>>[vector<16xi32>, vector<16xi32>], vector<16xf32>,
          %broadcast_in_dim3A_589 = arith.constant 0.000000e+00 : f32
          %broadcast_in_dim3A_590 = vector.broadcast %broadcast_in_dim3A_589 : f32 to vector<16xf32>
          tpu.vector_store_idx %arg12[%add3A_579, %add3A_585], %broadcast_in_dim3A_590 : memref<128x64xf32, #tpu.memory_space<vmem>>[vector<16xi32>, vector<16xi32>], vector<16xf32>,
          %add3A_591 = arith.constant 16 : i32
          %add3A_592 = vector.broadcast %add3A_591 : i32 to vector<16xi32>
          %add3A_593 = arith.addi %iota3A, %add3A_592 : vector<16xi32>
          %gather3A_594 = tpu.vector_load_idx %arg12[%gather3A_582, %add3A_593] : memref<128x64xf32, #tpu.memory_space<vmem>>[vector<16xi32>, vector<16xi32>], vector<16xf32>,
          %gather3A_595 = tpu.vector_load_idx %arg12[%add3A_579, %add3A_593] : memref<128x64xf32, #tpu.memory_space<vmem>>[vector<16xi32>, vector<16xi32>], vector<16xf32>,
          %add3A_596 = arith.addf %gather3A_594, %gather3A_595 : vector<16xf32>
          tpu.vector_store_idx %arg12[%gather3A_582, %add3A_593], %add3A_596 : memref<128x64xf32, #tpu.memory_space<vmem>>[vector<16xi32>, vector<16xi32>], vector<16xf32>,
          %broadcast_in_dim3A_597 = arith.constant 0.000000e+00 : f32
          %broadcast_in_dim3A_598 = vector.broadcast %broadcast_in_dim3A_597 : f32 to vector<16xf32>
          tpu.vector_store_idx %arg12[%add3A_579, %add3A_593], %broadcast_in_dim3A_598 : memref<128x64xf32, #tpu.memory_space<vmem>>[vector<16xi32>, vector<16xi32>], vector<16xf32>,
          %add3A_599 = arith.constant 32 : i32
          %add3A_600 = vector.broadcast %add3A_599 : i32 to vector<16xi32>
          %add3A_601 = arith.addi %iota3A, %add3A_600 : vector<16xi32>
          %gather3A_602 = tpu.vector_load_idx %arg12[%gather3A_582, %add3A_601] : memref<128x64xf32, #tpu.memory_space<vmem>>[vector<16xi32>, vector<16xi32>], vector<16xf32>,
          %gather3A_603 = tpu.vector_load_idx %arg12[%add3A_579, %add3A_601] : memref<128x64xf32, #tpu.memory_space<vmem>>[vector<16xi32>, vector<16xi32>], vector<16xf32>,
          %add3A_604 = arith.addf %gather3A_602, %gather3A_603 : vector<16xf32>
          tpu.vector_store_idx %arg12[%gather3A_582, %add3A_601], %add3A_604 : memref<128x64xf32, #tpu.memory_space<vmem>>[vector<16xi32>, vector<16xi32>], vector<16xf32>,
          %broadcast_in_dim3A_605 = arith.constant 0.000000e+00 : f32
          %broadcast_in_dim3A_606 = vector.broadcast %broadcast_in_dim3A_605 : f32 to vector<16xf32>
          tpu.vector_store_idx %arg12[%add3A_579, %add3A_601], %broadcast_in_dim3A_606 : memref<128x64xf32, #tpu.memory_space<vmem>>[vector<16xi32>, vector<16xi32>], vector<16xf32>,
          %add3A_607 = arith.constant 48 : i32
          %add3A_608 = vector.broadcast %add3A_607 : i32 to vector<16xi32>
          %add3A_609 = arith.addi %iota3A, %add3A_608 : vector<16xi32>
          %gather3A_610 = tpu.vector_load_idx %arg12[%gather3A_582, %add3A_609] : memref<128x64xf32, #tpu.memory_space<vmem>>[vector<16xi32>, vector<16xi32>], vector<16xf32>,
          %gather3A_611 = tpu.vector_load_idx %arg12[%add3A_579, %add3A_609] : memref<128x64xf32, #tpu.memory_space<vmem>>[vector<16xi32>, vector<16xi32>], vector<16xf32>,
          %add3A_612 = arith.addf %gather3A_610, %gather3A_611 : vector<16xf32>
          tpu.vector_store_idx %arg12[%gather3A_582, %add3A_609], %add3A_612 : memref<128x64xf32, #tpu.memory_space<vmem>>[vector<16xi32>, vector<16xi32>], vector<16xf32>,
          %broadcast_in_dim3A_613 = arith.constant 0.000000e+00 : f32
          %broadcast_in_dim3A_614 = vector.broadcast %broadcast_in_dim3A_613 : f32 to vector<16xf32>
          tpu.vector_store_idx %arg12[%add3A_579, %add3A_609], %broadcast_in_dim3A_614 : memref<128x64xf32, #tpu.memory_space<vmem>>[vector<16xi32>, vector<16xi32>], vector<16xf32>,
          %ne3A_615 = arith.cmpi ne, %iota3A, %all_reduce_ffs3A : vector<16xi32>
          %and3A = arith.andi %while3A_576, %ne3A_615 : vector<16xi1>
          scf.yield %and3A : vector<16xi1>
        }
      } else {
      }
      %gather3A_519 = tpu.vector_load_idx %arg14[%get3A_341] : memref<16384xi32, #tpu.memory_space<vmem>>[vector<16xi32>], vector<16xi32>,
      %add3A_520 = arith.constant 96 : i32
      %add3A_521 = vector.broadcast %add3A_520 : i32 to vector<16xi32>
      %add3A_522 = arith.addi %iota3A, %add3A_521 : vector<16xi32>
      %ne3A_523 = arith.cmpi ne, %gather3A_519, %add3A_522 : vector<16xi32>
      %add3A_524 = arith.constant 16480 : i32
      %add3A_525 = vector.broadcast %add3A_524 : i32 to vector<16xi32>
      %add3A_526 = arith.addi %add3A_525, %iota3A : vector<16xi32>
      %select_n3A_527 = arith.select %ne3A_523, %add3A_526, %get3A_341 : vector<16xi1>, vector<16xi32>
      %swap3A_528 = arith.constant 96 : index
      %swap3A_529 = tpu.vector_load %arg13[%swap3A_528] {strides = array<i32>} : memref<128xi32, #tpu.memory_space<vmem>>, vector<16xi32>,
      tpu.vector_store %arg13[%swap3A_528], %select_n3A_527 {strides = array<i32>} : memref<128xi32, #tpu.memory_space<vmem>>, vector<16xi32>,
      %reduce_or3A_530 = arith.constant 1.000000e+00 : f32
      %reduce_or3A_531 = arith.constant 0.000000e+00 : f32
      %reduce_or3A_532 = vector.broadcast %reduce_or3A_530 : f32 to vector<16xf32>
      %reduce_or3A_533 = vector.broadcast %reduce_or3A_531 : f32 to vector<16xf32>
      %reduce_or3A_534 = arith.select %ne3A_523, %reduce_or3A_532, %reduce_or3A_533 : vector<16xi1>, vector<16xf32>
      %reduce_or3A_535 = arith.constant true
      %reduce_or3A_536 = vector.broadcast %reduce_or3A_535 : i1 to vector<16xi1>
      %reduce_or3A_537 = tpu.scan <max>, %reduce_or3A_534 masked %reduce_or3A_536 : vector<16xf32>, vector<16xi1> -> vector<16xf32>
      %reduce_or3A_538 = vector.extract %reduce_or3A_537[15] : f32 from vector<16xf32>
      %reduce_or3A_539 = arith.constant 0.000000e+00 : f32
      %reduce_or3A_540 = arith.cmpf ogt, %reduce_or3A_538, %reduce_or3A_539 : f32
      %convert_element_type3A_541 = arith.extui %reduce_or3A_540 : i1 to i32
      %cond3A_542 = arith.constant 0 : i32
      %cond3A_543 = arith.cmpi ne, %convert_element_type3A_541, %cond3A_542 : i32
      scf.if %cond3A_543 {
        %while3A = scf.while (%while3A_576 = %ne3A_523) : (vector<16xi1>) -> vector<16xi1> {
          %reduce_or3A_577 = arith.constant 1.000000e+00 : f32
          %reduce_or3A_578 = arith.constant 0.000000e+00 : f32
          %reduce_or3A_579 = vector.broadcast %reduce_or3A_577 : f32 to vector<16xf32>
          %reduce_or3A_580 = vector.broadcast %reduce_or3A_578 : f32 to vector<16xf32>
          %reduce_or3A_581 = arith.select %while3A_576, %reduce_or3A_579, %reduce_or3A_580 : vector<16xi1>, vector<16xf32>
          %reduce_or3A_582 = arith.constant true
          %reduce_or3A_583 = vector.broadcast %reduce_or3A_582 : i1 to vector<16xi1>
          %reduce_or3A_584 = tpu.scan <max>, %reduce_or3A_581 masked %reduce_or3A_583 : vector<16xf32>, vector<16xi1> -> vector<16xf32>
          %reduce_or3A_585 = vector.extract %reduce_or3A_584[15] : f32 from vector<16xf32>
          %reduce_or3A_586 = arith.constant 0.000000e+00 : f32
          %reduce_or3A_587 = arith.cmpf ogt, %reduce_or3A_585, %reduce_or3A_586 : f32
          scf.condition(%reduce_or3A_587) %while3A_576 : vector<16xi1>
        } do {
        ^bb0(%while3A_576: vector<16xi1>):
          %all_reduce_ffs3A = tpu.all_reduce %while3A_576 {dim = 0 : i64, kind = #tpu.reduction_kind<find_first_set>} : vector<16xi1> -> vector<16xi32>
          %broadcast_in_dim3A_577 = arith.constant 96 : i32
          %broadcast_in_dim3A_578 = vector.broadcast %broadcast_in_dim3A_577 : i32 to vector<16xi32>
          %add3A_579 = arith.addi %broadcast_in_dim3A_578, %all_reduce_ffs3A : vector<16xi32>
          %broadcast_in_dim3A_580 = vector.shape_cast %all_reduce_ffs3A : vector<16xi32> to vector<16x1xi32>
          %gather3A_581 = vector.shape_cast %broadcast_in_dim3A_580 : vector<16x1xi32> to vector<16xi32>
          %gather3A_582 = tpu.dynamic_gather %gather3A_519[%gather3A_581] in [0] : vector<16xi32>, vector<16xi32> -> vector<16xi32>
          %add3A_583 = arith.constant 0 : i32
          %add3A_584 = vector.broadcast %add3A_583 : i32 to vector<16xi32>
          %add3A_585 = arith.addi %iota3A, %add3A_584 : vector<16xi32>
          %gather3A_586 = tpu.vector_load_idx %arg12[%gather3A_582, %add3A_585] : memref<128x64xf32, #tpu.memory_space<vmem>>[vector<16xi32>, vector<16xi32>], vector<16xf32>,
          %gather3A_587 = tpu.vector_load_idx %arg12[%add3A_579, %add3A_585] : memref<128x64xf32, #tpu.memory_space<vmem>>[vector<16xi32>, vector<16xi32>], vector<16xf32>,
          %add3A_588 = arith.addf %gather3A_586, %gather3A_587 : vector<16xf32>
          tpu.vector_store_idx %arg12[%gather3A_582, %add3A_585], %add3A_588 : memref<128x64xf32, #tpu.memory_space<vmem>>[vector<16xi32>, vector<16xi32>], vector<16xf32>,
          %broadcast_in_dim3A_589 = arith.constant 0.000000e+00 : f32
          %broadcast_in_dim3A_590 = vector.broadcast %broadcast_in_dim3A_589 : f32 to vector<16xf32>
          tpu.vector_store_idx %arg12[%add3A_579, %add3A_585], %broadcast_in_dim3A_590 : memref<128x64xf32, #tpu.memory_space<vmem>>[vector<16xi32>, vector<16xi32>], vector<16xf32>,
          %add3A_591 = arith.constant 16 : i32
          %add3A_592 = vector.broadcast %add3A_591 : i32 to vector<16xi32>
          %add3A_593 = arith.addi %iota3A, %add3A_592 : vector<16xi32>
          %gather3A_594 = tpu.vector_load_idx %arg12[%gather3A_582, %add3A_593] : memref<128x64xf32, #tpu.memory_space<vmem>>[vector<16xi32>, vector<16xi32>], vector<16xf32>,
          %gather3A_595 = tpu.vector_load_idx %arg12[%add3A_579, %add3A_593] : memref<128x64xf32, #tpu.memory_space<vmem>>[vector<16xi32>, vector<16xi32>], vector<16xf32>,
          %add3A_596 = arith.addf %gather3A_594, %gather3A_595 : vector<16xf32>
          tpu.vector_store_idx %arg12[%gather3A_582, %add3A_593], %add3A_596 : memref<128x64xf32, #tpu.memory_space<vmem>>[vector<16xi32>, vector<16xi32>], vector<16xf32>,
          %broadcast_in_dim3A_597 = arith.constant 0.000000e+00 : f32
          %broadcast_in_dim3A_598 = vector.broadcast %broadcast_in_dim3A_597 : f32 to vector<16xf32>
          tpu.vector_store_idx %arg12[%add3A_579, %add3A_593], %broadcast_in_dim3A_598 : memref<128x64xf32, #tpu.memory_space<vmem>>[vector<16xi32>, vector<16xi32>], vector<16xf32>,
          %add3A_599 = arith.constant 32 : i32
          %add3A_600 = vector.broadcast %add3A_599 : i32 to vector<16xi32>
          %add3A_601 = arith.addi %iota3A, %add3A_600 : vector<16xi32>
          %gather3A_602 = tpu.vector_load_idx %arg12[%gather3A_582, %add3A_601] : memref<128x64xf32, #tpu.memory_space<vmem>>[vector<16xi32>, vector<16xi32>], vector<16xf32>,
          %gather3A_603 = tpu.vector_load_idx %arg12[%add3A_579, %add3A_601] : memref<128x64xf32, #tpu.memory_space<vmem>>[vector<16xi32>, vector<16xi32>], vector<16xf32>,
          %add3A_604 = arith.addf %gather3A_602, %gather3A_603 : vector<16xf32>
          tpu.vector_store_idx %arg12[%gather3A_582, %add3A_601], %add3A_604 : memref<128x64xf32, #tpu.memory_space<vmem>>[vector<16xi32>, vector<16xi32>], vector<16xf32>,
          %broadcast_in_dim3A_605 = arith.constant 0.000000e+00 : f32
          %broadcast_in_dim3A_606 = vector.broadcast %broadcast_in_dim3A_605 : f32 to vector<16xf32>
          tpu.vector_store_idx %arg12[%add3A_579, %add3A_601], %broadcast_in_dim3A_606 : memref<128x64xf32, #tpu.memory_space<vmem>>[vector<16xi32>, vector<16xi32>], vector<16xf32>,
          %add3A_607 = arith.constant 48 : i32
          %add3A_608 = vector.broadcast %add3A_607 : i32 to vector<16xi32>
          %add3A_609 = arith.addi %iota3A, %add3A_608 : vector<16xi32>
          %gather3A_610 = tpu.vector_load_idx %arg12[%gather3A_582, %add3A_609] : memref<128x64xf32, #tpu.memory_space<vmem>>[vector<16xi32>, vector<16xi32>], vector<16xf32>,
          %gather3A_611 = tpu.vector_load_idx %arg12[%add3A_579, %add3A_609] : memref<128x64xf32, #tpu.memory_space<vmem>>[vector<16xi32>, vector<16xi32>], vector<16xf32>,
          %add3A_612 = arith.addf %gather3A_610, %gather3A_611 : vector<16xf32>
          tpu.vector_store_idx %arg12[%gather3A_582, %add3A_609], %add3A_612 : memref<128x64xf32, #tpu.memory_space<vmem>>[vector<16xi32>, vector<16xi32>], vector<16xf32>,
          %broadcast_in_dim3A_613 = arith.constant 0.000000e+00 : f32
          %broadcast_in_dim3A_614 = vector.broadcast %broadcast_in_dim3A_613 : f32 to vector<16xf32>
          tpu.vector_store_idx %arg12[%add3A_579, %add3A_609], %broadcast_in_dim3A_614 : memref<128x64xf32, #tpu.memory_space<vmem>>[vector<16xi32>, vector<16xi32>], vector<16xf32>,
          %ne3A_615 = arith.cmpi ne, %iota3A, %all_reduce_ffs3A : vector<16xi32>
          %and3A = arith.andi %while3A_576, %ne3A_615 : vector<16xi1>
          scf.yield %and3A : vector<16xi1>
        }
      } else {
      }
      %gather3A_544 = tpu.vector_load_idx %arg14[%get3A_344] : memref<16384xi32, #tpu.memory_space<vmem>>[vector<16xi32>], vector<16xi32>,
      %add3A_545 = arith.constant 112 : i32
      %add3A_546 = vector.broadcast %add3A_545 : i32 to vector<16xi32>
      %add3A_547 = arith.addi %iota3A, %add3A_546 : vector<16xi32>
      %ne3A_548 = arith.cmpi ne, %gather3A_544, %add3A_547 : vector<16xi32>
      %add3A_549 = arith.constant 16496 : i32
      %add3A_550 = vector.broadcast %add3A_549 : i32 to vector<16xi32>
      %add3A_551 = arith.addi %add3A_550, %iota3A : vector<16xi32>
      %select_n3A_552 = arith.select %ne3A_548, %add3A_551, %get3A_344 : vector<16xi1>, vector<16xi32>
      %swap3A_553 = arith.constant 112 : index
      %swap3A_554 = tpu.vector_load %arg13[%swap3A_553] {strides = array<i32>} : memref<128xi32, #tpu.memory_space<vmem>>, vector<16xi32>,
      tpu.vector_store %arg13[%swap3A_553], %select_n3A_552 {strides = array<i32>} : memref<128xi32, #tpu.memory_space<vmem>>, vector<16xi32>,
      %reduce_or3A_555 = arith.constant 1.000000e+00 : f32
      %reduce_or3A_556 = arith.constant 0.000000e+00 : f32
      %reduce_or3A_557 = vector.broadcast %reduce_or3A_555 : f32 to vector<16xf32>
      %reduce_or3A_558 = vector.broadcast %reduce_or3A_556 : f32 to vector<16xf32>
      %reduce_or3A_559 = arith.select %ne3A_548, %reduce_or3A_557, %reduce_or3A_558 : vector<16xi1>, vector<16xf32>
      %reduce_or3A_560 = arith.constant true
      %reduce_or3A_561 = vector.broadcast %reduce_or3A_560 : i1 to vector<16xi1>
      %reduce_or3A_562 = tpu.scan <max>, %reduce_or3A_559 masked %reduce_or3A_561 : vector<16xf32>, vector<16xi1> -> vector<16xf32>
      %reduce_or3A_563 = vector.extract %reduce_or3A_562[15] : f32 from vector<16xf32>
      %reduce_or3A_564 = arith.constant 0.000000e+00 : f32
      %reduce_or3A_565 = arith.cmpf ogt, %reduce_or3A_563, %reduce_or3A_564 : f32
      %convert_element_type3A_566 = arith.extui %reduce_or3A_565 : i1 to i32
      %cond3A_567 = arith.constant 0 : i32
      %cond3A_568 = arith.cmpi ne, %convert_element_type3A_566, %cond3A_567 : i32
      scf.if %cond3A_568 {
        %while3A = scf.while (%while3A_576 = %ne3A_548) : (vector<16xi1>) -> vector<16xi1> {
          %reduce_or3A_577 = arith.constant 1.000000e+00 : f32
          %reduce_or3A_578 = arith.constant 0.000000e+00 : f32
          %reduce_or3A_579 = vector.broadcast %reduce_or3A_577 : f32 to vector<16xf32>
          %reduce_or3A_580 = vector.broadcast %reduce_or3A_578 : f32 to vector<16xf32>
          %reduce_or3A_581 = arith.select %while3A_576, %reduce_or3A_579, %reduce_or3A_580 : vector<16xi1>, vector<16xf32>
          %reduce_or3A_582 = arith.constant true
          %reduce_or3A_583 = vector.broadcast %reduce_or3A_582 : i1 to vector<16xi1>
          %reduce_or3A_584 = tpu.scan <max>, %reduce_or3A_581 masked %reduce_or3A_583 : vector<16xf32>, vector<16xi1> -> vector<16xf32>
          %reduce_or3A_585 = vector.extract %reduce_or3A_584[15] : f32 from vector<16xf32>
          %reduce_or3A_586 = arith.constant 0.000000e+00 : f32
          %reduce_or3A_587 = arith.cmpf ogt, %reduce_or3A_585, %reduce_or3A_586 : f32
          scf.condition(%reduce_or3A_587) %while3A_576 : vector<16xi1>
        } do {
        ^bb0(%while3A_576: vector<16xi1>):
          %all_reduce_ffs3A = tpu.all_reduce %while3A_576 {dim = 0 : i64, kind = #tpu.reduction_kind<find_first_set>} : vector<16xi1> -> vector<16xi32>
          %broadcast_in_dim3A_577 = arith.constant 112 : i32
          %broadcast_in_dim3A_578 = vector.broadcast %broadcast_in_dim3A_577 : i32 to vector<16xi32>
          %add3A_579 = arith.addi %broadcast_in_dim3A_578, %all_reduce_ffs3A : vector<16xi32>
          %broadcast_in_dim3A_580 = vector.shape_cast %all_reduce_ffs3A : vector<16xi32> to vector<16x1xi32>
          %gather3A_581 = vector.shape_cast %broadcast_in_dim3A_580 : vector<16x1xi32> to vector<16xi32>
          %gather3A_582 = tpu.dynamic_gather %gather3A_544[%gather3A_581] in [0] : vector<16xi32>, vector<16xi32> -> vector<16xi32>
          %add3A_583 = arith.constant 0 : i32
          %add3A_584 = vector.broadcast %add3A_583 : i32 to vector<16xi32>
          %add3A_585 = arith.addi %iota3A, %add3A_584 : vector<16xi32>
          %gather3A_586 = tpu.vector_load_idx %arg12[%gather3A_582, %add3A_585] : memref<128x64xf32, #tpu.memory_space<vmem>>[vector<16xi32>, vector<16xi32>], vector<16xf32>,
          %gather3A_587 = tpu.vector_load_idx %arg12[%add3A_579, %add3A_585] : memref<128x64xf32, #tpu.memory_space<vmem>>[vector<16xi32>, vector<16xi32>], vector<16xf32>,
          %add3A_588 = arith.addf %gather3A_586, %gather3A_587 : vector<16xf32>
          tpu.vector_store_idx %arg12[%gather3A_582, %add3A_585], %add3A_588 : memref<128x64xf32, #tpu.memory_space<vmem>>[vector<16xi32>, vector<16xi32>], vector<16xf32>,
          %broadcast_in_dim3A_589 = arith.constant 0.000000e+00 : f32
          %broadcast_in_dim3A_590 = vector.broadcast %broadcast_in_dim3A_589 : f32 to vector<16xf32>
          tpu.vector_store_idx %arg12[%add3A_579, %add3A_585], %broadcast_in_dim3A_590 : memref<128x64xf32, #tpu.memory_space<vmem>>[vector<16xi32>, vector<16xi32>], vector<16xf32>,
          %add3A_591 = arith.constant 16 : i32
          %add3A_592 = vector.broadcast %add3A_591 : i32 to vector<16xi32>
          %add3A_593 = arith.addi %iota3A, %add3A_592 : vector<16xi32>
          %gather3A_594 = tpu.vector_load_idx %arg12[%gather3A_582, %add3A_593] : memref<128x64xf32, #tpu.memory_space<vmem>>[vector<16xi32>, vector<16xi32>], vector<16xf32>,
          %gather3A_595 = tpu.vector_load_idx %arg12[%add3A_579, %add3A_593] : memref<128x64xf32, #tpu.memory_space<vmem>>[vector<16xi32>, vector<16xi32>], vector<16xf32>,
          %add3A_596 = arith.addf %gather3A_594, %gather3A_595 : vector<16xf32>
          tpu.vector_store_idx %arg12[%gather3A_582, %add3A_593], %add3A_596 : memref<128x64xf32, #tpu.memory_space<vmem>>[vector<16xi32>, vector<16xi32>], vector<16xf32>,
          %broadcast_in_dim3A_597 = arith.constant 0.000000e+00 : f32
          %broadcast_in_dim3A_598 = vector.broadcast %broadcast_in_dim3A_597 : f32 to vector<16xf32>
          tpu.vector_store_idx %arg12[%add3A_579, %add3A_593], %broadcast_in_dim3A_598 : memref<128x64xf32, #tpu.memory_space<vmem>>[vector<16xi32>, vector<16xi32>], vector<16xf32>,
          %add3A_599 = arith.constant 32 : i32
          %add3A_600 = vector.broadcast %add3A_599 : i32 to vector<16xi32>
          %add3A_601 = arith.addi %iota3A, %add3A_600 : vector<16xi32>
          %gather3A_602 = tpu.vector_load_idx %arg12[%gather3A_582, %add3A_601] : memref<128x64xf32, #tpu.memory_space<vmem>>[vector<16xi32>, vector<16xi32>], vector<16xf32>,
          %gather3A_603 = tpu.vector_load_idx %arg12[%add3A_579, %add3A_601] : memref<128x64xf32, #tpu.memory_space<vmem>>[vector<16xi32>, vector<16xi32>], vector<16xf32>,
          %add3A_604 = arith.addf %gather3A_602, %gather3A_603 : vector<16xf32>
          tpu.vector_store_idx %arg12[%gather3A_582, %add3A_601], %add3A_604 : memref<128x64xf32, #tpu.memory_space<vmem>>[vector<16xi32>, vector<16xi32>], vector<16xf32>,
          %broadcast_in_dim3A_605 = arith.constant 0.000000e+00 : f32
          %broadcast_in_dim3A_606 = vector.broadcast %broadcast_in_dim3A_605 : f32 to vector<16xf32>
          tpu.vector_store_idx %arg12[%add3A_579, %add3A_601], %broadcast_in_dim3A_606 : memref<128x64xf32, #tpu.memory_space<vmem>>[vector<16xi32>, vector<16xi32>], vector<16xf32>,
          %add3A_607 = arith.constant 48 : i32
          %add3A_608 = vector.broadcast %add3A_607 : i32 to vector<16xi32>
          %add3A_609 = arith.addi %iota3A, %add3A_608 : vector<16xi32>
          %gather3A_610 = tpu.vector_load_idx %arg12[%gather3A_582, %add3A_609] : memref<128x64xf32, #tpu.memory_space<vmem>>[vector<16xi32>, vector<16xi32>], vector<16xf32>,
          %gather3A_611 = tpu.vector_load_idx %arg12[%add3A_579, %add3A_609] : memref<128x64xf32, #tpu.memory_space<vmem>>[vector<16xi32>, vector<16xi32>], vector<16xf32>,
          %add3A_612 = arith.addf %gather3A_610, %gather3A_611 : vector<16xf32>
          tpu.vector_store_idx %arg12[%gather3A_582, %add3A_609], %add3A_612 : memref<128x64xf32, #tpu.memory_space<vmem>>[vector<16xi32>, vector<16xi32>], vector<16xf32>,
          %broadcast_in_dim3A_613 = arith.constant 0.000000e+00 : f32
          %broadcast_in_dim3A_614 = vector.broadcast %broadcast_in_dim3A_613 : f32 to vector<16xf32>
          tpu.vector_store_idx %arg12[%add3A_579, %add3A_609], %broadcast_in_dim3A_614 : memref<128x64xf32, #tpu.memory_space<vmem>>[vector<16xi32>, vector<16xi32>], vector<16xf32>,
          %ne3A_615 = arith.cmpi ne, %iota3A, %all_reduce_ffs3A : vector<16xi32>
          %and3A = arith.andi %while3A_576, %ne3A_615 : vector<16xi1>
          scf.yield %and3A : vector<16xi1>
        }
      } else {
      }
      "tpu.region"() ({
        %run_scoped3A = tpu.sem_alloc : memref<!tpu.dma_semaphore, #tpu.memory_space<semaphore_mem>>
        %dma_start3A_576 = arith.constant 0 : i32
        %dma_start3A_577 = arith.constant 0 : i32
        %dma_start3A_578 = tpu.memref_slice %arg7[%dma_start3A_576, %dma_start3A_577] : memref<16512x64xf32, #tpu.memory_space<vmem_shared>> -> memref<16512x64xf32, #tpu.memory_space<vmem_shared>>
        tpu.enqueue_indirect_dma source(%arg12 : memref<128x64xf32, #tpu.memory_space<vmem>>) target(%dma_start3A_578 : memref<16512x64xf32, #tpu.memory_space<vmem_shared>>) offsets(%arg13 : memref<128xi32, #tpu.memory_space<vmem>>) semaphore(%run_scoped3A : memref<!tpu.dma_semaphore, #tpu.memory_space<semaphore_mem>>) {add = true}
        %dma_wait3A_579 = arith.constant 0 : i32
        %dma_wait3A_580 = arith.constant 0 : i32
        %dma_wait3A_581 = tpu.memref_slice %arg7[%dma_wait3A_579, %dma_wait3A_580] : memref<16512x64xf32, #tpu.memory_space<vmem_shared>> -> memref<16512x64xf32, #tpu.memory_space<vmem_shared>>
        tpu.wait_indirect_dma semaphore(%run_scoped3A : memref<!tpu.dma_semaphore, #tpu.memory_space<semaphore_mem>>) src(%arg12 : memref<128x64xf32, #tpu.memory_space<vmem>>) dst(%dma_wait3A_581 : memref<16512x64xf32, #tpu.memory_space<vmem_shared>>)
        tpu.yield
      }) : () -> ()
      %add3A_569 = arith.constant 2 : i32
      %add3A_570 = arith.addi %add3A_309, %add3A_569 : i32
      %lt3A_571 = arith.constant 66 : i32
      %lt3A_572 = arith.cmpi slt, %add3A_570, %lt3A_571 : i32
      %convert_element_type3A_573 = arith.extui %lt3A_572 : i1 to i32
      %cond3A_574 = arith.constant 0 : i32
      %cond3A_575 = arith.cmpi ne, %convert_element_type3A_573, %cond3A_574 : i32
      scf.if %cond3A_575 {
        %add3A_576 = arith.constant 2 : i32
        %add3A_577 = arith.addi %add3A_309, %add3A_576 : i32
        %dma_start3A_578 = arith.constant 0 : i32
        %dma_start3A_579 = tpu.memref_slice %arg8[%add3A_577, %dma_start3A_578] : memref<66x128xi32, #tpu.memory_space<vmem>> -> memref<1x128xi32, #tpu.memory_space<vmem>>
        %dma_start3A_580 = tpu.memref_squeeze %dma_start3A_579 : memref<1x128xi32, #tpu.memory_space<vmem>> -> memref<128xi32, #tpu.memory_space<vmem>>
        %dma_start3A_581 = arith.constant 0 : i32
        %dma_start3A_582 = arith.constant 0 : i32
        %dma_start3A_583 = tpu.memref_slice %arg2[%dma_start3A_581, %dma_start3A_582] : memref<16384x64xf32, #tpu.memory_space<hbm>> -> memref<16384x64xf32, #tpu.memory_space<hbm>>
        tpu.enqueue_indirect_dma source(%dma_start3A_583 : memref<16384x64xf32, #tpu.memory_space<hbm>>) target(%arg12 : memref<128x64xf32, #tpu.memory_space<vmem>>) offsets(%dma_start3A_580 : memref<128xi32, #tpu.memory_space<vmem>>) semaphore(%arg16 : memref<!tpu.dma_semaphore, #tpu.memory_space<semaphore_mem>>)
      } else {
      }
    }
    %scan3A_45 = arith.constant 33 : i32
    %barrier3A_46 = arith.constant 0 : index
    tpu.barrier barrier_id(%barrier3A_46)
    "tpu.region"() ({
      %run_scoped3A = tpu.sem_alloc : memref<!tpu.dma_semaphore, #tpu.memory_space<semaphore_mem>>
      %dma_start3A_47 = arith.constant 0 : i32
      %dma_start3A_48 = tpu.memref_slice %arg6[%arg0, %mul3A_11, %dma_start3A_47] : memref<2x16384x64xf32, #tpu.memory_space<hbm>> -> memref<1x1024x64xf32, #tpu.memory_space<hbm>>
      %dma_start3A_49 = tpu.memref_squeeze %dma_start3A_48 : memref<1x1024x64xf32, #tpu.memory_space<hbm>> -> memref<1024x64xf32, #tpu.memory_space<hbm>>
      %dma_start3A_50 = arith.constant 0 : i32
      %dma_start3A_51 = tpu.memref_slice %arg7[%mul3A_11, %dma_start3A_50] : memref<16512x64xf32, #tpu.memory_space<vmem_shared>> -> memref<1024x64xf32, #tpu.memory_space<vmem_shared>>
      tpu.enqueue_dma source(%dma_start3A_51 : memref<1024x64xf32, #tpu.memory_space<vmem_shared>>) target(%dma_start3A_49 : memref<1024x64xf32, #tpu.memory_space<hbm>>) target_semaphore(%run_scoped3A : memref<!tpu.dma_semaphore, #tpu.memory_space<semaphore_mem>>)
      %dma_wait3A = arith.constant 0 : i32
      %dma_wait3A_52 = tpu.memref_slice %arg6[%arg0, %mul3A_11, %dma_wait3A] : memref<2x16384x64xf32, #tpu.memory_space<hbm>> -> memref<1x1024x64xf32, #tpu.memory_space<hbm>>
      %dma_wait3A_53 = tpu.memref_squeeze %dma_wait3A_52 : memref<1x1024x64xf32, #tpu.memory_space<hbm>> -> memref<1024x64xf32, #tpu.memory_space<hbm>>
      %dma_wait3A_54 = arith.constant 0 : i32
      %dma_wait3A_55 = tpu.memref_slice %arg7[%mul3A_11, %dma_wait3A_54] : memref<16512x64xf32, #tpu.memory_space<vmem_shared>> -> memref<1024x64xf32, #tpu.memory_space<vmem_shared>>
      tpu.wait_dma2 semaphore(%run_scoped3A : memref<!tpu.dma_semaphore, #tpu.memory_space<semaphore_mem>>) src(%dma_wait3A_55 : memref<1024x64xf32, #tpu.memory_space<vmem_shared>>) dst(%dma_wait3A_53 : memref<1024x64xf32, #tpu.memory_space<hbm>>)
      tpu.yield
    }) : () -> ()
    return
  }
}

module attributes {stable_mosaic.version = 14 : i64} {
  func.func @_tc_body(%arg0: i32, %arg1: memref<2x1024x64xf32, #tpu.memory_space<vmem>>, %arg2: memref<64x64xf32, #tpu.memory_space<vmem>>, %arg3: memref<1x64xf32, #tpu.memory_space<vmem>>, %arg4: memref<1024x64xf32, #tpu.memory_space<vmem>>) attributes {dimension_semantics = [#tpu.dimension_semantics<arbitrary>], iteration_bounds = array<i64: 16>, scalar_prefetch = 0 : i64, scratch_operands = 0 : i64, tpu.core_type = #tpu.core_type<tc>, window_params = [{transform_indices = @transform_0, window_bounds = array<i64: 2, 1024, 64>}, {pipeline_mode = #tpu.pipeline_mode<synchronous>, transform_indices = @transform_1, window_bounds = array<i64: 64, 64>}, {pipeline_mode = #tpu.pipeline_mode<synchronous>, transform_indices = @transform_2, window_bounds = array<i64: 1, 64>}, {transform_indices = @transform_3, window_bounds = array<i64: 1024, 64>}]} {
    %get3A = arith.constant 0 : index
    %get3A_0 = arith.constant 0 : index
    %get3A_1 = arith.constant 0 : index
    %get3A_2 = vector.load %arg1[%get3A, %get3A_0, %get3A_1] : memref<2x1024x64xf32, #tpu.memory_space<vmem>>, vector<1x1024x64xf32>
    %get3A_3 = vector.shape_cast %get3A_2 : vector<1x1024x64xf32> to vector<1024x64xf32>
    %get3A_4 = arith.constant 1 : index
    %get3A_5 = arith.constant 0 : index
    %get3A_6 = arith.constant 0 : index
    %get3A_7 = vector.load %arg1[%get3A_4, %get3A_5, %get3A_6] : memref<2x1024x64xf32, #tpu.memory_space<vmem>>, vector<1x1024x64xf32>
    %get3A_8 = vector.shape_cast %get3A_7 : vector<1x1024x64xf32> to vector<1024x64xf32>
    %add3A = arith.addf %get3A_3, %get3A_8 : vector<1024x64xf32>
    %get3A_9 = arith.constant 0 : index
    %get3A_10 = arith.constant 0 : index
    %get3A_11 = vector.load %arg2[%get3A_9, %get3A_10] : memref<64x64xf32, #tpu.memory_space<vmem>>, vector<64x64xf32>
    %dot_general3A = arith.constant dense<0.000000e+00> : vector<1024x64xf32>
    %dot_general3A_12 = tpu.matmul %add3A, %get3A_11, %dot_general3A {dimension_numbers = #tpu.dot_dimension_numbers<[1], [0], [0], [1], [0, 0, 1, 1], [], []>, transpose_lhs_hint = false} : vector<1024x64xf32>, vector<64x64xf32>, vector<1024x64xf32> -> vector<1024x64xf32>
    %get3A_13 = arith.constant 0 : index
    %get3A_14 = arith.constant 0 : index
    %get3A_15 = vector.load %arg3[%get3A_13, %get3A_14] : memref<1x64xf32, #tpu.memory_space<vmem>>, vector<1x64xf32>
    %add3A_16 = vector.broadcast %get3A_15 : vector<1x64xf32> to vector<1024x64xf32>
    %add3A_17 = arith.addf %dot_general3A_12, %add3A_16 : vector<1024x64xf32>
    %swap3A = arith.constant 0 : index
    %swap3A_18 = arith.constant 0 : index
    %swap3A_19 = vector.load %arg4[%swap3A, %swap3A_18] : memref<1024x64xf32, #tpu.memory_space<vmem>>, vector<1024x64xf32>
    tpu.vector_store %arg4[%swap3A, %swap3A_18], %add3A_17 {strides = array<i32>} : memref<1024x64xf32, #tpu.memory_space<vmem>>, vector<1024x64xf32>,
    return
  }
  func.func @transform_0(%arg0: i32) -> (i32, i32, i32) {
    %c0_i32 = arith.constant 0 : i32
    %c0_i32_0 = arith.constant 0 : i32
    %c0_i32_1 = arith.constant 0 : i32
    return %c0_i32, %arg0, %c0_i32_0 : i32, i32, i32
  }
  func.func @transform_1(%arg0: i32) -> (i32, i32) {
    %c0_i32 = arith.constant 0 : i32
    %c0_i32_0 = arith.constant 0 : i32
    %c0_i32_1 = arith.constant 0 : i32
    return %c0_i32, %c0_i32_0 : i32, i32
  }
  func.func @transform_2(%arg0: i32) -> (i32, i32) {
    %c0_i32 = arith.constant 0 : i32
    %c0_i32_0 = arith.constant 0 : i32
    %c0_i32_1 = arith.constant 0 : i32
    return %c0_i32, %c0_i32_0 : i32, i32
  }
  func.func @transform_3(%arg0: i32) -> (i32, i32) {
    %c0_i32 = arith.constant 0 : i32
    %c0_i32_0 = arith.constant 0 : i32
    return %arg0, %c0_i32 : i32, i32
  }
}

</mosaic_0001>

<sc_bundles>
// kernel: kernel.4.cloned.1.call-start
scs
__scs_entry_jumppad:
0x0: {  	(pc) =	sbr.rel $0x88, $3  }
0x1: {  	(tag) =	ssettag $0x0;
	lr =	simm.s32 $0x1  }
0x2: {  	[smem:$0x3F9B] =	sst lr;
	_ =	strace $0xD0000000  }
0x3: {  	_ = 	snop  }
0x4: {  	_ = 	snop  }
0x5: {  	_ = 	snop  }
0x6: {  	_ = 	snop  }
0x7: {  	_ = 	snop  }
__scs_overlays_trampoline_lowered:
0x8: {  	[smem:$0x3FAA] =	sst s0  }
0x9: {  	[smem:$0x3FAB] =	sst s1  }
0xa: {  	[smem:$0x3FAC] =	sst s2  }
0xb: {  	[smem:$0x3FAD] =	sst s3  }
0xc: {  	[smem:$0x3FAE] =	sst s4  }
0xd: {  	[smem:$0x3FAF] =	sst s5  }
0xe: {  	[smem:$0x3FB0] =	sst s6  }
0xf: {  	[smem:$0x3FB1] =	sst s7  }
0x10: {  	[smem:$0x3FB2] =	sst s8  }
0x11: {  	[smem:$0x3FB3] =	sst s9;
	s0 =	simm.s32 @!p0 $0x0  }
0x12: {  	s1 =	sld [smem:$0x3F99];
	s0 =	simm.s32 @p0 $0x1  }
0x13: {  	[smem:$0x3FB4] =	sst s0;
	s0 =	simm.s32 @!p1 $0x0  }
0x14: {  	s2 =	sld [smem:$0x3F98];
	s0 =	simm.s32 @p1 $0x1  }
0x15: {  	[smem:$0x3FB5] =	sst s0;
	s0 =	simm.s32 @!p2 $0x0  }
0x16: {  	s3 =	sld [smem:$0x3FDB];
	s0 =	simm.s32 @p2 $0x1  }
0x17: {  	s4 =	simm.s32 $0x1BF5;
	[smem:$0x3FB7] =	sst s0  }
0x18: {  	s0 =	sld [smem:$0x3F9A];
	_ =	swait.ge [sflag:s4], $0x0  }
0x19: {  	s7 =	sld [smem:$0x3F9B]  }
0x1a: {  	s8 =	sadd.s32 $0xFFFFE003, lr  }
0x1b: {  	s9 =	sadd.s32 $0xFFFFFEF7, lr;
	s5 =	simm.s32 $0xFFFFFFFF;
	p2 =	slt.u32 s8, $0xFFFFF086  }
0x1c: {  	p1 =	slt.u32 s9, $0xF7A;
	s5 =	simm.s32 @!p2 $0x0  }
0x1d: {  	s5 =	simm.s32 @p1 $0x1;
	p0 =	seq.s32 s7, s2  }
0x1e: {  	s7 =	smul.u32 @!p0 $0xF7A, s2;
	p2 =	seq.s32 @!p0 s5, $0x0  }
0x1f: {  	s9 =	smul.u32 $0xF7A, s1;
	s8 =	simm.s32 @!p0 $0x1BF5;
	p2 =	por !p2, p0  }
0x20: {  	[sflag:s8] =	ssyncset.s32 @!p0 $0xFFFFF086;
	s6 =	sadd.s32 @!p0 s3, s7;
	s7 =	simm.s32 @!p0 $0x108  }
0x21: {  	s3 =	sadd.s32 s3, s9;
	s6 =	sadd.s32 @!p0 $0x88, s6;
	s7 =	simm.s32 @p2 $0x1082  }
0x22: {  	[simem:s7], [sflag:s8] =	dma.local @!p0 [hbm:s6], $0xF7A  }
0x23: {  	s9 =	sor.u32 $0xD0000000, s2;
	s6 =	simm.s32 $0x108;
	_ =	swait.ge @!p0 [sflag:s8], $0x0  }
0x24: {  	s3 =	sadd.s32 $0x88, s3;
	s6 =	simm.s32 @!p1 $0x1082;
	[sflag:s4] =	ssyncset.s32 $0xFFFFF086  }
0x25: {  	[simem:s6], [sflag:s4] =	dma.local [hbm:s3], $0xF7A  }
0x26: {  	[smem:$0x3F9B] =	sst s1;
	(tag) =	ssettag s2;
	_ =	strace s9  }
0x27: {  	s1 =	sld [smem:$0x3FAB]  }
0x28: {  	s2 =	sld [smem:$0x3FAC]  }
0x29: {  	s4 =	sld [smem:$0x3FAE]  }
0x2a: {  	p0 =	seq.s32 s5, $0x0;
	s5 =	sld [smem:$0x3FAF]  }
0x2b: {  	s6 =	sld [smem:$0x3FB0]  }
0x2c: {  	s7 =	sld [smem:$0x3FB1]  }
0x2d: {  	s3 =	simm.s32 $0x108;
	s8 =	sld [smem:$0x3FB2]  }
0x2e: {  	s3 =	simm.s32 @!p0 $0x1082;
	s9 =	sld [smem:$0x3FB3]  }
0x2f: {  	lr =	sadd.s32 s0, s3;
	s0 =	sld [smem:$0x3FAA]  }
0x30: {  	s3 =	sld [smem:$0x3FAD]  }
0x31: {  	[smem:$0x3FB6] =	sst s10  }
0x32: {  	s10 =	sld [smem:$0x3FB4];
	_ =	sdelay $0x3  }
0x33: {  	p0 =	seq.s32 s10, $0x1;
	s10 =	sld [smem:$0x3FB6];
	_ =	sdelay $0x3  }
0x34: {  	[smem:$0x3FB6] =	sst s10  }
0x35: {  	s10 =	sld [smem:$0x3FB5];
	_ =	sdelay $0x3  }
0x36: {  	p1 =	seq.s32 s10, $0x1;
	s10 =	sld [smem:$0x3FB6];
	_ =	sdelay $0x3  }
0x37: {  	[smem:$0x3FB6] =	sst s10  }
0x38: {  	s10 =	sld [smem:$0x3FB7]  }
0x39: {  	_ = 	snop;
	(pc) =	sbr.ind lr, $3  }
0x3a: {  	_ = 	snop  }
0x3b: {  	_ = 	snop  }
0x3c: {  	p2 =	seq.s32 s10, $0x1;
	s10 =	sld [smem:$0x3FB6]  }
0x3d: {  	_ =	shalt  }
0x3e: {  	_ =	shalt  }
0x3f: {  	_ =	shalt  }
0x40: {  	_ =	shalt  }
0x41: {  	_ =	shalt  }
0x42: {  	_ =	shalt  }
0x43: {  	_ =	shalt  }
0x44: {  	_ =	shalt  }
0x45: {  	_ =	shalt  }
0x46: {  	_ =	shalt  }
0x47: {  	_ =	shalt  }
0x48: {  	_ =	shalt  }
0x49: {  	_ =	shalt  }
0x4a: {  	_ =	shalt  }
0x4b: {  	_ =	shalt  }
0x4c: {  	_ =	shalt  }
0x4d: {  	_ =	shalt  }
0x4e: {  	_ =	shalt  }
0x4f: {  	_ =	shalt  }
0x50: {  	_ =	shalt  }
0x51: {  	_ =	shalt  }
0x52: {  	_ =	shalt  }
0x53: {  	_ =	shalt  }
0x54: {  	_ =	shalt  }
0x55: {  	_ =	shalt  }
0x56: {  	_ =	shalt  }
0x57: {  	_ =	shalt  }
0x58: {  	_ =	shalt  }
0x59: {  	_ =	shalt  }
0x5a: {  	_ =	shalt  }
0x5b: {  	_ =	shalt  }
0x5c: {  	_ =	shalt  }
0x5d: {  	_ =	shalt  }
0x5e: {  	_ =	shalt  }
0x5f: {  	_ =	shalt  }
0x60: {  	_ =	shalt  }
0x61: {  	_ =	shalt  }
0x62: {  	_ =	shalt  }
0x63: {  	_ =	shalt  }
0x64: {  	_ =	shalt  }
0x65: {  	_ =	shalt  }
0x66: {  	_ =	shalt  }
0x67: {  	_ =	shalt  }
0x68: {  	_ =	shalt  }
0x69: {  	_ =	shalt  }
0x6a: {  	_ =	shalt  }
0x6b: {  	_ =	shalt  }
0x6c: {  	_ =	shalt  }
0x6d: {  	_ =	shalt  }
0x6e: {  	_ =	shalt  }
0x6f: {  	_ =	shalt  }
0x70: {  	_ =	shalt  }
0x71: {  	_ =	shalt  }
0x72: {  	_ =	shalt  }
0x73: {  	_ =	shalt  }
0x74: {  	_ =	shalt  }
0x75: {  	_ =	shalt  }
0x76: {  	_ =	shalt  }
0x77: {  	_ =	shalt  }
0x78: {  	_ =	shalt  }
0x79: {  	_ =	shalt  }
0x7a: {  	_ =	shalt  }
0x7b: {  	_ =	shalt  }
0x7c: {  	_ =	shalt  }
0x7d: {  	_ =	shalt  }
0x7e: {  	_ =	shalt  }
0x7f: {  	_ =	shalt  }
0x80: {  	_ =	shalt  }
0x81: {  	_ =	shalt  }
0x82: {  	_ =	shalt  }
0x83: {  	_ =	shalt  }
0x84: {  	_ =	shalt  }
0x85: {  	_ =	shalt  }
0x86: {  	_ =	shalt  }
0x87: {  	_ =	shalt  }
.Lfunc_end0:
.L_simem_size_0:
called_computation_lowered:
.L_overlay_start_0:
0x88: {  	s2 =	sld [smem:$0x3FD9]  }
0x89: {  	s3 =	sld [smem:$0x3FFE];
	_ =	sdelay $0x1  }
0x8a: {  	s1 =	srdreg.scid  }
0x8b: {  	s0 =	sand.u32 $0x1, s1  }
0x8c: {  	s17 =	sshll.u32 s0, $0xA;
	s2 =	sadd.s32 s3, s2  }
0x8d: {  	s2 =	sadd.s32 s2, s17  }
0x8e: {  	[smem:$0x3FC2] =	sst s2  }
0x8f: {  	_ = 	snop  }
0x90: {  	s2 =	sld [smem:$0x3FD0];
	(tm) =	ssettm $0x1  }
0x91: {  	s18 =	sld [smem:$0x3FFB];
	_ =	sdelay $0x3  }
0x92: {  	_ =	strace s18  }
0x93: {  	s3 =	sld [smem:$0x3FFC];
	_ =	sdelay $0x3  }
0x94: {  	_ =	strace s3  }
0x95: {  	s3 =	sld [smem:$0x3FFD];
	_ =	sdelay $0x3  }
0x96: {  	_ =	strace s3  }
0x97: {  	_ =	strace $0x8FFFFFFF  }
0x98: {  	s19 =	sld [smem:$0x3FDB];
	_ =	sdelay $0x1  }
0x99: {  	s4 =	simm.s32 $_scs_section_size  }
0x9a: {  	s5 =	simm.s32 $_size__tile_overlayer_lowered;
	s6 =	simm.s32 $_tile_overlayer_lowered  }
0x9b: {  	s22 =	simm.s32 $0x1BFF;
	s21 =	sshll.u32 s6, $0x1;
	s3 =	sadd.s32 s4, s19  }
0x9c: {  	s7 =	simm.s32 $0x0;
	s20 =	sshll.u32 s5, $0x1;
	s5 =	sadd.s32 s21, s3  }
0x9d: {  	[timem:s7], [sflag:s22] =	dma.local [hbm:s5], s20  }
0x9e: {  	_ =	swait.ge [sflag:s22], s20  }
0x9f: {  	s4 =	ssub.s32 $0x0, s20;
	[sflag:s22] =	ssyncset.done $0x0  }
0xa0: {  	[sflag:s22] =	ssyncadd.s32 s4;
	_ =	sdelay $0x1  }
0xa1: {  	s23 =	simm.s32 $0x1B8B  }
0xa2: {  	_ =	swait.ge [sflag:s23], $0x1  }
0xa3: {  	[sflag:s23] =	ssyncset.done $0x0  }
0xa4: {  	s25 =	simm.s32 $0x1B8E;
	s24 =	sld [smem:$0x3FFE];
	[sflag:s23] =	ssyncadd.s32 $0xFFFFFFFF  }
0xa5: {  	s26 =	simm.s32 $execute0_lowered;
	[smem:$0x3FD2] =	sst s25  }
0xa6: {  	s5 =	sshll.u32 s26, $0x1;
	_ =	strace $0x80000046;
	[dreg:$0x1] =	wrdreg $0xFFFFFFFF  }
0xa7: {  	s28 =	simm.s32 $_size_execute0_lowered;
	s3 =	sadd.s32 s3, s5;
	[dreg:$0x0] =	wrdreg $0x0  }
0xa8: {  	s5 =	sshll.u32 s28, $0x1;
	[dreg:$0x2] =	wrdreg s3  }
0xa9: {  	[dreg:$0x3] =	wrdreg s5  }
0xaa: {  	[dreg:$0x4] =	wrdreg $0xC0  }
0xab: {  	_ =	task [dreg:s7], $0x5FFFF  }
0xac: {  	[dreg:$0x1] =	wrdreg $0xFFFFFFFF  }
0xad: {  	[dreg:$0x0] =	wrdreg $0x60  }
0xae: {  	[dreg:$0x2] =	wrdreg s2  }
0xaf: {  	[dreg:$0x3] =	wrdreg s24  }
0xb0: {  	[dreg:$0x4] =	wrdreg $0x0  }
0xb1: {  	[dreg:$0x5] =	wrdreg $0x9  }
0xb2: {  	_ =	task.clear_ibuf [dreg:s7], $0x6FFFF;
	_ =	strace $0x90000046  }
0xb3: {  	s29 =	simm.s32 $0x9;
	_ =	strace $0x80000048  }
0xb4: {  	_ =	swait.ge [sflag:s29], $0x1  }
0xb5: {  	[sflag:s29] =	ssyncadd.s32 $0xFFFFFFFF  }
0xb6: {  	_ =	strace $0x90000048  }
0xb7: {  	_ =	sfence  }
0xb8: {  	s30 =	sld [smem:$0x0];
	_ =	sdelay $0x2  }
0xb9: {  	s31 =	sshll.u32 s1, $0xD;
	s1 =	sshrl.u32 s1, $0x2  }
0xba: {  	s3 =	sand.u32 $0x4000, s31;
	s1 =	sadd.s32 s1, s30  }
0xbb: {  	s0 =	sor.u32 s3, s0;
	s1 =	sshll.u32 s1, $0x11  }
0xbc: {  	s0 =	sor.u32 s1, s0  }
0xbd: {  	s0 =	sadd.s32 $0x8F2B, s0  }
0xbe: {  	[sflag:s0] =	ssyncadd.remote.s32 $0x1  }
0xbf: {  	_ =	sfence.sel $0xFFFF  }
0xc0: {  	[dreg:$0x0] =	wrdreg $0xFFFFFFFF;
	(pc) =	sbr.abs _section_cstart, $3  }
0xc1: {  	[dreg:$0x1] =	wrdreg $0xFFFFFFFF  }
0xc2: {  	_ =	task.clear_ibuf [dreg:s7], $0x2FFFF;
	_ =	strace $0x9FFFFFFF  }
0xc3: {  	(tm) =	ssettm $0x7FFFFFFF  }
tec
execute0_lowered:
.L_overlay_start_1:
0x0: {  	(tag) =	ssettag $0x1  }
0x1: {  	s1 =	rddreg [dreg:$0x0]  }
0x2: {  	s0 =	rddreg [dreg:$0x1]  }
0x3: {  	s3 =	rddreg [dreg:$0x2];
	s4 =	simm.s32 $0x0;
	s2 =	srdreg.scid  }
0x4: {  	s6 =	stileid.u32;
	s19 =	simm.s32 $0x3;
	s22 =	simm.s32 $0x16510  }
0x5: {  	s28 =	simm.s32 $0x1A590;
	s29 =	simm.s32 $0x80;
	s30 =	simm.s32 $0x1A510  }
0x6: {  	s31 =	simm.s32 $0x2;
	s2 =	sand.u32 $0x1, s2;
	s5 =	sshll.u32 s6, $0x1  }
0x7: {  	[smem:$0x7FF] =	sst s4;
	s6 =	sshll.u32 s6, $0x10;
	s5 =	sor.u32 s2, s5  }
0x8: {  	s7 =	sshll.u32 s2, $0x14;
	s2 =	ssub.s32 $0x2, s2;
	_ =	strace $0x80000047  }
0x9: {  	s5 =	smul.u32 $0x420, s5;
	s7 =	sor.u32 s6, s7;
	s8 =	sshrl.u32 s2, $0x1  }
0xa: {  	v0 =	vlaneseq.u32;
	s7 =	sshrl.u32 s7, $0x3;
	s2 =	ssub.s32 s2, s8;
	s8 =	simm.s32 $0x10200  }
0xb: {  	v1 =	vimm.f32 $0.0e+00;
	v2 =	vor.u32 $0x10, v0;
	v3 =	vor.u32 $0x20, v0;
	s5 =	sadd.s32 s5, s0;
	s0 =	sadd.s32 s7, s0;
	s7 =	sadd.s32 s6, s3  }
0xc: {  	v4 =	vor.u32 $0x30, v0;
	v5 =	vor.u32 $0x40, v0;
	v6 =	vor.u32 $0x50, v0;
	s17 =	smax.u32 s2, $0x1;
	s24 =	sadd.s32 $0x9000, s5;
	s25 =	sadd.s32 $0xC00, s5  }
0xd: {  	v7 =	vor.u32 $0x60, v0;
	v8 =	vor.u32 $0x70, v0;
	v9 =	vor.u32 $0x4000, v0;
	s5 =	sadd.s32 $0x11400, s5;
	s26 =	sadd.s32 $0x2000, s7;
	s10 =	sadd.s32 $0x4000, s7  }
.Ltmp0:
0xe: {  	v10 =	vor.u32 $0x4010, v0;
	v11 =	vor.u32 $0x400, v0;
	v12 =	vor.u32 $0x410, v0;
	s11 =	sadd.s32 $0x6000, s7;
	[dreg:$0x4] =	wrdreg s24;
	(pc) =	sbr.rel .LBB2_1-.Ltmp0, $4  }
0xf: {  	v13 =	vor.u32 $0x420, v0;
	v14 =	vor.u32 $0x430, v0;
	v15 =	vor.u32 $0x4020, v0;
	s12 =	sadd.s32 $0x8000, s7;
	s13 =	sadd.s32 $0xA000, s7;
	[dreg:$0x5] =	wrdreg s25  }
0x10: {  	v16 =	vor.u32 $0x800, v0;
	v17 =	vor.u32 $0x810, v0;
	v18 =	vor.u32 $0x820, v0;
	s14 =	sadd.s32 $0xC000, s7;
	s15 =	sadd.s32 $0xE000, s7;
	[dreg:$0x6] =	wrdreg s5  }
0x11: {  	v19 =	vor.u32 $0x830, v0;
	v20 =	vor.u32 $0x4030, v0;
	v21 =	vor.u32 $0xC00, v0;
	s16 =	sadd.s32 $0x19800, s0;
	s0 =	simm.s32 $0x0;
	[dreg:$0x7] =	wrdreg s26  }
0x12: {  	v22 =	vor.u32 $0xC10, v0;
	v23 =	vor.u32 $0xC20, v0;
	v24 =	vor.u32 $0xC30, v0;
	s24 =	simm.s32 $0x18510;
	s25 =	simm.s32 $0x1;
	s26 =	simm.s32 $0x14400  }
.LBB2_42:
0x13: {  	s2 =	stileid.u32;
	s0 =	sadd.s32 $0x1, s0  }
0x14: {  	[bflag:$0x0] =	sbarrier.arrive $0xFFFF;
	s2 =	sshll.u32 s2, $0x6;
	p0 =	sne.s32 s0, s17  }
.Ltmp1:
0x15: {  	s5 =	sshrl.u32 s7, $0x3;
	s2 =	sor.u32 $0x1C03, s2;
	(pc) =	sbr.rel @!p0 .LBB2_43-.Ltmp1, $4  }
0x16: {  	[hbm:s16], [sflag:s2] =	dma.local [spmem:s5], $0x2000  }
0x17: {  	_ =	swait.ge [sflag:s19], $0x2000  }
0x18: {  	[sflag:s19] =	ssyncset.done $0x0  }
0x19: {  	s8 =	simm.s32 $0x10200;
	[sflag:s19] =	ssyncadd.s32 $0xFFFFE000  }
.LBB2_1:
0x1a: {  	s2 =	rddreg [dreg:$0x4]  }
0x1b: {  	[tilespmem:s8], [sflag:$0x3] =	stream.linear.gather [hbm4b:s2+s4], $0x2100, $0x38;
	[tilespmem:$0x1E590] =	vst v63  }
0x1c: {  	_ =	swait.ge [sflag:s19], $0x2100  }
0x1d: {  	[sflag:s19] =	ssyncset.done $0x0  }
0x1e: {  	s5 =	simm.s32 $0x12300;
	s20 =	rddreg [dreg:$0x5];
	[sflag:s19] =	ssyncadd.s32 $0xFFFFDF00  }
0x1f: {  	[tilespmem:s5], [sflag:$0x3] =	stream.linear.gather [hbm4b:s20+s4], $0x2100, $0x38;
	[tilespmem:$0x1E590] =	vst v63  }
0x20: {  	_ =	swait.ge [sflag:s19], $0x2100  }
0x21: {  	[sflag:s19] =	ssyncset.done $0x0  }
0x22: {  	s23 =	simm.s32 $0x14410;
	s21 =	rddreg [dreg:$0x6];
	[sflag:s19] =	ssyncadd.s32 $0xFFFFDF00  }
0x23: {  	[tilespmem:s23], [sflag:$0x3] =	stream.linear.gather [hbm4b:s21+s4], $0x2100, $0x38;
	[tilespmem:$0x1E590] =	vst v63  }
0x24: {  	_ =	swait.ge [sflag:s19], $0x2100  }
0x25: {  	[sflag:s19] =	ssyncset.done $0x0  }
0x26: {  	s2 =	simm.s32 $0x0;
	s5 =	simm.s32 $0x100;
	[sflag:s19] =	ssyncadd.s32 $0xFFFFDF00  }
.LBB2_2:
0x27: {  	p0 =	sne.s32 s5, $0x7F00;
	[tilespmem:s2+$0x16540] =	vst v1;
	s6 =	smov.u32 s5;
	s5 =	sadd.s32 $0x100, s5  }
.Ltmp2:
0x28: {  	[tilespmem:s2+$0x16530] =	vst v1;
	(pc) =	sbr.rel @p0 .LBB2_2-.Ltmp2, $3  }
0x29: {  	[tilespmem:s2+$0x16510] =	vst v1  }
0x2a: {  	[tilespmem:s2+$0x16520] =	vst v1;
	_ =	sdelay $0x1  }
0x2b: {  	s2 =	sshra.s32 s6, $0x2  }
0x2c: {  	[tilespmem:s2+$0x16540] =	vst v1  }
0x2d: {  	[tilespmem:s2+$0x16530] =	vst v1  }
0x2e: {  	[tilespmem:s2+$0x16510] =	vst v1  }
0x2f: {  	[tilespmem:s2+$0x16520] =	vst v1  }
0x30: {  	[spmem:s7] =	stream.linear.scatter [tilespmem:s22], [sflag:$0x3], $0x2000, $0x38;
	[tilespmem:$0x1E590] =	vst v63  }
0x31: {  	_ =	swait.ge [sflag:s19], $0x2000  }
0x32: {  	[sflag:s19] =	ssyncset.done $0x0  }
0x33: {  	s21 =	rddreg [dreg:$0x7];
	[sflag:s19] =	ssyncadd.s32 $0xFFFFE000  }
0x34: {  	[spmem:s21] =	stream.linear.scatter [tilespmem:s22], [sflag:$0x3], $0x2000, $0x38;
	[tilespmem:$0x1E590] =	vst v63  }
0x35: {  	_ =	swait.ge [sflag:s19], $0x2000  }
0x36: {  	[sflag:s19] =	ssyncset.done $0x0  }
0x37: {  	[sflag:s19] =	ssyncadd.s32 $0xFFFFE000  }
0x38: {  	[spmem:s10] =	stream.linear.scatter [tilespmem:s22], [sflag:$0x3], $0x2000, $0x38;
	[tilespmem:$0x1E590] =	vst v63  }
0x39: {  	_ =	swait.ge [sflag:s19], $0x2000  }
0x3a: {  	[sflag:s19] =	ssyncset.done $0x0  }
0x3b: {  	[sflag:s19] =	ssyncadd.s32 $0xFFFFE000  }
0x3c: {  	[spmem:s11] =	stream.linear.scatter [tilespmem:s22], [sflag:$0x3], $0x2000, $0x38;
	[tilespmem:$0x1E590] =	vst v63  }
0x3d: {  	_ =	swait.ge [sflag:s19], $0x2000  }
0x3e: {  	[sflag:s19] =	ssyncset.done $0x0  }
0x3f: {  	[sflag:s19] =	ssyncadd.s32 $0xFFFFE000  }
0x40: {  	[spmem:s12] =	stream.linear.scatter [tilespmem:s22], [sflag:$0x3], $0x2000, $0x38;
	[tilespmem:$0x1E590] =	vst v63  }
0x41: {  	_ =	swait.ge [sflag:s19], $0x2000  }
0x42: {  	[sflag:s19] =	ssyncset.done $0x0  }
0x43: {  	[sflag:s19] =	ssyncadd.s32 $0xFFFFE000  }
0x44: {  	[spmem:s13] =	stream.linear.scatter [tilespmem:s22], [sflag:$0x3], $0x2000, $0x38;
	[tilespmem:$0x1E590] =	vst v63  }
0x45: {  	_ =	swait.ge [sflag:s19], $0x2000  }
0x46: {  	[sflag:s19] =	ssyncset.done $0x0  }
0x47: {  	[sflag:s19] =	ssyncadd.s32 $0xFFFFE000  }
0x48: {  	[spmem:s14] =	stream.linear.scatter [tilespmem:s22], [sflag:$0x3], $0x2000, $0x38;
	[tilespmem:$0x1E590] =	vst v63  }
0x49: {  	_ =	swait.ge [sflag:s19], $0x2000  }
0x4a: {  	[sflag:s19] =	ssyncset.done $0x0  }
0x4b: {  	[sflag:s19] =	ssyncadd.s32 $0xFFFFE000  }
0x4c: {  	[spmem:s15] =	stream.linear.scatter [tilespmem:s22], [sflag:$0x3], $0x2000, $0x38;
	[tilespmem:$0x1E590] =	vst v63  }
0x4d: {  	_ =	swait.ge [sflag:s19], $0x2000  }
0x4e: {  	[sflag:s19] =	ssyncset.done $0x0  }
0x4f: {  	s20 =	simm.s32 $0x80;
	[sflag:s19] =	ssyncadd.s32 $0xFFFFE000  }
0x50: {  	[tilespmem:s22], [sflag:$0x1] =	stream.indirect.gather [hbm4b:s1+s20], $0x40, s8, s20, $0xb8;
	[tilespmem:$0x1E590] =	vst v63  }
0x51: {  	s23 =	simm.s32 $0x10280  }
0x52: {  	[tilespmem:s24], [sflag:$0x2] =	stream.indirect.gather [hbm4b:s1+s20], $0x40, s23, s20, $0xb8;
	[tilespmem:$0x1E590] =	vst v63  }
0x53: {  	s21 =	simm.s32 $0x0;
	s23 =	simm.s32 $0x0;
	[bflag:$0x0] =	sbarrier.arrive $0xFFFF  }
.LBB2_4:
0x54: {  	s2 =	sadd.s32 $0x0, s21  }
0x55: {  	v25 =	vmov s2  }
0x56: {  	v25 =	vadd.s32 $0x10, v25  }
0x57: {  	v25 =	vbroadcast v25, $0x0;
	_ =	sdelay $0x1  }
0x58: {  	_ =	swait.ge [sflag:s25], $0x2000  }
0x59: {  	[sflag:s25] =	ssyncset.done $0x0  }
0x5a: {  	s2 =	simm.s32 $0x16530;
	[sflag:s25] =	ssyncadd.s32 $0xFFFFE000  }
0x5b: {  	v28 =	vld [tilespmem:s2+$0x10]  }
0x5c: {  	v26 =	vld.idx.msk [tilespmem:v25+s26+$0x0], $0xffff;
	_ =	sdelay $0x1  }
0x5d: {  	v27 =	vld [tilespmem:s2+$0xFFFFFFF0]  }
0x5e: {  	v30 =	vld [tilespmem:s2+$0x0]  }
0x5f: {  	s5 =	sadd.s32 $0x1, s21  }
0x60: {  	v25 =	vmov s5;
	v29 =	vmul.f32 v28, v26;
	v28 =	vld [tilespmem:s2+$0xFFFFFFE0]  }
0x61: {  	v25 =	vadd.s32 $0x10, v25  }
0x62: {  	v25 =	vbroadcast v25, $0x0  }
0x63: {  	s6 =	simm.s32 $0x2;
	s5 =	simm.s32 $0x16530;
	v27 =	vmul.f32 v27, v26;
	v30 =	vmul.f32 v30, v26  }
.LBB2_5:
0x64: {  	p0 =	sne.s32 s6, $0x7F  }
0x65: {  	v26 =	vmul.f32 v28, v26;
	[tilespmem:s2+$0x10] =	vst v29;
	s5 =	sadd.s32 $0x40, s5;
	s8 =	smov.u32 s6;
	s6 =	sadd.s32 $0x1, s6  }
0x66: {  	[tilespmem:s2+$0x0] =	vst v30  }
0x67: {  	[tilespmem:s2+$0xFFFFFFE0] =	vst v26  }
0x68: {  	v30 =	vld [tilespmem:s5+$0xFFFFFFF0];
	[tilespmem:s2+$0xFFFFFFF0] =	vst v27;
	s2 =	smov.u32 s5  }
0x69: {  	v26 =	vld.idx.msk [tilespmem:v25+s26+$0x0], $0xffff  }
0x6a: {  	v27 =	vld [tilespmem:s5+$0x10]  }
0x6b: {  	v31 =	vld [tilespmem:s5+$0x0]  }
.Ltmp3:
0x6c: {  	s8 =	sadd.s32 s8, s21;
	v28 =	vld [tilespmem:s5+$0xFFFFFFE0];
	(pc) =	sbr.rel @p0 .LBB2_5-.Ltmp3, $4  }
0x6d: {  	v25 =	vmov s8  }
0x6e: {  	v25 =	vadd.s32 $0x10, v25  }
0x6f: {  	v25 =	vbroadcast v25, $0x0;
	v29 =	vmul.f32 v27, v26  }
0x70: {  	v27 =	vmul.f32 v30, v26;
	v30 =	vmul.f32 v31, v26  }
0x71: {  	v26 =	vmul.f32 v28, v26;
	[tilespmem:s2+$0x10] =	vst v29  }
0x72: {  	[tilespmem:s2+$0x0] =	vst v30  }
0x73: {  	s6 =	sadd.s32 $0x40, s5;
	[tilespmem:s2+$0xFFFFFFE0] =	vst v26  }
0x74: {  	v26 =	vld [tilespmem:s6+$0xFFFFFFF0];
	[tilespmem:s2+$0xFFFFFFF0] =	vst v27  }
0x75: {  	v25 =	vld.idx.msk [tilespmem:v25+s26+$0x0], $0xffff  }
0x76: {  	v27 =	vld [tilespmem:s6+$0x10]  }
0x77: {  	v28 =	vld [tilespmem:s6+$0x0]  }
0x78: {  	v29 =	vld [tilespmem:s6+$0xFFFFFFE0];
	_ =	sdelay $0x2  }
0x79: {  	v27 =	vmul.f32 v27, v25  }
0x7a: {  	v28 =	vmul.f32 v28, v25  }
0x7b: {  	v29 =	vmul.f32 v29, v25;
	[tilespmem:s6+$0x10] =	vst v27  }
0x7c: {  	v25 =	vmul.f32 v26, v25;
	[tilespmem:s6+$0x0] =	vst v28  }
0x7d: {  	s5 =	sshll.u32 s23, $0xA;
	[tilespmem:s6+$0xFFFFFFE0] =	vst v29  }
0x7e: {  	s2 =	sshrl.u32 s5, $0x2;
	[tilespmem:s6+$0xFFFFFFF0] =	vst v25  }
0x7f: {  	v33 =	vld [tilespmem:s2+$0x12300]  }
0x80: {  	v31 =	vld [tilespmem:s2+$0x12310]  }
0x81: {  	v30 =	vld [tilespmem:s2+$0x12320]  }
0x82: {  	v25 =	vld [tilespmem:s2+$0x12330]  }
0x83: {  	v26 =	vld [tilespmem:s2+$0x12340]  }
0x84: {  	v27 =	vld [tilespmem:s2+$0x12350]  }
0x85: {  	v28 =	vld [tilespmem:s2+$0x12360]  }
0x86: {  	v29 =	vld [tilespmem:s2+$0x12370]  }
0x87: {  	[tilespmem:v33+s28+$0x0] =	vst.idx.msk $0xffff, v0  }
0x88: {  	[tilespmem:v31+s28+$0x0] =	vst.idx.msk $0xffff, v2  }
0x89: {  	[tilespmem:v30+s28+$0x0] =	vst.idx.msk $0xffff, v3  }
0x8a: {  	[tilespmem:v25+s28+$0x0] =	vst.idx.msk $0xffff, v4  }
0x8b: {  	[tilespmem:v26+s28+$0x0] =	vst.idx.msk $0xffff, v5  }
0x8c: {  	[tilespmem:v27+s28+$0x0] =	vst.idx.msk $0xffff, v6  }
0x8d: {  	[tilespmem:v28+s28+$0x0] =	vst.idx.msk $0xffff, v7  }
0x8e: {  	[tilespmem:v29+s28+$0x0] =	vst.idx.msk $0xffff, v8  }
0x8f: {  	v32 =	vld.idx.msk [tilespmem:v33+s28+$0x0], $0xffff;
	_ =	sdelay $0x4  }
0x90: {  	vm0 =	vne.s32 v32, v0  }
0x91: {  	v34 =	vsel vm0, $0x3F800000, v1  }
0x92: {  	(xrf0) =	vmax.scan.msk.f32 $0xffff, v34;
	_ =	sdelay $0x5  }
0x93: {  	v34, _, _ =	vpop (xrf0)  }
0x94: {  	(v2sf) =	vpush v34, $0xF;
	_ =	sdelay $0xe  }
0x95: {  	s18 =	spop (v2sf)  }
0x96: {  	p0 =	sgt.f32 s18, $0.0e+00  }
.Ltmp4:
0x97: {  	_ = 	snop;
	(pc) =	sbr.rel @!p0 .LBB2_8-.Ltmp4, $3  }
0x98: {  	_ =	sdelay $0x1  }
0x99: {  	v33 =	vsel vm0, v9, v33  }
0x9a: {  	[tilespmem:$0x1A510] =	vst v33  }
.LBB2_7:
0x9b: {  	v33 =	vmctz.xlane vm0;
	_ =	sdelay $0x1  }
0x9c: {  	v34 =	vperm.xlane v32, v33  }
0x9d: {  	v36 =	vshll.u32 v33, $0x6  }
0x9e: {  	v37 =	vor.u32 v0, v36;
	v34 =	vshll.u32 v34, $0x6  }
0x9f: {  	v35 =	vor.u32 v0, v34;
	_ =	sdelay $0x3  }
0xa0: {  	v39 =	vld.idx.msk [tilespmem:v37+s22+$0x0], $0xffff  }
0xa1: {  	v38 =	vld.idx.msk [tilespmem:v35+s22+$0x0], $0xffff;
	_ =	sdelay $0x3  }
0xa2: {  	v40 =	vor.u32 v2, v34  }
0xa3: {  	v59 =	vor.u32 v2, v36;
	v38 =	vadd.f32 v39, v38;
	_ =	sdelay $0x1  }
0xa4: {  	vm1 =	vne.s32 v33, v0;
	[tilespmem:v35+s22+$0x0] =	vst.idx.msk $0xffff, v38  }
0xa5: {  	vm0 =	vmand vm0, vm1;
	[tilespmem:v37+s22+$0x0] =	vst.idx.msk $0xffff, v1  }
0xa6: {  	v60 =	vsel vm0, $0x3F800000, v1;
	v35 =	vld.idx.msk [tilespmem:v40+s22+$0x0], $0xffff  }
0xa7: {  	(xrf0) =	vmax.scan.msk.f32 $0xffff, v60;
	v37 =	vld.idx.msk [tilespmem:v59+s22+$0x0], $0xffff;
	_ =	sdelay $0x3  }
0xa8: {  	v61 =	vor.u32 v3, v34  }
0xa9: {  	v62 =	vor.u32 v3, v36;
	v35 =	vadd.f32 v37, v35  }
0xaa: {  	v63, _, _ =	vpop (xrf0)  }
0xab: {  	(v2sf) =	vpush v63, $0xF;
	[tilespmem:v40+s22+$0x0] =	vst.idx.msk $0xffff, v35  }
0xac: {  	[tilespmem:v59+s22+$0x0] =	vst.idx.msk $0xffff, v1  }
0xad: {  	v35 =	vld.idx.msk [tilespmem:v61+s22+$0x0], $0xffff  }
0xae: {  	v39 =	vld.idx.msk [tilespmem:v62+s22+$0x0], $0xffff;
	_ =	sdelay $0x3  }
0xaf: {  	v34 =	vor.u32 v4, v34  }
0xb0: {  	v36 =	vor.u32 v4, v36;
	v35 =	vadd.f32 v39, v35;
	_ =	sdelay $0x1  }
0xb1: {  	[tilespmem:v61+s22+$0x0] =	vst.idx.msk $0xffff, v35  }
0xb2: {  	[tilespmem:v62+s22+$0x0] =	vst.idx.msk $0xffff, v1  }
0xb3: {  	v33 =	vld.idx.msk [tilespmem:v34+s22+$0x0], $0xffff  }
0xb4: {  	v35 =	vld.idx.msk [tilespmem:v36+s22+$0x0], $0xffff;
	_ =	sdelay $0x1  }
0xb5: {  	s6 =	spop (v2sf)  }
0xb6: {  	p0 =	sgt.f32 s6, $0.0e+00  }
.Ltmp5:
0xb7: {  	_ = 	snop;
	(pc) =	sbr.rel @p0 .LBB2_7-.Ltmp5, $3  }
0xb8: {  	v33 =	vadd.f32 v35, v33;
	_ =	sdelay $0x1  }
0xb9: {  	[tilespmem:v34+s22+$0x0] =	vst.idx.msk $0xffff, v33  }
0xba: {  	[tilespmem:v36+s22+$0x0] =	vst.idx.msk $0xffff, v1  }
.LBB2_8:
0xbb: {  	_ =	sdelay $0x3  }
0xbc: {  	v32 =	vld.idx.msk [tilespmem:v31+s28+$0x0], $0xffff;
	_ =	sdelay $0x4  }
0xbd: {  	vm0 =	vne.s32 v32, v2  }
0xbe: {  	v33 =	vsel vm0, $0x3F800000, v1  }
0xbf: {  	(xrf0) =	vmax.scan.msk.f32 $0xffff, v33;
	_ =	sdelay $0x5  }
0xc0: {  	v33, _, _ =	vpop (xrf0)  }
0xc1: {  	(v2sf) =	vpush v33, $0xF;
	_ =	sdelay $0xe  }
0xc2: {  	s6 =	spop (v2sf)  }
0xc3: {  	p0 =	sgt.f32 s6, $0.0e+00  }
.Ltmp6:
0xc4: {  	_ = 	snop;
	(pc) =	sbr.rel @!p0 .LBB2_10-.Ltmp6, $3  }
0xc5: {  	_ =	sdelay $0x1  }
0xc6: {  	v31 =	vsel vm0, v10, v31  }
0xc7: {  	[tilespmem:$0x1A520] =	vst v31  }
.LBB2_9:
0xc8: {  	v31 =	vmctz.xlane vm0;
	_ =	sdelay $0x1  }
0xc9: {  	v33 =	vperm.xlane v32, v31  }
0xca: {  	v35 =	vshll.u32 v31, $0x6  }
0xcb: {  	v36 =	vadd.s32 v11, v35;
	v33 =	vshll.u32 v33, $0x6  }
0xcc: {  	v34 =	vor.u32 v0, v33;
	_ =	sdelay $0x3  }
0xcd: {  	v38 =	vld.idx.msk [tilespmem:v36+s22+$0x0], $0xffff  }
0xce: {  	v37 =	vld.idx.msk [tilespmem:v34+s22+$0x0], $0xffff;
	_ =	sdelay $0x3  }
0xcf: {  	v39 =	vor.u32 v2, v33  }
0xd0: {  	v61 =	vadd.s32 v12, v35;
	v37 =	vadd.f32 v38, v37;
	_ =	sdelay $0x1  }
0xd1: {  	vm1 =	vne.s32 v31, v0;
	[tilespmem:v34+s22+$0x0] =	vst.idx.msk $0xffff, v37  }
0xd2: {  	vm0 =	vmand vm0, vm1;
	[tilespmem:v36+s22+$0x0] =	vst.idx.msk $0xffff, v1  }
0xd3: {  	v31 =	vsel vm0, $0x3F800000, v1;
	v34 =	vld.idx.msk [tilespmem:v39+s22+$0x0], $0xffff  }
0xd4: {  	(xrf0) =	vmax.scan.msk.f32 $0xffff, v31;
	v36 =	vld.idx.msk [tilespmem:v61+s22+$0x0], $0xffff;
	_ =	sdelay $0x3  }
0xd5: {  	v31 =	vor.u32 v3, v33  }
0xd6: {  	v62 =	vadd.s32 v13, v35;
	v34 =	vadd.f32 v36, v34  }
0xd7: {  	v63, _, _ =	vpop (xrf0)  }
0xd8: {  	(v2sf) =	vpush v63, $0xF;
	[tilespmem:v39+s22+$0x0] =	vst.idx.msk $0xffff, v34  }
0xd9: {  	[tilespmem:v61+s22+$0x0] =	vst.idx.msk $0xffff, v1  }
0xda: {  	v34 =	vld.idx.msk [tilespmem:v31+s22+$0x0], $0xffff  }
0xdb: {  	v38 =	vld.idx.msk [tilespmem:v62+s22+$0x0], $0xffff;
	_ =	sdelay $0x3  }
0xdc: {  	v33 =	vor.u32 v4, v33  }
0xdd: {  	v35 =	vadd.s32 v14, v35;
	v34 =	vadd.f32 v38, v34;
	_ =	sdelay $0x1  }
0xde: {  	[tilespmem:v31+s22+$0x0] =	vst.idx.msk $0xffff, v34  }
0xdf: {  	[tilespmem:v62+s22+$0x0] =	vst.idx.msk $0xffff, v1  }
0xe0: {  	v31 =	vld.idx.msk [tilespmem:v33+s22+$0x0], $0xffff  }
0xe1: {  	v34 =	vld.idx.msk [tilespmem:v35+s22+$0x0], $0xffff;
	_ =	sdelay $0x1  }
0xe2: {  	s6 =	spop (v2sf)  }
0xe3: {  	p0 =	sgt.f32 s6, $0.0e+00  }
.Ltmp7:
0xe4: {  	_ = 	snop;
	(pc) =	sbr.rel @p0 .LBB2_9-.Ltmp7, $3  }
0xe5: {  	v31 =	vadd.f32 v34, v31;
	_ =	sdelay $0x1  }
0xe6: {  	[tilespmem:v33+s22+$0x0] =	vst.idx.msk $0xffff, v31  }
0xe7: {  	[tilespmem:v35+s22+$0x0] =	vst.idx.msk $0xffff, v1  }
.LBB2_10:
0xe8: {  	_ =	sdelay $0x3  }
0xe9: {  	v31 =	vld.idx.msk [tilespmem:v30+s28+$0x0], $0xffff;
	_ =	sdelay $0x4  }
0xea: {  	vm0 =	vne.s32 v31, v3  }
0xeb: {  	v32 =	vsel vm0, $0x3F800000, v1  }
0xec: {  	(xrf0) =	vmax.scan.msk.f32 $0xffff, v32;
	_ =	sdelay $0x5  }
0xed: {  	v32, _, _ =	vpop (xrf0)  }
0xee: {  	(v2sf) =	vpush v32, $0xF;
	_ =	sdelay $0xe  }
0xef: {  	s6 =	spop (v2sf)  }
0xf0: {  	p0 =	sgt.f32 s6, $0.0e+00  }
.Ltmp8:
0xf1: {  	_ = 	snop;
	(pc) =	sbr.rel @!p0 .LBB2_12-.Ltmp8, $3  }
0xf2: {  	_ =	sdelay $0x1  }
0xf3: {  	v30 =	vsel vm0, v15, v30  }
0xf4: {  	[tilespmem:$0x1A530] =	vst v30  }
.LBB2_11:
0xf5: {  	v30 =	vmctz.xlane vm0;
	_ =	sdelay $0x1  }
0xf6: {  	v32 =	vperm.xlane v31, v30  }
0xf7: {  	v34 =	vshll.u32 v30, $0x6  }
0xf8: {  	v35 =	vadd.s32 v16, v34;
	v32 =	vshll.u32 v32, $0x6  }
0xf9: {  	v33 =	vor.u32 v0, v32;
	_ =	sdelay $0x3  }
0xfa: {  	v37 =	vld.idx.msk [tilespmem:v35+s22+$0x0], $0xffff  }
0xfb: {  	v36 =	vld.idx.msk [tilespmem:v33+s22+$0x0], $0xffff;
	_ =	sdelay $0x3  }
0xfc: {  	v38 =	vor.u32 v2, v32  }
0xfd: {  	v61 =	vadd.s32 v17, v34;
	v36 =	vadd.f32 v37, v36;
	_ =	sdelay $0x1  }
0xfe: {  	vm1 =	vne.s32 v30, v0;
	[tilespmem:v33+s22+$0x0] =	vst.idx.msk $0xffff, v36  }
0xff: {  	vm0 =	vmand vm0, vm1;
	[tilespmem:v35+s22+$0x0] =	vst.idx.msk $0xffff, v1  }
0x100: {  	v30 =	vsel vm0, $0x3F800000, v1;
	v33 =	vld.idx.msk [tilespmem:v38+s22+$0x0], $0xffff  }
0x101: {  	(xrf0) =	vmax.scan.msk.f32 $0xffff, v30;
	v35 =	vld.idx.msk [tilespmem:v61+s22+$0x0], $0xffff;
	_ =	sdelay $0x3  }
0x102: {  	v30 =	vor.u32 v3, v32  }
0x103: {  	v62 =	vadd.s32 v18, v34;
	v33 =	vadd.f32 v35, v33  }
0x104: {  	v63, _, _ =	vpop (xrf0)  }
0x105: {  	(v2sf) =	vpush v63, $0xF;
	[tilespmem:v38+s22+$0x0] =	vst.idx.msk $0xffff, v33  }
0x106: {  	[tilespmem:v61+s22+$0x0] =	vst.idx.msk $0xffff, v1  }
0x107: {  	v33 =	vld.idx.msk [tilespmem:v30+s22+$0x0], $0xffff  }
0x108: {  	v37 =	vld.idx.msk [tilespmem:v62+s22+$0x0], $0xffff;
	_ =	sdelay $0x3  }
0x109: {  	v32 =	vor.u32 v4, v32  }
0x10a: {  	v34 =	vadd.s32 v19, v34;
	v33 =	vadd.f32 v37, v33;
	_ =	sdelay $0x1  }
0x10b: {  	[tilespmem:v30+s22+$0x0] =	vst.idx.msk $0xffff, v33  }
0x10c: {  	[tilespmem:v62+s22+$0x0] =	vst.idx.msk $0xffff, v1  }
0x10d: {  	v30 =	vld.idx.msk [tilespmem:v32+s22+$0x0], $0xffff  }
0x10e: {  	v33 =	vld.idx.msk [tilespmem:v34+s22+$0x0], $0xffff;
	_ =	sdelay $0x1  }
0x10f: {  	s6 =	spop (v2sf)  }
0x110: {  	p0 =	sgt.f32 s6, $0.0e+00  }
.Ltmp9:
0x111: {  	_ = 	snop;
	(pc) =	sbr.rel @p0 .LBB2_11-.Ltmp9, $3  }
0x112: {  	v30 =	vadd.f32 v33, v30;
	_ =	sdelay $0x1  }
0x113: {  	[tilespmem:v32+s22+$0x0] =	vst.idx.msk $0xffff, v30  }
0x114: {  	[tilespmem:v34+s22+$0x0] =	vst.idx.msk $0xffff, v1  }
.LBB2_12:
0x115: {  	_ =	sdelay $0x3  }
0x116: {  	v30 =	vld.idx.msk [tilespmem:v25+s28+$0x0], $0xffff;
	_ =	sdelay $0x4  }
0x117: {  	vm0 =	vne.s32 v30, v4  }
0x118: {  	v31 =	vsel vm0, $0x3F800000, v1  }
0x119: {  	(xrf0) =	vmax.scan.msk.f32 $0xffff, v31;
	_ =	sdelay $0x5  }
0x11a: {  	v31, _, _ =	vpop (xrf0)  }
0x11b: {  	(v2sf) =	vpush v31, $0xF;
	_ =	sdelay $0xe  }
0x11c: {  	s6 =	spop (v2sf)  }
0x11d: {  	p0 =	sgt.f32 s6, $0.0e+00  }
.Ltmp10:
0x11e: {  	_ = 	snop;
	(pc) =	sbr.rel @!p0 .LBB2_14-.Ltmp10, $3  }
0x11f: {  	_ =	sdelay $0x1  }
0x120: {  	v25 =	vsel vm0, v20, v25  }
0x121: {  	[tilespmem:$0x1A540] =	vst v25  }
.LBB2_13:
0x122: {  	v25 =	vmctz.xlane vm0;
	_ =	sdelay $0x1  }
0x123: {  	v31 =	vperm.xlane v30, v25  }
0x124: {  	v33 =	vshll.u32 v25, $0x6  }
0x125: {  	v34 =	vadd.s32 v21, v33;
	v31 =	vshll.u32 v31, $0x6  }
0x126: {  	v32 =	vor.u32 v0, v31;
	_ =	sdelay $0x3  }
0x127: {  	v36 =	vld.idx.msk [tilespmem:v34+s22+$0x0], $0xffff  }
0x128: {  	v35 =	vld.idx.msk [tilespmem:v32+s22+$0x0], $0xffff;
	_ =	sdelay $0x3  }
0x129: {  	v37 =	vor.u32 v2, v31  }
0x12a: {  	v61 =	vadd.s32 v22, v33;
	v35 =	vadd.f32 v36, v35;
	_ =	sdelay $0x1  }
0x12b: {  	vm1 =	vne.s32 v25, v0;
	[tilespmem:v32+s22+$0x0] =	vst.idx.msk $0xffff, v35  }
0x12c: {  	vm0 =	vmand vm0, vm1;
	[tilespmem:v34+s22+$0x0] =	vst.idx.msk $0xffff, v1  }
0x12d: {  	v25 =	vsel vm0, $0x3F800000, v1;
	v32 =	vld.idx.msk [tilespmem:v37+s22+$0x0], $0xffff  }
0x12e: {  	(xrf0) =	vmax.scan.msk.f32 $0xffff, v25;
	v34 =	vld.idx.msk [tilespmem:v61+s22+$0x0], $0xffff;
	_ =	sdelay $0x3  }
0x12f: {  	v25 =	vor.u32 v3, v31  }
0x130: {  	v62 =	vadd.s32 v23, v33;
	v32 =	vadd.f32 v34, v32  }
0x131: {  	v63, _, _ =	vpop (xrf0)  }
0x132: {  	(v2sf) =	vpush v63, $0xF;
	[tilespmem:v37+s22+$0x0] =	vst.idx.msk $0xffff, v32  }
0x133: {  	[tilespmem:v61+s22+$0x0] =	vst.idx.msk $0xffff, v1  }
0x134: {  	v32 =	vld.idx.msk [tilespmem:v25+s22+$0x0], $0xffff  }
0x135: {  	v36 =	vld.idx.msk [tilespmem:v62+s22+$0x0], $0xffff;
	_ =	sdelay $0x3  }
0x136: {  	v31 =	vor.u32 v4, v31  }
0x137: {  	v33 =	vadd.s32 v24, v33;
	v32 =	vadd.f32 v36, v32;
	_ =	sdelay $0x1  }
0x138: {  	[tilespmem:v25+s22+$0x0] =	vst.idx.msk $0xffff, v32  }
0x139: {  	[tilespmem:v62+s22+$0x0] =	vst.idx.msk $0xffff, v1  }
0x13a: {  	v25 =	vld.idx.msk [tilespmem:v31+s22+$0x0], $0xffff  }
0x13b: {  	v32 =	vld.idx.msk [tilespmem:v33+s22+$0x0], $0xffff;
	_ =	sdelay $0x1  }
0x13c: {  	s6 =	spop (v2sf)  }
0x13d: {  	p0 =	sgt.f32 s6, $0.0e+00  }
.Ltmp11:
0x13e: {  	_ = 	snop;
	(pc) =	sbr.rel @p0 .LBB2_13-.Ltmp11, $3  }
0x13f: {  	v25 =	vadd.f32 v32, v25;
	_ =	sdelay $0x1  }
0x140: {  	[tilespmem:v31+s22+$0x0] =	vst.idx.msk $0xffff, v25  }
0x141: {  	[tilespmem:v33+s22+$0x0] =	vst.idx.msk $0xffff, v1  }
.LBB2_14:
0x142: {  	_ =	sdelay $0x3  }
0x143: {  	v30 =	vld.idx.msk [tilespmem:v26+s28+$0x0], $0xffff;
	_ =	sdelay $0x4  }
0x144: {  	vm0 =	vne.s32 v30, v5  }
0x145: {  	v25 =	vsel vm0, $0x3F800000, v1  }
0x146: {  	(xrf0) =	vmax.scan.msk.f32 $0xffff, v25;
	_ =	sdelay $0x5  }
0x147: {  	v25, _, _ =	vpop (xrf0)  }
0x148: {  	(v2sf) =	vpush v25, $0xF;
	_ =	sdelay $0xe  }
0x149: {  	s6 =	spop (v2sf)  }
0x14a: {  	p0 =	sgt.f32 s6, $0.0e+00  }
.Ltmp12:
0x14b: {  	_ = 	snop;
	(pc) =	sbr.rel @!p0 .LBB2_16-.Ltmp12, $4  }
0x14c: {  	_ = 	snop  }
0x14d: {  	v25 =	vor.u32 $0x4040, v0  }
0x14e: {  	v26 =	vsel vm0, v25, v26  }
0x14f: {  	[tilespmem:$0x1A550] =	vst v26  }
.LBB2_15:
0x150: {  	v26 =	vmctz.xlane vm0;
	_ =	sdelay $0x1  }
0x151: {  	v31 =	vperm.xlane v30, v26  }
0x152: {  	v34 =	vor.u32 $0x1000, v0;
	v33 =	vshll.u32 v26, $0x6  }
0x153: {  	v34 =	vadd.s32 v34, v33;
	v31 =	vshll.u32 v31, $0x6  }
0x154: {  	v32 =	vor.u32 v0, v31;
	_ =	sdelay $0x3  }
0x155: {  	v36 =	vld.idx.msk [tilespmem:v34+s22+$0x0], $0xffff  }
0x156: {  	v35 =	vld.idx.msk [tilespmem:v32+s22+$0x0], $0xffff;
	_ =	sdelay $0x3  }
0x157: {  	v38 =	vor.u32 $0x1010, v0;
	v37 =	vor.u32 v2, v31  }
0x158: {  	v59 =	vadd.s32 v38, v33;
	v35 =	vadd.f32 v36, v35;
	_ =	sdelay $0x1  }
0x159: {  	vm1 =	vne.s32 v26, v0;
	[tilespmem:v32+s22+$0x0] =	vst.idx.msk $0xffff, v35  }
0x15a: {  	vm0 =	vmand vm0, vm1;
	[tilespmem:v34+s22+$0x0] =	vst.idx.msk $0xffff, v1  }
0x15b: {  	v26 =	vsel vm0, $0x3F800000, v1;
	v32 =	vld.idx.msk [tilespmem:v37+s22+$0x0], $0xffff  }
0x15c: {  	(xrf0) =	vmax.scan.msk.f32 $0xffff, v26;
	v34 =	vld.idx.msk [tilespmem:v59+s22+$0x0], $0xffff;
	_ =	sdelay $0x3  }
0x15d: {  	v60 =	vor.u32 $0x1020, v0;
	v26 =	vor.u32 v3, v31  }
0x15e: {  	v61 =	vadd.s32 v60, v33;
	v32 =	vadd.f32 v34, v32  }
0x15f: {  	v62, _, _ =	vpop (xrf0)  }
0x160: {  	(v2sf) =	vpush v62, $0xF;
	[tilespmem:v37+s22+$0x0] =	vst.idx.msk $0xffff, v32  }
0x161: {  	[tilespmem:v59+s22+$0x0] =	vst.idx.msk $0xffff, v1  }
0x162: {  	v32 =	vld.idx.msk [tilespmem:v26+s22+$0x0], $0xffff  }
0x163: {  	v36 =	vld.idx.msk [tilespmem:v61+s22+$0x0], $0xffff;
	_ =	sdelay $0x3  }
0x164: {  	v63 =	vor.u32 $0x1030, v0;
	v31 =	vor.u32 v4, v31  }
0x165: {  	v33 =	vadd.s32 v63, v33;
	v32 =	vadd.f32 v36, v32;
	_ =	sdelay $0x1  }
0x166: {  	[tilespmem:v26+s22+$0x0] =	vst.idx.msk $0xffff, v32  }
0x167: {  	[tilespmem:v61+s22+$0x0] =	vst.idx.msk $0xffff, v1  }
0x168: {  	v26 =	vld.idx.msk [tilespmem:v31+s22+$0x0], $0xffff  }
0x169: {  	v32 =	vld.idx.msk [tilespmem:v33+s22+$0x0], $0xffff;
	_ =	sdelay $0x1  }
0x16a: {  	s6 =	spop (v2sf)  }
0x16b: {  	p0 =	sgt.f32 s6, $0.0e+00  }
.Ltmp13:
0x16c: {  	_ = 	snop;
	(pc) =	sbr.rel @p0 .LBB2_15-.Ltmp13, $3  }
0x16d: {  	v26 =	vadd.f32 v32, v26;
	_ =	sdelay $0x1  }
0x16e: {  	[tilespmem:v31+s22+$0x0] =	vst.idx.msk $0xffff, v26  }
0x16f: {  	[tilespmem:v33+s22+$0x0] =	vst.idx.msk $0xffff, v1  }
.LBB2_16:
0x170: {  	_ =	sdelay $0x3  }
0x171: {  	v30 =	vld.idx.msk [tilespmem:v27+s28+$0x0], $0xffff;
	_ =	sdelay $0x4  }
0x172: {  	vm0 =	vne.s32 v30, v6  }
0x173: {  	v26 =	vsel vm0, $0x3F800000, v1  }
0x174: {  	(xrf0) =	vmax.scan.msk.f32 $0xffff, v26;
	_ =	sdelay $0x5  }
0x175: {  	v26, _, _ =	vpop (xrf0)  }
0x176: {  	(v2sf) =	vpush v26, $0xF;
	_ =	sdelay $0xe  }
0x177: {  	s6 =	spop (v2sf)  }
0x178: {  	p0 =	sgt.f32 s6, $0.0e+00  }
.Ltmp14:
0x179: {  	_ = 	snop;
	(pc) =	sbr.rel @!p0 .LBB2_18-.Ltmp14, $4  }
0x17a: {  	_ = 	snop  }
0x17b: {  	v26 =	vor.u32 $0x4050, v0  }
0x17c: {  	v27 =	vsel vm0, v26, v27  }
0x17d: {  	[tilespmem:$0x1A560] =	vst v27  }
.LBB2_17:
0x17e: {  	v27 =	vmctz.xlane vm0;
	_ =	sdelay $0x1  }
0x17f: {  	v31 =	vperm.xlane v30, v27  }
0x180: {  	v34 =	vor.u32 $0x1400, v0;
	v33 =	vshll.u32 v27, $0x6  }
0x181: {  	v34 =	vadd.s32 v34, v33;
	v31 =	vshll.u32 v31, $0x6  }
0x182: {  	v32 =	vor.u32 v0, v31;
	_ =	sdelay $0x3  }
0x183: {  	v36 =	vld.idx.msk [tilespmem:v34+s22+$0x0], $0xffff  }
0x184: {  	v35 =	vld.idx.msk [tilespmem:v32+s22+$0x0], $0xffff;
	_ =	sdelay $0x3  }
0x185: {  	v38 =	vor.u32 $0x1410, v0;
	v37 =	vor.u32 v2, v31  }
0x186: {  	v59 =	vadd.s32 v38, v33;
	v35 =	vadd.f32 v36, v35;
	_ =	sdelay $0x1  }
0x187: {  	vm1 =	vne.s32 v27, v0;
	[tilespmem:v32+s22+$0x0] =	vst.idx.msk $0xffff, v35  }
0x188: {  	vm0 =	vmand vm0, vm1;
	[tilespmem:v34+s22+$0x0] =	vst.idx.msk $0xffff, v1  }
0x189: {  	v27 =	vsel vm0, $0x3F800000, v1;
	v32 =	vld.idx.msk [tilespmem:v37+s22+$0x0], $0xffff  }
0x18a: {  	(xrf0) =	vmax.scan.msk.f32 $0xffff, v27;
	v34 =	vld.idx.msk [tilespmem:v59+s22+$0x0], $0xffff;
	_ =	sdelay $0x3  }
0x18b: {  	v60 =	vor.u32 $0x1420, v0;
	v27 =	vor.u32 v3, v31  }
0x18c: {  	v61 =	vadd.s32 v60, v33;
	v32 =	vadd.f32 v34, v32  }
0x18d: {  	v62, _, _ =	vpop (xrf0)  }
0x18e: {  	(v2sf) =	vpush v62, $0xF;
	[tilespmem:v37+s22+$0x0] =	vst.idx.msk $0xffff, v32  }
0x18f: {  	[tilespmem:v59+s22+$0x0] =	vst.idx.msk $0xffff, v1  }
0x190: {  	v32 =	vld.idx.msk [tilespmem:v27+s22+$0x0], $0xffff  }
0x191: {  	v36 =	vld.idx.msk [tilespmem:v61+s22+$0x0], $0xffff;
	_ =	sdelay $0x3  }
0x192: {  	v63 =	vor.u32 $0x1430, v0;
	v31 =	vor.u32 v4, v31  }
0x193: {  	v33 =	vadd.s32 v63, v33;
	v32 =	vadd.f32 v36, v32;
	_ =	sdelay $0x1  }
0x194: {  	[tilespmem:v27+s22+$0x0] =	vst.idx.msk $0xffff, v32  }
0x195: {  	[tilespmem:v61+s22+$0x0] =	vst.idx.msk $0xffff, v1  }
0x196: {  	v27 =	vld.idx.msk [tilespmem:v31+s22+$0x0], $0xffff  }
0x197: {  	v32 =	vld.idx.msk [tilespmem:v33+s22+$0x0], $0xffff;
	_ =	sdelay $0x1  }
0x198: {  	s6 =	spop (v2sf)  }
0x199: {  	p0 =	sgt.f32 s6, $0.0e+00  }
.Ltmp15:
0x19a: {  	_ = 	snop;
	(pc) =	sbr.rel @p0 .LBB2_17-.Ltmp15, $3  }
0x19b: {  	v27 =	vadd.f32 v32, v27;
	_ =	sdelay $0x1  }
0x19c: {  	[tilespmem:v31+s22+$0x0] =	vst.idx.msk $0xffff, v27  }
0x19d: {  	[tilespmem:v33+s22+$0x0] =	vst.idx.msk $0xffff, v1  }
.LBB2_18:
0x19e: {  	_ =	sdelay $0x3  }
0x19f: {  	v30 =	vld.idx.msk [tilespmem:v28+s28+$0x0], $0xffff;
	_ =	sdelay $0x4  }
0x1a0: {  	vm0 =	vne.s32 v30, v7  }
0x1a1: {  	v27 =	vsel vm0, $0x3F800000, v1  }
0x1a2: {  	(xrf0) =	vmax.scan.msk.f32 $0xffff, v27;
	_ =	sdelay $0x5  }
0x1a3: {  	v27, _, _ =	vpop (xrf0)  }
0x1a4: {  	(v2sf) =	vpush v27, $0xF;
	_ =	sdelay $0xe  }
0x1a5: {  	s6 =	spop (v2sf)  }
0x1a6: {  	p0 =	sgt.f32 s6, $0.0e+00  }
.Ltmp16:
0x1a7: {  	_ = 	snop;
	(pc) =	sbr.rel @!p0 .LBB2_20-.Ltmp16, $4  }
0x1a8: {  	_ = 	snop  }
0x1a9: {  	v27 =	vor.u32 $0x4060, v0  }
0x1aa: {  	v28 =	vsel vm0, v27, v28  }
0x1ab: {  	[tilespmem:$0x1A570] =	vst v28  }
.LBB2_19:
0x1ac: {  	v28 =	vmctz.xlane vm0;
	_ =	sdelay $0x1  }
0x1ad: {  	v31 =	vperm.xlane v30, v28  }
0x1ae: {  	v34 =	vor.u32 $0x1800, v0;
	v33 =	vshll.u32 v28, $0x6  }
0x1af: {  	v34 =	vadd.s32 v34, v33;
	v31 =	vshll.u32 v31, $0x6  }
0x1b0: {  	v32 =	vor.u32 v0, v31;
	_ =	sdelay $0x3  }
0x1b1: {  	v36 =	vld.idx.msk [tilespmem:v34+s22+$0x0], $0xffff  }
0x1b2: {  	v35 =	vld.idx.msk [tilespmem:v32+s22+$0x0], $0xffff;
	_ =	sdelay $0x3  }
0x1b3: {  	v38 =	vor.u32 $0x1810, v0;
	v37 =	vor.u32 v2, v31  }
0x1b4: {  	v59 =	vadd.s32 v38, v33;
	v35 =	vadd.f32 v36, v35;
	_ =	sdelay $0x1  }
0x1b5: {  	vm1 =	vne.s32 v28, v0;
	[tilespmem:v32+s22+$0x0] =	vst.idx.msk $0xffff, v35  }
0x1b6: {  	vm0 =	vmand vm0, vm1;
	[tilespmem:v34+s22+$0x0] =	vst.idx.msk $0xffff, v1  }
0x1b7: {  	v28 =	vsel vm0, $0x3F800000, v1;
	v32 =	vld.idx.msk [tilespmem:v37+s22+$0x0], $0xffff  }
0x1b8: {  	(xrf0) =	vmax.scan.msk.f32 $0xffff, v28;
	v34 =	vld.idx.msk [tilespmem:v59+s22+$0x0], $0xffff;
	_ =	sdelay $0x3  }
0x1b9: {  	v60 =	vor.u32 $0x1820, v0;
	v28 =	vor.u32 v3, v31  }
0x1ba: {  	v61 =	vadd.s32 v60, v33;
	v32 =	vadd.f32 v34, v32  }
0x1bb: {  	v62, _, _ =	vpop (xrf0)  }
0x1bc: {  	(v2sf) =	vpush v62, $0xF;
	[tilespmem:v37+s22+$0x0] =	vst.idx.msk $0xffff, v32  }
0x1bd: {  	[tilespmem:v59+s22+$0x0] =	vst.idx.msk $0xffff, v1  }
0x1be: {  	v32 =	vld.idx.msk [tilespmem:v28+s22+$0x0], $0xffff  }
0x1bf: {  	v36 =	vld.idx.msk [tilespmem:v61+s22+$0x0], $0xffff;
	_ =	sdelay $0x3  }
0x1c0: {  	v63 =	vor.u32 $0x1830, v0;
	v31 =	vor.u32 v4, v31  }
0x1c1: {  	v33 =	vadd.s32 v63, v33;
	v32 =	vadd.f32 v36, v32;
	_ =	sdelay $0x1  }
0x1c2: {  	[tilespmem:v28+s22+$0x0] =	vst.idx.msk $0xffff, v32  }
0x1c3: {  	[tilespmem:v61+s22+$0x0] =	vst.idx.msk $0xffff, v1  }
0x1c4: {  	v28 =	vld.idx.msk [tilespmem:v31+s22+$0x0], $0xffff  }
0x1c5: {  	v32 =	vld.idx.msk [tilespmem:v33+s22+$0x0], $0xffff;
	_ =	sdelay $0x1  }
0x1c6: {  	s6 =	spop (v2sf)  }
0x1c7: {  	p0 =	sgt.f32 s6, $0.0e+00  }
.Ltmp17:
0x1c8: {  	_ = 	snop;
	(pc) =	sbr.rel @p0 .LBB2_19-.Ltmp17, $3  }
0x1c9: {  	v28 =	vadd.f32 v32, v28;
	_ =	sdelay $0x1  }
0x1ca: {  	[tilespmem:v31+s22+$0x0] =	vst.idx.msk $0xffff, v28  }
0x1cb: {  	[tilespmem:v33+s22+$0x0] =	vst.idx.msk $0xffff, v1  }
.LBB2_20:
0x1cc: {  	_ =	sdelay $0x3  }
0x1cd: {  	v30 =	vld.idx.msk [tilespmem:v29+s28+$0x0], $0xffff;
	_ =	sdelay $0x4  }
0x1ce: {  	vm0 =	vne.s32 v30, v8  }
0x1cf: {  	v28 =	vsel vm0, $0x3F800000, v1  }
0x1d0: {  	(xrf0) =	vmax.scan.msk.f32 $0xffff, v28;
	_ =	sdelay $0x5  }
0x1d1: {  	v28, _, _ =	vpop (xrf0)  }
0x1d2: {  	(v2sf) =	vpush v28, $0xF;
	_ =	sdelay $0xe  }
0x1d3: {  	s6 =	spop (v2sf)  }
0x1d4: {  	p0 =	sgt.f32 s6, $0.0e+00  }
.Ltmp18:
0x1d5: {  	_ = 	snop;
	(pc) =	sbr.rel @!p0 .LBB2_22-.Ltmp18, $4  }
0x1d6: {  	_ = 	snop  }
0x1d7: {  	v28 =	vor.u32 $0x4070, v0  }
0x1d8: {  	v29 =	vsel vm0, v28, v29  }
0x1d9: {  	[tilespmem:$0x1A580] =	vst v29  }
.LBB2_21:
0x1da: {  	v29 =	vmctz.xlane vm0;
	_ =	sdelay $0x1  }
0x1db: {  	v31 =	vperm.xlane v30, v29  }
0x1dc: {  	v34 =	vor.u32 $0x1C00, v0;
	v33 =	vshll.u32 v29, $0x6  }
0x1dd: {  	v34 =	vadd.s32 v34, v33;
	v31 =	vshll.u32 v31, $0x6  }
0x1de: {  	v32 =	vor.u32 v0, v31;
	_ =	sdelay $0x3  }
0x1df: {  	v36 =	vld.idx.msk [tilespmem:v34+s22+$0x0], $0xffff  }
0x1e0: {  	v35 =	vld.idx.msk [tilespmem:v32+s22+$0x0], $0xffff;
	_ =	sdelay $0x3  }
0x1e1: {  	v38 =	vor.u32 $0x1C10, v0;
	v37 =	vor.u32 v2, v31  }
0x1e2: {  	v59 =	vadd.s32 v38, v33;
	v35 =	vadd.f32 v36, v35;
	_ =	sdelay $0x1  }
0x1e3: {  	vm1 =	vne.s32 v29, v0;
	[tilespmem:v32+s22+$0x0] =	vst.idx.msk $0xffff, v35  }
0x1e4: {  	vm0 =	vmand vm0, vm1;
	[tilespmem:v34+s22+$0x0] =	vst.idx.msk $0xffff, v1  }
0x1e5: {  	v29 =	vsel vm0, $0x3F800000, v1;
	v32 =	vld.idx.msk [tilespmem:v37+s22+$0x0], $0xffff  }
0x1e6: {  	(xrf0) =	vmax.scan.msk.f32 $0xffff, v29;
	v34 =	vld.idx.msk [tilespmem:v59+s22+$0x0], $0xffff;
	_ =	sdelay $0x3  }
0x1e7: {  	v60 =	vor.u32 $0x1C20, v0;
	v29 =	vor.u32 v3, v31  }
0x1e8: {  	v61 =	vadd.s32 v60, v33;
	v32 =	vadd.f32 v34, v32  }
0x1e9: {  	v62, _, _ =	vpop (xrf0)  }
0x1ea: {  	(v2sf) =	vpush v62, $0xF;
	[tilespmem:v37+s22+$0x0] =	vst.idx.msk $0xffff, v32  }
0x1eb: {  	[tilespmem:v59+s22+$0x0] =	vst.idx.msk $0xffff, v1  }
0x1ec: {  	v32 =	vld.idx.msk [tilespmem:v29+s22+$0x0], $0xffff  }
0x1ed: {  	v36 =	vld.idx.msk [tilespmem:v61+s22+$0x0], $0xffff;
	_ =	sdelay $0x3  }
0x1ee: {  	v63 =	vor.u32 $0x1C30, v0;
	v31 =	vor.u32 v4, v31  }
0x1ef: {  	v33 =	vadd.s32 v63, v33;
	v32 =	vadd.f32 v36, v32;
	_ =	sdelay $0x1  }
0x1f0: {  	[tilespmem:v29+s22+$0x0] =	vst.idx.msk $0xffff, v32  }
0x1f1: {  	[tilespmem:v61+s22+$0x0] =	vst.idx.msk $0xffff, v1  }
0x1f2: {  	v29 =	vld.idx.msk [tilespmem:v31+s22+$0x0], $0xffff  }
0x1f3: {  	v32 =	vld.idx.msk [tilespmem:v33+s22+$0x0], $0xffff;
	_ =	sdelay $0x1  }
0x1f4: {  	s6 =	spop (v2sf)  }
0x1f5: {  	p0 =	sgt.f32 s6, $0.0e+00  }
.Ltmp19:
0x1f6: {  	_ = 	snop;
	(pc) =	sbr.rel @p0 .LBB2_21-.Ltmp19, $3  }
0x1f7: {  	v29 =	vadd.f32 v32, v29;
	_ =	sdelay $0x1  }
0x1f8: {  	[tilespmem:v31+s22+$0x0] =	vst.idx.msk $0xffff, v29  }
0x1f9: {  	[tilespmem:v33+s22+$0x0] =	vst.idx.msk $0xffff, v1  }
.LBB2_22:
0x1fa: {  	[spmem:s3] =	stream.indirect.scatter.add.f32 [tilespmem:s22], [sflag:$0x3], $0x40, s30, s29, $0xb8;
	[tilespmem:$0x1E590] =	vst v63  }
0x1fb: {  	s6 =	sadd.s32 $0x0, s20  }
0x1fc: {  	p0 =	seq.s32 s23, $0x20;
	_ =	swait.ge [sflag:s19], $0x2000;
	v29 =	vmov s6  }
0x1fd: {  	s5 =	sshrl.u32 @!p0 s5, $0x2;
	s6 =	simm.s32 @!p0 $0x80;
	[sflag:s19] =	ssyncset.done $0x0;
	v29 =	vadd.s32 $0x10, v29  }
0x1fe: {  	s8 =	simm.s32 @!p0 $0x16510;
	s5 =	sadd.s32 @!p0 $0x10300, s5;
	[sflag:s19] =	ssyncadd.s32 $0xFFFFE000;
	v29 =	vbroadcast v29, $0x0  }
0x1ff: {  	[tilespmem:s8], [sflag:$0x1] =	stream.indirect.gather @!p0 [hbm4b:s1+s6], $0x40, s5, s6, $0xb8;
	[tilespmem:$0x1E590] =	vst v63  }
0x200: {  	_ =	swait.ge [sflag:s31], $0x2000  }
0x201: {  	[sflag:s31] =	ssyncset.done $0x0  }
0x202: {  	s6 =	simm.s32 $0x18530;
	[sflag:s31] =	ssyncadd.s32 $0xFFFFE000  }
0x203: {  	v32 =	vld [tilespmem:s6+$0x10]  }
0x204: {  	v30 =	vld.idx.msk [tilespmem:v29+s26+$0x0], $0xffff;
	_ =	sdelay $0x1  }
0x205: {  	v31 =	vld [tilespmem:s6+$0xFFFFFFF0]  }
0x206: {  	v34 =	vld [tilespmem:s6+$0x0]  }
0x207: {  	s9 =	sadd.s32 $0x1, s20  }
0x208: {  	v29 =	vmov s9;
	v33 =	vmul.f32 v32, v30;
	v32 =	vld [tilespmem:s6+$0xFFFFFFE0]  }
0x209: {  	v29 =	vadd.s32 $0x10, v29  }
0x20a: {  	s18 =	sshll.u32 s23, $0x1;
	v29 =	vbroadcast v29, $0x0  }
0x20b: {  	s5 =	sor.u32 $0x1, s18;
	s8 =	simm.s32 $0x2;
	s18 =	simm.s32 $0x18530;
	v31 =	vmul.f32 v31, v30;
	v34 =	vmul.f32 v34, v30  }
.LBB2_23:
0x20c: {  	p1 =	sne.s32 s8, $0x7F  }
0x20d: {  	v30 =	vmul.f32 v32, v30;
	[tilespmem:s6+$0x10] =	vst v33;
	s18 =	sadd.s32 $0x40, s18;
	s9 =	smov.u32 s8;
	s8 =	sadd.s32 $0x1, s8  }
0x20e: {  	[tilespmem:s6+$0x0] =	vst v34  }
0x20f: {  	[tilespmem:s6+$0xFFFFFFE0] =	vst v30  }
0x210: {  	v34 =	vld [tilespmem:s18+$0xFFFFFFF0];
	[tilespmem:s6+$0xFFFFFFF0] =	vst v31;
	s6 =	smov.u32 s18  }
0x211: {  	v30 =	vld.idx.msk [tilespmem:v29+s26+$0x0], $0xffff  }
0x212: {  	v31 =	vld [tilespmem:s18+$0x10]  }
0x213: {  	v35 =	vld [tilespmem:s18+$0x0]  }
.Ltmp20:
0x214: {  	s9 =	sadd.s32 s9, s20;
	v32 =	vld [tilespmem:s18+$0xFFFFFFE0];
	(pc) =	sbr.rel @p1 .LBB2_23-.Ltmp20, $4  }
0x215: {  	v29 =	vmov s9  }
0x216: {  	v29 =	vadd.s32 $0x10, v29  }
0x217: {  	v29 =	vbroadcast v29, $0x0;
	v33 =	vmul.f32 v31, v30  }
0x218: {  	v31 =	vmul.f32 v34, v30;
	v34 =	vmul.f32 v35, v30  }
0x219: {  	v30 =	vmul.f32 v32, v30;
	[tilespmem:s6+$0x10] =	vst v33  }
0x21a: {  	[tilespmem:s6+$0x0] =	vst v34  }
0x21b: {  	s8 =	sadd.s32 $0x40, s18;
	[tilespmem:s6+$0xFFFFFFE0] =	vst v30  }
0x21c: {  	v30 =	vld [tilespmem:s8+$0xFFFFFFF0];
	[tilespmem:s6+$0xFFFFFFF0] =	vst v31  }
0x21d: {  	v29 =	vld.idx.msk [tilespmem:v29+s26+$0x0], $0xffff  }
0x21e: {  	v31 =	vld [tilespmem:s8+$0x10]  }
0x21f: {  	v63 =	vld [tilespmem:s8+$0x0]  }
0x220: {  	v33 =	vld [tilespmem:s8+$0xFFFFFFE0];
	_ =	sdelay $0x2  }
0x221: {  	v31 =	vmul.f32 v31, v29  }
0x222: {  	v32 =	vmul.f32 v63, v29  }
0x223: {  	v33 =	vmul.f32 v33, v29;
	[tilespmem:s8+$0x10] =	vst v31  }
0x224: {  	v29 =	vmul.f32 v30, v29;
	[tilespmem:s8+$0x0] =	vst v32  }
0x225: {  	s5 =	sshll.u32 s5, $0x7;
	[tilespmem:s8+$0xFFFFFFE0] =	vst v33  }
0x226: {  	s5 =	sand.u32 $0x3FFFFF80, s5;
	[tilespmem:s8+$0xFFFFFFF0] =	vst v29  }
0x227: {  	v37 =	vld [tilespmem:s5+$0x12300]  }
0x228: {  	v35 =	vld [tilespmem:s5+$0x12310]  }
0x229: {  	v34 =	vld [tilespmem:s5+$0x12320]  }
0x22a: {  	v33 =	vld [tilespmem:s5+$0x12330]  }
0x22b: {  	v32 =	vld [tilespmem:s5+$0x12340]  }
0x22c: {  	v31 =	vld [tilespmem:s5+$0x12350]  }
0x22d: {  	v30 =	vld [tilespmem:s5+$0x12360]  }
0x22e: {  	v29 =	vld [tilespmem:s5+$0x12370]  }
0x22f: {  	[tilespmem:v37+s28+$0x0] =	vst.idx.msk $0xffff, v0  }
0x230: {  	[tilespmem:v35+s28+$0x0] =	vst.idx.msk $0xffff, v2  }
0x231: {  	[tilespmem:v34+s28+$0x0] =	vst.idx.msk $0xffff, v3  }
0x232: {  	[tilespmem:v33+s28+$0x0] =	vst.idx.msk $0xffff, v4  }
0x233: {  	[tilespmem:v32+s28+$0x0] =	vst.idx.msk $0xffff, v5  }
0x234: {  	[tilespmem:v31+s28+$0x0] =	vst.idx.msk $0xffff, v6  }
0x235: {  	[tilespmem:v30+s28+$0x0] =	vst.idx.msk $0xffff, v7  }
0x236: {  	[tilespmem:v29+s28+$0x0] =	vst.idx.msk $0xffff, v8  }
0x237: {  	v36 =	vld.idx.msk [tilespmem:v37+s28+$0x0], $0xffff;
	_ =	sdelay $0x4  }
0x238: {  	vm0 =	vne.s32 v36, v0  }
0x239: {  	v38 =	vsel vm0, $0x3F800000, v1  }
0x23a: {  	(xrf0) =	vmax.scan.msk.f32 $0xffff, v38;
	_ =	sdelay $0x5  }
0x23b: {  	v38, _, _ =	vpop (xrf0)  }
0x23c: {  	(v2sf) =	vpush v38, $0xF;
	_ =	sdelay $0xe  }
0x23d: {  	s18 =	spop (v2sf)  }
0x23e: {  	p1 =	sgt.f32 s18, $0.0e+00  }
.Ltmp21:
0x23f: {  	_ = 	snop;
	(pc) =	sbr.rel @!p1 .LBB2_26-.Ltmp21, $3  }
0x240: {  	_ =	sdelay $0x1  }
0x241: {  	v37 =	vsel vm0, v9, v37  }
0x242: {  	[tilespmem:$0x1A510] =	vst v37  }
.LBB2_25:
0x243: {  	v37 =	vmctz.xlane vm0;
	_ =	sdelay $0x1  }
0x244: {  	v38 =	vperm.xlane v36, v37  }
0x245: {  	v40 =	vshll.u32 v37, $0x6  }
0x246: {  	v41 =	vor.u32 v0, v40;
	v38 =	vshll.u32 v38, $0x6  }
0x247: {  	v39 =	vor.u32 v0, v38;
	_ =	sdelay $0x3  }
0x248: {  	v43 =	vld.idx.msk [tilespmem:v41+s24+$0x0], $0xffff  }
0x249: {  	v42 =	vld.idx.msk [tilespmem:v39+s24+$0x0], $0xffff;
	_ =	sdelay $0x3  }
0x24a: {  	v44 =	vor.u32 v2, v38  }
0x24b: {  	v59 =	vor.u32 v2, v40;
	v42 =	vadd.f32 v43, v42;
	_ =	sdelay $0x1  }
0x24c: {  	vm1 =	vne.s32 v37, v0;
	[tilespmem:v39+s24+$0x0] =	vst.idx.msk $0xffff, v42  }
0x24d: {  	vm0 =	vmand vm0, vm1;
	[tilespmem:v41+s24+$0x0] =	vst.idx.msk $0xffff, v1  }
0x24e: {  	v60 =	vsel vm0, $0x3F800000, v1;
	v39 =	vld.idx.msk [tilespmem:v44+s24+$0x0], $0xffff  }
0x24f: {  	(xrf0) =	vmax.scan.msk.f32 $0xffff, v60;
	v41 =	vld.idx.msk [tilespmem:v59+s24+$0x0], $0xffff;
	_ =	sdelay $0x3  }
0x250: {  	v61 =	vor.u32 v3, v38  }
0x251: {  	v62 =	vor.u32 v3, v40;
	v39 =	vadd.f32 v41, v39  }
0x252: {  	v63, _, _ =	vpop (xrf0)  }
0x253: {  	(v2sf) =	vpush v63, $0xF;
	[tilespmem:v44+s24+$0x0] =	vst.idx.msk $0xffff, v39  }
0x254: {  	[tilespmem:v59+s24+$0x0] =	vst.idx.msk $0xffff, v1  }
0x255: {  	v39 =	vld.idx.msk [tilespmem:v61+s24+$0x0], $0xffff  }
0x256: {  	v43 =	vld.idx.msk [tilespmem:v62+s24+$0x0], $0xffff;
	_ =	sdelay $0x3  }
0x257: {  	v38 =	vor.u32 v4, v38  }
0x258: {  	v40 =	vor.u32 v4, v40;
	v39 =	vadd.f32 v43, v39;
	_ =	sdelay $0x1  }
0x259: {  	[tilespmem:v61+s24+$0x0] =	vst.idx.msk $0xffff, v39  }
0x25a: {  	[tilespmem:v62+s24+$0x0] =	vst.idx.msk $0xffff, v1  }
0x25b: {  	v37 =	vld.idx.msk [tilespmem:v38+s24+$0x0], $0xffff  }
0x25c: {  	v39 =	vld.idx.msk [tilespmem:v40+s24+$0x0], $0xffff;
	_ =	sdelay $0x1  }
0x25d: {  	s5 =	spop (v2sf)  }
0x25e: {  	p1 =	sgt.f32 s5, $0.0e+00  }
.Ltmp22:
0x25f: {  	_ = 	snop;
	(pc) =	sbr.rel @p1 .LBB2_25-.Ltmp22, $3  }
0x260: {  	v37 =	vadd.f32 v39, v37;
	_ =	sdelay $0x1  }
0x261: {  	[tilespmem:v38+s24+$0x0] =	vst.idx.msk $0xffff, v37  }
0x262: {  	[tilespmem:v40+s24+$0x0] =	vst.idx.msk $0xffff, v1  }
.LBB2_26:
0x263: {  	_ =	sdelay $0x3  }
0x264: {  	v36 =	vld.idx.msk [tilespmem:v35+s28+$0x0], $0xffff;
	_ =	sdelay $0x4  }
0x265: {  	vm0 =	vne.s32 v36, v2  }
0x266: {  	v37 =	vsel vm0, $0x3F800000, v1  }
0x267: {  	(xrf0) =	vmax.scan.msk.f32 $0xffff, v37;
	_ =	sdelay $0x5  }
0x268: {  	v37, _, _ =	vpop (xrf0)  }
0x269: {  	(v2sf) =	vpush v37, $0xF;
	_ =	sdelay $0xe  }
0x26a: {  	s5 =	spop (v2sf)  }
0x26b: {  	p1 =	sgt.f32 s5, $0.0e+00  }
.Ltmp23:
0x26c: {  	_ = 	snop;
	(pc) =	sbr.rel @!p1 .LBB2_28-.Ltmp23, $3  }
0x26d: {  	_ =	sdelay $0x1  }
0x26e: {  	v63 =	vsel vm0, v10, v35  }
0x26f: {  	[tilespmem:$0x1A520] =	vst v63  }
.LBB2_27:
0x270: {  	v35 =	vmctz.xlane vm0;
	_ =	sdelay $0x1  }
0x271: {  	v37 =	vperm.xlane v36, v35  }
0x272: {  	v39 =	vshll.u32 v35, $0x6  }
0x273: {  	v40 =	vadd.s32 v11, v39;
	v37 =	vshll.u32 v37, $0x6  }
0x274: {  	v38 =	vor.u32 v0, v37;
	_ =	sdelay $0x3  }
0x275: {  	v42 =	vld.idx.msk [tilespmem:v40+s24+$0x0], $0xffff  }
0x276: {  	v41 =	vld.idx.msk [tilespmem:v38+s24+$0x0], $0xffff;
	_ =	sdelay $0x3  }
0x277: {  	v43 =	vor.u32 v2, v37  }
0x278: {  	v59 =	vadd.s32 v12, v39;
	v41 =	vadd.f32 v42, v41;
	_ =	sdelay $0x1  }
0x279: {  	vm1 =	vne.s32 v35, v0;
	[tilespmem:v38+s24+$0x0] =	vst.idx.msk $0xffff, v41  }
0x27a: {  	vm0 =	vmand vm0, vm1;
	[tilespmem:v40+s24+$0x0] =	vst.idx.msk $0xffff, v1  }
0x27b: {  	v60 =	vsel vm0, $0x3F800000, v1;
	v38 =	vld.idx.msk [tilespmem:v43+s24+$0x0], $0xffff  }
0x27c: {  	(xrf0) =	vmax.scan.msk.f32 $0xffff, v60;
	v40 =	vld.idx.msk [tilespmem:v59+s24+$0x0], $0xffff;
	_ =	sdelay $0x3  }
0x27d: {  	v61 =	vor.u32 v3, v37  }
0x27e: {  	v62 =	vadd.s32 v13, v39;
	v38 =	vadd.f32 v40, v38  }
0x27f: {  	v63, _, _ =	vpop (xrf0)  }
0x280: {  	(v2sf) =	vpush v63, $0xF;
	[tilespmem:v43+s24+$0x0] =	vst.idx.msk $0xffff, v38  }
0x281: {  	[tilespmem:v59+s24+$0x0] =	vst.idx.msk $0xffff, v1  }
0x282: {  	v38 =	vld.idx.msk [tilespmem:v61+s24+$0x0], $0xffff  }
0x283: {  	v42 =	vld.idx.msk [tilespmem:v62+s24+$0x0], $0xffff;
	_ =	sdelay $0x3  }
0x284: {  	v37 =	vor.u32 v4, v37  }
0x285: {  	v39 =	vadd.s32 v14, v39;
	v38 =	vadd.f32 v42, v38;
	_ =	sdelay $0x1  }
0x286: {  	[tilespmem:v61+s24+$0x0] =	vst.idx.msk $0xffff, v38  }
0x287: {  	[tilespmem:v62+s24+$0x0] =	vst.idx.msk $0xffff, v1  }
0x288: {  	v35 =	vld.idx.msk [tilespmem:v37+s24+$0x0], $0xffff  }
0x289: {  	v38 =	vld.idx.msk [tilespmem:v39+s24+$0x0], $0xffff;
	_ =	sdelay $0x1  }
0x28a: {  	s5 =	spop (v2sf)  }
0x28b: {  	p1 =	sgt.f32 s5, $0.0e+00  }
.Ltmp24:
0x28c: {  	_ = 	snop;
	(pc) =	sbr.rel @p1 .LBB2_27-.Ltmp24, $3  }
0x28d: {  	v35 =	vadd.f32 v38, v35;
	_ =	sdelay $0x1  }
0x28e: {  	[tilespmem:v37+s24+$0x0] =	vst.idx.msk $0xffff, v35  }
0x28f: {  	[tilespmem:v39+s24+$0x0] =	vst.idx.msk $0xffff, v1  }
.LBB2_28:
0x290: {  	_ =	sdelay $0x3  }
0x291: {  	v35 =	vld.idx.msk [tilespmem:v34+s28+$0x0], $0xffff;
	_ =	sdelay $0x4  }
0x292: {  	vm0 =	vne.s32 v35, v3  }
0x293: {  	v36 =	vsel vm0, $0x3F800000, v1  }
0x294: {  	(xrf0) =	vmax.scan.msk.f32 $0xffff, v36;
	_ =	sdelay $0x5  }
0x295: {  	v36, _, _ =	vpop (xrf0)  }
0x296: {  	(v2sf) =	vpush v36, $0xF;
	_ =	sdelay $0xe  }
0x297: {  	s5 =	spop (v2sf)  }
0x298: {  	p1 =	sgt.f32 s5, $0.0e+00  }
.Ltmp25:
0x299: {  	_ = 	snop;
	(pc) =	sbr.rel @!p1 .LBB2_30-.Ltmp25, $3  }
0x29a: {  	_ =	sdelay $0x1  }
0x29b: {  	v63 =	vsel vm0, v15, v34  }
0x29c: {  	[tilespmem:$0x1A530] =	vst v63  }
.LBB2_29:
0x29d: {  	v34 =	vmctz.xlane vm0;
	_ =	sdelay $0x1  }
0x29e: {  	v36 =	vperm.xlane v35, v34  }
0x29f: {  	v38 =	vshll.u32 v34, $0x6  }
0x2a0: {  	v39 =	vadd.s32 v16, v38;
	v36 =	vshll.u32 v36, $0x6  }
0x2a1: {  	v37 =	vor.u32 v0, v36;
	_ =	sdelay $0x3  }
0x2a2: {  	v41 =	vld.idx.msk [tilespmem:v39+s24+$0x0], $0xffff  }
0x2a3: {  	v40 =	vld.idx.msk [tilespmem:v37+s24+$0x0], $0xffff;
	_ =	sdelay $0x3  }
0x2a4: {  	v42 =	vor.u32 v2, v36  }
0x2a5: {  	v59 =	vadd.s32 v17, v38;
	v40 =	vadd.f32 v41, v40;
	_ =	sdelay $0x1  }
0x2a6: {  	vm1 =	vne.s32 v34, v0;
	[tilespmem:v37+s24+$0x0] =	vst.idx.msk $0xffff, v40  }
0x2a7: {  	vm0 =	vmand vm0, vm1;
	[tilespmem:v39+s24+$0x0] =	vst.idx.msk $0xffff, v1  }
0x2a8: {  	v60 =	vsel vm0, $0x3F800000, v1;
	v37 =	vld.idx.msk [tilespmem:v42+s24+$0x0], $0xffff  }
0x2a9: {  	(xrf0) =	vmax.scan.msk.f32 $0xffff, v60;
	v39 =	vld.idx.msk [tilespmem:v59+s24+$0x0], $0xffff;
	_ =	sdelay $0x3  }
0x2aa: {  	v61 =	vor.u32 v3, v36  }
0x2ab: {  	v62 =	vadd.s32 v18, v38;
	v37 =	vadd.f32 v39, v37  }
0x2ac: {  	v63, _, _ =	vpop (xrf0)  }
0x2ad: {  	(v2sf) =	vpush v63, $0xF;
	[tilespmem:v42+s24+$0x0] =	vst.idx.msk $0xffff, v37  }
0x2ae: {  	[tilespmem:v59+s24+$0x0] =	vst.idx.msk $0xffff, v1  }
0x2af: {  	v37 =	vld.idx.msk [tilespmem:v61+s24+$0x0], $0xffff  }
0x2b0: {  	v41 =	vld.idx.msk [tilespmem:v62+s24+$0x0], $0xffff;
	_ =	sdelay $0x3  }
0x2b1: {  	v36 =	vor.u32 v4, v36  }
0x2b2: {  	v38 =	vadd.s32 v19, v38;
	v37 =	vadd.f32 v41, v37;
	_ =	sdelay $0x1  }
0x2b3: {  	[tilespmem:v61+s24+$0x0] =	vst.idx.msk $0xffff, v37  }
0x2b4: {  	[tilespmem:v62+s24+$0x0] =	vst.idx.msk $0xffff, v1  }
0x2b5: {  	v34 =	vld.idx.msk [tilespmem:v36+s24+$0x0], $0xffff  }
0x2b6: {  	v37 =	vld.idx.msk [tilespmem:v38+s24+$0x0], $0xffff;
	_ =	sdelay $0x1  }
0x2b7: {  	s5 =	spop (v2sf)  }
0x2b8: {  	p1 =	sgt.f32 s5, $0.0e+00  }
.Ltmp26:
0x2b9: {  	_ = 	snop;
	(pc) =	sbr.rel @p1 .LBB2_29-.Ltmp26, $3  }
0x2ba: {  	v34 =	vadd.f32 v37, v34;
	_ =	sdelay $0x1  }
0x2bb: {  	[tilespmem:v36+s24+$0x0] =	vst.idx.msk $0xffff, v34  }
0x2bc: {  	[tilespmem:v38+s24+$0x0] =	vst.idx.msk $0xffff, v1  }
.LBB2_30:
0x2bd: {  	_ =	sdelay $0x3  }
0x2be: {  	v34 =	vld.idx.msk [tilespmem:v33+s28+$0x0], $0xffff;
	_ =	sdelay $0x4  }
0x2bf: {  	vm0 =	vne.s32 v34, v4  }
0x2c0: {  	v35 =	vsel vm0, $0x3F800000, v1  }
0x2c1: {  	(xrf0) =	vmax.scan.msk.f32 $0xffff, v35;
	_ =	sdelay $0x5  }
0x2c2: {  	v35, _, _ =	vpop (xrf0)  }
0x2c3: {  	(v2sf) =	vpush v35, $0xF;
	_ =	sdelay $0xe  }
0x2c4: {  	s5 =	spop (v2sf)  }
0x2c5: {  	p1 =	sgt.f32 s5, $0.0e+00  }
.Ltmp27:
0x2c6: {  	_ = 	snop;
	(pc) =	sbr.rel @!p1 .LBB2_32-.Ltmp27, $3  }
0x2c7: {  	_ =	sdelay $0x1  }
0x2c8: {  	v63 =	vsel vm0, v20, v33  }
0x2c9: {  	[tilespmem:$0x1A540] =	vst v63  }
.LBB2_31:
0x2ca: {  	v33 =	vmctz.xlane vm0;
	_ =	sdelay $0x1  }
0x2cb: {  	v35 =	vperm.xlane v34, v33  }
0x2cc: {  	v37 =	vshll.u32 v33, $0x6  }
0x2cd: {  	v38 =	vadd.s32 v21, v37;
	v35 =	vshll.u32 v35, $0x6  }
0x2ce: {  	v36 =	vor.u32 v0, v35;
	_ =	sdelay $0x3  }
0x2cf: {  	v40 =	vld.idx.msk [tilespmem:v38+s24+$0x0], $0xffff  }
0x2d0: {  	v39 =	vld.idx.msk [tilespmem:v36+s24+$0x0], $0xffff;
	_ =	sdelay $0x3  }
0x2d1: {  	v41 =	vor.u32 v2, v35  }
0x2d2: {  	v59 =	vadd.s32 v22, v37;
	v39 =	vadd.f32 v40, v39;
	_ =	sdelay $0x1  }
0x2d3: {  	vm1 =	vne.s32 v33, v0;
	[tilespmem:v36+s24+$0x0] =	vst.idx.msk $0xffff, v39  }
0x2d4: {  	vm0 =	vmand vm0, vm1;
	[tilespmem:v38+s24+$0x0] =	vst.idx.msk $0xffff, v1  }
0x2d5: {  	v60 =	vsel vm0, $0x3F800000, v1;
	v36 =	vld.idx.msk [tilespmem:v41+s24+$0x0], $0xffff  }
0x2d6: {  	(xrf0) =	vmax.scan.msk.f32 $0xffff, v60;
	v38 =	vld.idx.msk [tilespmem:v59+s24+$0x0], $0xffff;
	_ =	sdelay $0x3  }
0x2d7: {  	v61 =	vor.u32 v3, v35  }
0x2d8: {  	v62 =	vadd.s32 v23, v37;
	v36 =	vadd.f32 v38, v36  }
0x2d9: {  	v63, _, _ =	vpop (xrf0)  }
0x2da: {  	(v2sf) =	vpush v63, $0xF;
	[tilespmem:v41+s24+$0x0] =	vst.idx.msk $0xffff, v36  }
0x2db: {  	[tilespmem:v59+s24+$0x0] =	vst.idx.msk $0xffff, v1  }
0x2dc: {  	v36 =	vld.idx.msk [tilespmem:v61+s24+$0x0], $0xffff  }
0x2dd: {  	v40 =	vld.idx.msk [tilespmem:v62+s24+$0x0], $0xffff;
	_ =	sdelay $0x3  }
0x2de: {  	v35 =	vor.u32 v4, v35  }
0x2df: {  	v37 =	vadd.s32 v24, v37;
	v36 =	vadd.f32 v40, v36;
	_ =	sdelay $0x1  }
0x2e0: {  	[tilespmem:v61+s24+$0x0] =	vst.idx.msk $0xffff, v36  }
0x2e1: {  	[tilespmem:v62+s24+$0x0] =	vst.idx.msk $0xffff, v1  }
0x2e2: {  	v33 =	vld.idx.msk [tilespmem:v35+s24+$0x0], $0xffff  }
0x2e3: {  	v36 =	vld.idx.msk [tilespmem:v37+s24+$0x0], $0xffff;
	_ =	sdelay $0x1  }
0x2e4: {  	s5 =	spop (v2sf)  }
0x2e5: {  	p1 =	sgt.f32 s5, $0.0e+00  }
.Ltmp28:
0x2e6: {  	_ = 	snop;
	(pc) =	sbr.rel @p1 .LBB2_31-.Ltmp28, $3  }
0x2e7: {  	v33 =	vadd.f32 v36, v33;
	_ =	sdelay $0x1  }
0x2e8: {  	[tilespmem:v35+s24+$0x0] =	vst.idx.msk $0xffff, v33  }
0x2e9: {  	[tilespmem:v37+s24+$0x0] =	vst.idx.msk $0xffff, v1  }
.LBB2_32:
0x2ea: {  	_ =	sdelay $0x3  }
0x2eb: {  	v33 =	vld.idx.msk [tilespmem:v32+s28+$0x0], $0xffff;
	_ =	sdelay $0x4  }
0x2ec: {  	vm0 =	vne.s32 v33, v5  }
0x2ed: {  	v34 =	vsel vm0, $0x3F800000, v1  }
0x2ee: {  	(xrf0) =	vmax.scan.msk.f32 $0xffff, v34;
	_ =	sdelay $0x5  }
0x2ef: {  	v34, _, _ =	vpop (xrf0)  }
0x2f0: {  	(v2sf) =	vpush v34, $0xF;
	_ =	sdelay $0xe  }
0x2f1: {  	s5 =	spop (v2sf)  }
0x2f2: {  	p1 =	sgt.f32 s5, $0.0e+00  }
.Ltmp29:
0x2f3: {  	_ = 	snop;
	(pc) =	sbr.rel @!p1 .LBB2_34-.Ltmp29, $3  }
0x2f4: {  	_ =	sdelay $0x1  }
0x2f5: {  	v25 =	vsel vm0, v25, v32  }
0x2f6: {  	[tilespmem:$0x1A550] =	vst v25  }
.LBB2_33:
0x2f7: {  	v25 =	vmctz.xlane vm0;
	_ =	sdelay $0x1  }
0x2f8: {  	v32 =	vperm.xlane v33, v25  }
0x2f9: {  	v36 =	vor.u32 $0x1000, v0;
	v35 =	vshll.u32 v25, $0x6  }
0x2fa: {  	v36 =	vadd.s32 v36, v35;
	v32 =	vshll.u32 v32, $0x6  }
0x2fb: {  	v34 =	vor.u32 v0, v32;
	_ =	sdelay $0x3  }
0x2fc: {  	v38 =	vld.idx.msk [tilespmem:v36+s24+$0x0], $0xffff  }
0x2fd: {  	v37 =	vld.idx.msk [tilespmem:v34+s24+$0x0], $0xffff;
	_ =	sdelay $0x3  }
0x2fe: {  	v40 =	vor.u32 $0x1010, v0;
	v39 =	vor.u32 v2, v32  }
0x2ff: {  	v59 =	vadd.s32 v40, v35;
	v37 =	vadd.f32 v38, v37;
	_ =	sdelay $0x1  }
0x300: {  	vm1 =	vne.s32 v25, v0;
	[tilespmem:v34+s24+$0x0] =	vst.idx.msk $0xffff, v37  }
0x301: {  	vm0 =	vmand vm0, vm1;
	[tilespmem:v36+s24+$0x0] =	vst.idx.msk $0xffff, v1  }
0x302: {  	v25 =	vsel vm0, $0x3F800000, v1;
	v34 =	vld.idx.msk [tilespmem:v39+s24+$0x0], $0xffff  }
0x303: {  	(xrf0) =	vmax.scan.msk.f32 $0xffff, v25;
	v36 =	vld.idx.msk [tilespmem:v59+s24+$0x0], $0xffff;
	_ =	sdelay $0x3  }
0x304: {  	v60 =	vor.u32 $0x1020, v0;
	v25 =	vor.u32 v3, v32  }
0x305: {  	v61 =	vadd.s32 v60, v35;
	v34 =	vadd.f32 v36, v34  }
0x306: {  	v62, _, _ =	vpop (xrf0)  }
0x307: {  	(v2sf) =	vpush v62, $0xF;
	[tilespmem:v39+s24+$0x0] =	vst.idx.msk $0xffff, v34  }
0x308: {  	[tilespmem:v59+s24+$0x0] =	vst.idx.msk $0xffff, v1  }
0x309: {  	v34 =	vld.idx.msk [tilespmem:v25+s24+$0x0], $0xffff  }
0x30a: {  	v38 =	vld.idx.msk [tilespmem:v61+s24+$0x0], $0xffff;
	_ =	sdelay $0x3  }
0x30b: {  	v63 =	vor.u32 $0x1030, v0;
	v32 =	vor.u32 v4, v32  }
0x30c: {  	v35 =	vadd.s32 v63, v35;
	v34 =	vadd.f32 v38, v34;
	_ =	sdelay $0x1  }
0x30d: {  	[tilespmem:v25+s24+$0x0] =	vst.idx.msk $0xffff, v34  }
0x30e: {  	[tilespmem:v61+s24+$0x0] =	vst.idx.msk $0xffff, v1  }
0x30f: {  	v25 =	vld.idx.msk [tilespmem:v32+s24+$0x0], $0xffff  }
0x310: {  	v34 =	vld.idx.msk [tilespmem:v35+s24+$0x0], $0xffff;
	_ =	sdelay $0x1  }
0x311: {  	s5 =	spop (v2sf)  }
0x312: {  	p1 =	sgt.f32 s5, $0.0e+00  }
.Ltmp30:
0x313: {  	_ = 	snop;
	(pc) =	sbr.rel @p1 .LBB2_33-.Ltmp30, $3  }
0x314: {  	v25 =	vadd.f32 v34, v25;
	_ =	sdelay $0x1  }
0x315: {  	[tilespmem:v32+s24+$0x0] =	vst.idx.msk $0xffff, v25  }
0x316: {  	[tilespmem:v35+s24+$0x0] =	vst.idx.msk $0xffff, v1  }
.LBB2_34:
0x317: {  	_ =	sdelay $0x3  }
0x318: {  	v25 =	vld.idx.msk [tilespmem:v31+s28+$0x0], $0xffff;
	_ =	sdelay $0x4  }
0x319: {  	vm0 =	vne.s32 v25, v6  }
0x31a: {  	v32 =	vsel vm0, $0x3F800000, v1  }
0x31b: {  	(xrf0) =	vmax.scan.msk.f32 $0xffff, v32;
	_ =	sdelay $0x5  }
0x31c: {  	v32, _, _ =	vpop (xrf0)  }
0x31d: {  	(v2sf) =	vpush v32, $0xF;
	_ =	sdelay $0xe  }
0x31e: {  	s5 =	spop (v2sf)  }
0x31f: {  	p1 =	sgt.f32 s5, $0.0e+00  }
.Ltmp31:
0x320: {  	_ = 	snop;
	(pc) =	sbr.rel @!p1 .LBB2_36-.Ltmp31, $3  }
0x321: {  	_ =	sdelay $0x1  }
0x322: {  	v26 =	vsel vm0, v26, v31  }
0x323: {  	[tilespmem:$0x1A560] =	vst v26  }
.LBB2_35:
0x324: {  	v26 =	vmctz.xlane vm0;
	_ =	sdelay $0x1  }
0x325: {  	v31 =	vperm.xlane v25, v26  }
0x326: {  	v34 =	vor.u32 $0x1400, v0;
	v33 =	vshll.u32 v26, $0x6  }
0x327: {  	v34 =	vadd.s32 v34, v33;
	v31 =	vshll.u32 v31, $0x6  }
0x328: {  	v32 =	vor.u32 v0, v31;
	_ =	sdelay $0x3  }
0x329: {  	v36 =	vld.idx.msk [tilespmem:v34+s24+$0x0], $0xffff  }
0x32a: {  	v35 =	vld.idx.msk [tilespmem:v32+s24+$0x0], $0xffff;
	_ =	sdelay $0x3  }
0x32b: {  	v38 =	vor.u32 $0x1410, v0;
	v37 =	vor.u32 v2, v31  }
0x32c: {  	v59 =	vadd.s32 v38, v33;
	v35 =	vadd.f32 v36, v35;
	_ =	sdelay $0x1  }
0x32d: {  	vm1 =	vne.s32 v26, v0;
	[tilespmem:v32+s24+$0x0] =	vst.idx.msk $0xffff, v35  }
0x32e: {  	vm0 =	vmand vm0, vm1;
	[tilespmem:v34+s24+$0x0] =	vst.idx.msk $0xffff, v1  }
0x32f: {  	v26 =	vsel vm0, $0x3F800000, v1;
	v32 =	vld.idx.msk [tilespmem:v37+s24+$0x0], $0xffff  }
0x330: {  	(xrf0) =	vmax.scan.msk.f32 $0xffff, v26;
	v34 =	vld.idx.msk [tilespmem:v59+s24+$0x0], $0xffff;
	_ =	sdelay $0x3  }
0x331: {  	v60 =	vor.u32 $0x1420, v0;
	v26 =	vor.u32 v3, v31  }
0x332: {  	v61 =	vadd.s32 v60, v33;
	v32 =	vadd.f32 v34, v32  }
0x333: {  	v62, _, _ =	vpop (xrf0)  }
0x334: {  	(v2sf) =	vpush v62, $0xF;
	[tilespmem:v37+s24+$0x0] =	vst.idx.msk $0xffff, v32  }
0x335: {  	[tilespmem:v59+s24+$0x0] =	vst.idx.msk $0xffff, v1  }
0x336: {  	v32 =	vld.idx.msk [tilespmem:v26+s24+$0x0], $0xffff  }
0x337: {  	v36 =	vld.idx.msk [tilespmem:v61+s24+$0x0], $0xffff;
	_ =	sdelay $0x3  }
0x338: {  	v63 =	vor.u32 $0x1430, v0;
	v31 =	vor.u32 v4, v31  }
0x339: {  	v33 =	vadd.s32 v63, v33;
	v32 =	vadd.f32 v36, v32;
	_ =	sdelay $0x1  }
0x33a: {  	[tilespmem:v26+s24+$0x0] =	vst.idx.msk $0xffff, v32  }
0x33b: {  	[tilespmem:v61+s24+$0x0] =	vst.idx.msk $0xffff, v1  }
0x33c: {  	v26 =	vld.idx.msk [tilespmem:v31+s24+$0x0], $0xffff  }
0x33d: {  	v32 =	vld.idx.msk [tilespmem:v33+s24+$0x0], $0xffff;
	_ =	sdelay $0x1  }
0x33e: {  	s5 =	spop (v2sf)  }
0x33f: {  	p1 =	sgt.f32 s5, $0.0e+00  }
.Ltmp32:
0x340: {  	_ = 	snop;
	(pc) =	sbr.rel @p1 .LBB2_35-.Ltmp32, $3  }
0x341: {  	v26 =	vadd.f32 v32, v26;
	_ =	sdelay $0x1  }
0x342: {  	[tilespmem:v31+s24+$0x0] =	vst.idx.msk $0xffff, v26  }
0x343: {  	[tilespmem:v33+s24+$0x0] =	vst.idx.msk $0xffff, v1  }
.LBB2_36:
0x344: {  	_ =	sdelay $0x3  }
0x345: {  	v25 =	vld.idx.msk [tilespmem:v30+s28+$0x0], $0xffff;
	_ =	sdelay $0x4  }
0x346: {  	vm0 =	vne.s32 v25, v7  }
0x347: {  	v26 =	vsel vm0, $0x3F800000, v1  }
0x348: {  	(xrf0) =	vmax.scan.msk.f32 $0xffff, v26;
	_ =	sdelay $0x5  }
0x349: {  	v26, _, _ =	vpop (xrf0)  }
0x34a: {  	(v2sf) =	vpush v26, $0xF;
	_ =	sdelay $0xe  }
0x34b: {  	s5 =	spop (v2sf)  }
0x34c: {  	p1 =	sgt.f32 s5, $0.0e+00  }
.Ltmp33:
0x34d: {  	_ = 	snop;
	(pc) =	sbr.rel @!p1 .LBB2_38-.Ltmp33, $3  }
0x34e: {  	_ =	sdelay $0x1  }
0x34f: {  	v26 =	vsel vm0, v27, v30  }
0x350: {  	[tilespmem:$0x1A570] =	vst v26  }
.LBB2_37:
0x351: {  	v26 =	vmctz.xlane vm0;
	_ =	sdelay $0x1  }
0x352: {  	v27 =	vperm.xlane v25, v26  }
0x353: {  	v32 =	vor.u32 $0x1800, v0;
	v31 =	vshll.u32 v26, $0x6  }
0x354: {  	v32 =	vadd.s32 v32, v31;
	v27 =	vshll.u32 v27, $0x6  }
0x355: {  	v30 =	vor.u32 v0, v27;
	_ =	sdelay $0x3  }
0x356: {  	v34 =	vld.idx.msk [tilespmem:v32+s24+$0x0], $0xffff  }
0x357: {  	v33 =	vld.idx.msk [tilespmem:v30+s24+$0x0], $0xffff;
	_ =	sdelay $0x3  }
0x358: {  	v36 =	vor.u32 $0x1810, v0;
	v35 =	vor.u32 v2, v27  }
0x359: {  	v59 =	vadd.s32 v36, v31;
	v33 =	vadd.f32 v34, v33;
	_ =	sdelay $0x1  }
0x35a: {  	vm1 =	vne.s32 v26, v0;
	[tilespmem:v30+s24+$0x0] =	vst.idx.msk $0xffff, v33  }
0x35b: {  	vm0 =	vmand vm0, vm1;
	[tilespmem:v32+s24+$0x0] =	vst.idx.msk $0xffff, v1  }
0x35c: {  	v26 =	vsel vm0, $0x3F800000, v1;
	v30 =	vld.idx.msk [tilespmem:v35+s24+$0x0], $0xffff  }
0x35d: {  	(xrf0) =	vmax.scan.msk.f32 $0xffff, v26;
	v32 =	vld.idx.msk [tilespmem:v59+s24+$0x0], $0xffff;
	_ =	sdelay $0x3  }
0x35e: {  	v60 =	vor.u32 $0x1820, v0;
	v26 =	vor.u32 v3, v27  }
0x35f: {  	v61 =	vadd.s32 v60, v31;
	v30 =	vadd.f32 v32, v30  }
0x360: {  	v62, _, _ =	vpop (xrf0)  }
0x361: {  	(v2sf) =	vpush v62, $0xF;
	[tilespmem:v35+s24+$0x0] =	vst.idx.msk $0xffff, v30  }
0x362: {  	[tilespmem:v59+s24+$0x0] =	vst.idx.msk $0xffff, v1  }
0x363: {  	v30 =	vld.idx.msk [tilespmem:v26+s24+$0x0], $0xffff  }
0x364: {  	v34 =	vld.idx.msk [tilespmem:v61+s24+$0x0], $0xffff;
	_ =	sdelay $0x3  }
0x365: {  	v63 =	vor.u32 $0x1830, v0;
	v27 =	vor.u32 v4, v27  }
0x366: {  	v31 =	vadd.s32 v63, v31;
	v30 =	vadd.f32 v34, v30;
	_ =	sdelay $0x1  }
0x367: {  	[tilespmem:v26+s24+$0x0] =	vst.idx.msk $0xffff, v30  }
0x368: {  	[tilespmem:v61+s24+$0x0] =	vst.idx.msk $0xffff, v1  }
0x369: {  	v26 =	vld.idx.msk [tilespmem:v27+s24+$0x0], $0xffff  }
0x36a: {  	v30 =	vld.idx.msk [tilespmem:v31+s24+$0x0], $0xffff;
	_ =	sdelay $0x1  }
0x36b: {  	s5 =	spop (v2sf)  }
0x36c: {  	p1 =	sgt.f32 s5, $0.0e+00  }
.Ltmp34:
0x36d: {  	_ = 	snop;
	(pc) =	sbr.rel @p1 .LBB2_37-.Ltmp34, $3  }
0x36e: {  	v26 =	vadd.f32 v30, v26;
	_ =	sdelay $0x1  }
0x36f: {  	[tilespmem:v27+s24+$0x0] =	vst.idx.msk $0xffff, v26  }
0x370: {  	[tilespmem:v31+s24+$0x0] =	vst.idx.msk $0xffff, v1  }
.LBB2_38:
0x371: {  	_ =	sdelay $0x3  }
0x372: {  	v25 =	vld.idx.msk [tilespmem:v29+s28+$0x0], $0xffff;
	_ =	sdelay $0x4  }
0x373: {  	vm0 =	vne.s32 v25, v8  }
0x374: {  	v26 =	vsel vm0, $0x3F800000, v1  }
0x375: {  	(xrf0) =	vmax.scan.msk.f32 $0xffff, v26;
	_ =	sdelay $0x5  }
0x376: {  	v26, _, _ =	vpop (xrf0)  }
0x377: {  	(v2sf) =	vpush v26, $0xF;
	_ =	sdelay $0xe  }
0x378: {  	s5 =	spop (v2sf)  }
0x379: {  	p1 =	sgt.f32 s5, $0.0e+00  }
.Ltmp35:
0x37a: {  	_ = 	snop;
	(pc) =	sbr.rel @!p1 .LBB2_40-.Ltmp35, $3  }
0x37b: {  	_ =	sdelay $0x1  }
0x37c: {  	v26 =	vsel vm0, v28, v29  }
0x37d: {  	[tilespmem:$0x1A580] =	vst v26  }
.LBB2_39:
0x37e: {  	v26 =	vmctz.xlane vm0;
	_ =	sdelay $0x1  }
0x37f: {  	v27 =	vperm.xlane v25, v26  }
0x380: {  	v30 =	vor.u32 $0x1C00, v0;
	v29 =	vshll.u32 v26, $0x6  }
0x381: {  	v30 =	vadd.s32 v30, v29;
	v27 =	vshll.u32 v27, $0x6  }
0x382: {  	v28 =	vor.u32 v0, v27;
	_ =	sdelay $0x3  }
0x383: {  	v32 =	vld.idx.msk [tilespmem:v30+s24+$0x0], $0xffff  }
0x384: {  	v31 =	vld.idx.msk [tilespmem:v28+s24+$0x0], $0xffff;
	_ =	sdelay $0x3  }
0x385: {  	v34 =	vor.u32 $0x1C10, v0;
	v33 =	vor.u32 v2, v27  }
0x386: {  	v59 =	vadd.s32 v34, v29;
	v31 =	vadd.f32 v32, v31;
	_ =	sdelay $0x1  }
0x387: {  	vm1 =	vne.s32 v26, v0;
	[tilespmem:v28+s24+$0x0] =	vst.idx.msk $0xffff, v31  }
0x388: {  	vm0 =	vmand vm0, vm1;
	[tilespmem:v30+s24+$0x0] =	vst.idx.msk $0xffff, v1  }
0x389: {  	v26 =	vsel vm0, $0x3F800000, v1;
	v28 =	vld.idx.msk [tilespmem:v33+s24+$0x0], $0xffff  }
0x38a: {  	(xrf0) =	vmax.scan.msk.f32 $0xffff, v26;
	v30 =	vld.idx.msk [tilespmem:v59+s24+$0x0], $0xffff;
	_ =	sdelay $0x3  }
0x38b: {  	v60 =	vor.u32 $0x1C20, v0;
	v26 =	vor.u32 v3, v27  }
0x38c: {  	v61 =	vadd.s32 v60, v29;
	v28 =	vadd.f32 v30, v28  }
0x38d: {  	v62, _, _ =	vpop (xrf0)  }
0x38e: {  	(v2sf) =	vpush v62, $0xF;
	[tilespmem:v33+s24+$0x0] =	vst.idx.msk $0xffff, v28  }
0x38f: {  	[tilespmem:v59+s24+$0x0] =	vst.idx.msk $0xffff, v1  }
0x390: {  	v28 =	vld.idx.msk [tilespmem:v26+s24+$0x0], $0xffff  }
0x391: {  	v32 =	vld.idx.msk [tilespmem:v61+s24+$0x0], $0xffff;
	_ =	sdelay $0x3  }
0x392: {  	v63 =	vor.u32 $0x1C30, v0;
	v27 =	vor.u32 v4, v27  }
0x393: {  	v29 =	vadd.s32 v63, v29;
	v28 =	vadd.f32 v32, v28;
	_ =	sdelay $0x1  }
0x394: {  	[tilespmem:v26+s24+$0x0] =	vst.idx.msk $0xffff, v28  }
0x395: {  	[tilespmem:v61+s24+$0x0] =	vst.idx.msk $0xffff, v1  }
0x396: {  	v26 =	vld.idx.msk [tilespmem:v27+s24+$0x0], $0xffff  }
0x397: {  	v28 =	vld.idx.msk [tilespmem:v29+s24+$0x0], $0xffff;
	_ =	sdelay $0x1  }
0x398: {  	s5 =	spop (v2sf)  }
0x399: {  	p1 =	sgt.f32 s5, $0.0e+00  }
.Ltmp36:
0x39a: {  	_ = 	snop;
	(pc) =	sbr.rel @p1 .LBB2_39-.Ltmp36, $3  }
0x39b: {  	v26 =	vadd.f32 v28, v26;
	_ =	sdelay $0x1  }
0x39c: {  	[tilespmem:v27+s24+$0x0] =	vst.idx.msk $0xffff, v26  }
0x39d: {  	[tilespmem:v29+s24+$0x0] =	vst.idx.msk $0xffff, v1  }
.LBB2_40:
.Ltmp37:
0x39e: {  	(pc) =	sbr.rel @p0 .LBB2_42-.Ltmp37, $4  }
0x39f: {  	[spmem:s3] =	stream.indirect.scatter.add.f32 [tilespmem:s24], [sflag:$0x3], $0x40, s30, s29, $0xb8;
	[tilespmem:$0x1E590] =	vst v63  }
0x3a0: {  	_ =	swait.ge [sflag:s19], $0x2000  }
0x3a1: {  	[sflag:s19] =	ssyncset.done $0x0  }
0x3a2: {  	[sflag:s19] =	ssyncadd.s32 $0xFFFFE000  }
.Ltmp38:
0x3a3: {  	(pc) =	sbr.rel .LBB2_4-.Ltmp38, $4  }
0x3a4: {  	_ = 	snop  }
0x3a5: {  	s2 =	sadd.s32 $0x10380, s2  }
0x3a6: {  	s23 =	sadd.s32 $0x1, s23;
	s21 =	sadd.s32 $0x100, s21;
	s20 =	sadd.s32 $0x100, s20  }
0x3a7: {  	[tilespmem:s24], [sflag:$0x2] =	stream.indirect.gather [hbm4b:s1+s29], $0x40, s2, s29, $0xb8;
	[tilespmem:$0x1E590] =	vst v63  }
.LBB2_43:
0x3a8: {  	_ =	sfence.sel $0x180000  }
0x3a9: {  	[bflag:$0x0] =	sbarrier.arrive $0xFFFF  }
0x3aa: {  	_ =	strace $0x90000047  }
0x3ab: {  	s0 =	stileid.u32;
	[bflag:$0x2] =	sbarrier.arrive $0xFFFF  }
0x3ac: {  	p0 =	sne.s32 s0, $0x0;
	s0 =	rddreg [dreg:$0x3]  }
0x3ad: {  	s0 =	sadd.s32 @!p0 $0x100000, s0  }
0x3ae: {  	[sflag:s0] =	ssyncadd.tile.s32 @!p0 $0x1;
	_ =	shalt  }
.Lfunc_end2:
_tile_overlayer_lowered:
.L_overlay_start_2:
0x3af: {  	(tag) =	ssettag $0x2  }
0x3b0: {  	s0 =	rddreg [dreg:$0x0];
	s2 =	stileid.u32  }
0x3b1: {  	s1 =	rddreg [dreg:$0x1];
	p0 =	sne.s32 s2, $0x0  }
0x3b2: {  	s3 =	rddreg [dreg:$0x2];
	[bflag:$0x3] =	sbarrier.arrive $0xFFFF;
	s2 =	simm.s32 @!p0 $0x1C03  }
0x3b3: {  	[timem:s3], [sflag:s2] =	dma.local @!p0 [hbm:s0], s1  }
0x3b4: {  	s0 =	simm.s32 @!p0 $0x3  }
0x3b5: {  	_ =	swait.ge @!p0 [sflag:s0], s1  }
0x3b6: {  	s1 =	ssub.s32 @!p0 $0x0, s1;
	[sflag:s0] =	ssyncset.done @!p0 $0x0  }
0x3b7: {  	[sflag:s0] =	ssyncadd.s32 @!p0 s1  }
0x3b8: {  	[bflag:$0x3] =	sbarrier.arrive $0xFFFF  }
0x3b9: {  	_ =	shalt  }

</sc_bundles>
